<compile_context>
chip_gen: v7x
topology: tpu7x:2x2x1
jax: 0.10.2.dev20260603
libtpu: 0.0.44.dev20260713+nightly
codegen_flags: <defaults>
</compile_context>

<pallas_src>
import functools

import jax
import jax.numpy as jnp
from jax import lax
from jax.experimental import pallas as pl
from jax.experimental.pallas import tpu as pltpu
from jax.experimental.pallas import tpu_sc as plsc

N = 10000
E = 320000
D = 128

NC = 2
NS = 16
NW = NC * NS
L = 16

EPT = 10240
E_PAD = NW * EPT

C = 64
CH = EPT // C
NB = 5
ND = 10
GL = 4
FL = 5

NPAD = 10240
RPS = NPAD // NS
RC = 128

_mesh = plsc.VectorSubcoreMesh(
    core_axis_name="c", subcore_axis_name="s", num_cores=NC, num_subcores=NS)


HR = NPAD // 128


@functools.partial(
    pl.kernel,
    out_type=jax.ShapeDtypeStruct((NC, HR, 128), jnp.float32),
    mesh=_mesh,
    compiler_params=pltpu.CompilerParams(needs_layout_passes=False),
    scratch_types=[
        pltpu.VMEM((HR, 128), jnp.float32),
        pltpu.VMEM((EPT,), jnp.int32),
        pltpu.VMEM((HR,), jnp.int32),
        pltpu.VMEM_SHARED((HR, 128), jnp.float32),
    ],
)
def _deg_kernel(dst_hbm, out_hbm, hist, didx, rowidx, acc):
    cid = lax.axis_index("c")
    sid = lax.axis_index("s")
    wid = cid * NS + sid

    zeros = jnp.zeros((L,), jnp.float32)

    def _zero(i, _):
        hist[i // (128 // L), pl.ds((i % (128 // L)) * L, L)] = zeros
        return 0

    lax.fori_loop(0, NPAD // L, _zero, 0)

    for i in range(HR // L):
        rowidx[pl.ds(i * L, L)] = lax.iota(jnp.int32, L) + (i * L)

    @pl.when(sid == 0)
    def _():
        pltpu.sync_copy(hist, acc)

    pltpu.sync_copy(dst_hbm.at[pl.ds(wid * EPT, EPT)], didx)

    ones = jnp.ones((L,), jnp.float32)

    def _accum(i, _):
        d = didx[pl.ds(i * L, L)]
        plsc.addupdate_scatter(hist, [d >> 7, d & 127], ones)
        return 0

    lax.fori_loop(0, EPT // L, _accum, 0)

    plsc.subcore_barrier()
    pltpu.sync_copy(hist, acc.at[rowidx], add=True)
    plsc.subcore_barrier()
    @pl.when(sid < HR // 8)
    def _():
        pltpu.sync_copy(acc.at[pl.ds(sid * 8, 8)],
                        out_hbm.at[cid, pl.ds(sid * 8, 8)])


@functools.partial(
    pl.kernel,
    out_type=jax.ShapeDtypeStruct((NC, NPAD, D), jnp.float32),
    mesh=_mesh,
    compiler_params=pltpu.CompilerParams(needs_layout_passes=False),
    scratch_types=[
        [pltpu.VMEM((C,), jnp.int32)] * NB,
        [pltpu.VMEM((C,), jnp.int32)] * ND,
        pltpu.VMEM((NB, C, D), jnp.float32),
        pltpu.VMEM_SHARED((NPAD, D), jnp.float32),
        [pltpu.SemaphoreType.DMA] * NB,
        [pltpu.SemaphoreType.DMA] * ND,
        [pltpu.SemaphoreType.DMA] * NB,
        [pltpu.SemaphoreType.DMA] * NB,
    ],
)
def _agg_kernel(y_hbm, src_hbm, dst_hbm, out_hbm,
                sidxs, didxs, rows, acc, fsems, dsems, gsems, ssems):
    cid = lax.axis_index("c")
    sid = lax.axis_index("s")
    wid = cid * NS + sid
    ebase = wid * EPT

    zeros = jnp.zeros((L,), jnp.float32)

    def _zero(i, _):
        rows[0, i // (D // L), pl.ds((i % (D // L)) * L, L)] = zeros
        return 0

    lax.fori_loop(0, RC * D // L, _zero, 0)
    for k in range(RPS // RC):
        pltpu.sync_copy(rows.at[0, pl.ds(0, RC)],
                        acc.at[pl.ds(sid * RPS + k * RC, RC)])
    plsc.subcore_barrier()

    def _ifetch(j, bs, bd):
        pltpu.async_copy(src_hbm.at[pl.ds(ebase + j * C, C)], sidxs[bs],
                         fsems[bs])
        pltpu.async_copy(dst_hbm.at[pl.ds(ebase + j * C, C)], didxs[bd],
                         dsems[bd])

    def _gather(j, b):
        pltpu.make_async_copy(src_hbm.at[pl.ds(0, C)], sidxs[b],
                              fsems[b]).wait()
        pltpu.async_copy(y_hbm.at[sidxs[b]], rows.at[b], gsems[b])

    for j in range(FL):
        _ifetch(j, j % NB, j % ND)
    for j in range(GL):
        _gather(j, j % NB)

    def _group(g, _):
        for b8 in range(ND):
            j = g * ND + b8
            b = b8 % NB

            pltpu.make_async_copy(y_hbm.at[sidxs[b]], rows.at[b],
                                  gsems[b]).wait()
            pltpu.make_async_copy(dst_hbm.at[pl.ds(0, C)], didxs[b8],
                                  dsems[b8]).wait()
            pltpu.async_copy(rows.at[b], acc.at[didxs[b8]], ssems[b],
                             add=True)

            @pl.when(j + FL < CH)
            def _():
                _ifetch(j + FL, b, (b8 + FL) % ND)

            jg = j + GL
            bg = (b + GL) % NB

            @pl.when(jg < CH)
            def _():
                @pl.when(jg >= NB)
                def _():
                    pltpu.make_async_copy(
                        rows.at[bg], acc.at[didxs[0]], ssems[bg]).wait()

                _gather(jg, bg)

        return 0

    lax.fori_loop(0, CH // ND, _group, 0)

    for b in range(NB):
        pltpu.make_async_copy(rows.at[b], acc.at[didxs[0]], ssems[b]).wait()

    plsc.subcore_barrier()
    for k in range(RPS // RC):
        r = sid * RPS + k * RC
        pltpu.sync_copy(acc.at[pl.ds(r, RC)], out_hbm.at[cid, pl.ds(r, RC)])


_R = 1024


def _tc1_body(x_ref, w_ref, degp_ref, y_ref):
    deg = degp_ref[0, :] + degp_ref[1, :] + 1.0
    dinv = lax.rsqrt(deg)
    xw = jnp.dot(x_ref[...], w_ref[...], preferred_element_type=jnp.float32)
    y_ref[...] = xw * dinv[:, None]


def _tc2_body(qp_ref, y_ref, degp_ref, b_ref, o_ref):
    deg = degp_ref[0, :] + degp_ref[1, :] + 1.0
    dinv = lax.rsqrt(deg)
    s = qp_ref[0] + qp_ref[1] + y_ref[...]
    o_ref[...] = s * dinv[:, None] + b_ref[...]


def kernel(x, edge_index, W, b):
    src = edge_index[0]
    dst = edge_index[1]
    pad = E_PAD - E
    ar = jnp.arange(pad, dtype=jnp.int32)
    src_p = jnp.concatenate([src, ar % N])
    dst_p = jnp.concatenate([dst, N + (ar % (NPAD - N))])

    degp = _deg_kernel(dst_p).reshape(NC, NPAD)

    y = pl.pallas_call(
        _tc1_body,
        grid=(pl.cdiv(N, _R),),
        in_specs=[
            pl.BlockSpec((_R, D), lambda i: (i, 0)),
            pl.BlockSpec((D, D), lambda i: (0, 0)),
            pl.BlockSpec((NC, _R), lambda i: (0, i)),
        ],
        out_specs=pl.BlockSpec((_R, D), lambda i: (i, 0)),
        out_shape=jax.ShapeDtypeStruct((N, D), jnp.float32),
    )(x, W, degp)

    qp = _agg_kernel(y, src_p, dst_p)

    out = pl.pallas_call(
        _tc2_body,
        grid=(pl.cdiv(N, _R),),
        in_specs=[
            pl.BlockSpec((NC, _R, D), lambda i: (0, i, 0)),
            pl.BlockSpec((_R, D), lambda i: (i, 0)),
            pl.BlockSpec((NC, _R), lambda i: (0, i)),
            pl.BlockSpec((1, D), lambda i: (0, 0)),
        ],
        out_specs=pl.BlockSpec((_R, D), lambda i: (i, 0)),
        out_shape=jax.ShapeDtypeStruct((N, D), jnp.float32),
    )(qp, y, degp, b.reshape(1, D))

    return out

# --- scband reference (transcript-rebuilt; emitter-appended) ---
"""Pipeline reference for scband-na-aggregator-55001351192999 (READ-ONLY COPY).

The authoritative reference and input builder live on the scoring server;
editing this copy changes nothing except your own understanding.
"""

import jax, jax.numpy as jnp
import numpy as np

N = 10000
E = 320000
D_IN = 128
D_OUT = 128


def setup_inputs(seed: int = 0):
    key = jax.random.key(seed)
    k1, k2, k3 = jax.random.split(key, 3)
    x = jax.random.normal(k1, (N, D_IN), dtype=jnp.float32)
    edge_index = jax.random.randint(k2, (2, E), 0, N).astype(jnp.int32)
    W = jax.random.normal(k3, (D_IN, D_OUT), dtype=jnp.float32) * (1.0 / np.sqrt(D_IN))
    b = jnp.zeros((D_OUT,), dtype=jnp.float32)
    return {"x": x, "edge_index": edge_index, "W": W, "b": b}


def gcn_forward(x, edge_index, W, b):
    # GCNConv (PyG semantics): add self-loops, symmetric normalization,
    # linear transform, scatter-add aggregation at dst, bias.
    n = x.shape[0]
    src = edge_index[0]
    dst = edge_index[1]
    loop = jnp.arange(n, dtype=src.dtype)
    src = jnp.concatenate([src, loop])
    dst = jnp.concatenate([dst, loop])
    ew = jnp.ones(src.shape[0], dtype=x.dtype)
    deg = jnp.zeros((n,), dtype=x.dtype).at[dst].add(ew)
    dinv = jnp.where(deg > 0, jax.lax.rsqrt(jnp.maximum(deg, 1e-12)), 0.0)
    norm = dinv[src] * ew * dinv[dst]
    xw = x @ W
    msg = xw[src] * norm[:, None]
    out = jnp.zeros((n, xw.shape[1]), dtype=x.dtype).at[dst].add(msg)
    return out + b


def reference(x, edge_index, W, b):
    return gcn_forward(x, edge_index, W, b)

if __name__ == "__main__":
    import jax
    _d = setup_inputs()
    print(jax.jit(kernel)(*tuple(_d.values())))

</pallas_src>

<mosaic_0001>
#map = affine_map<(d0, d1) -> (0)>
#map1 = affine_map<(d0, d1) -> (0, 0, 0)>
module attributes {stable_mosaic.version = 14 : i64} {
  func.func @_deg_kernel(%arg0: i32, %arg1: i32, %arg2: memref<327680xi32, #tpu.memory_space<hbm>>, %arg3: memref<2x80x128xf32, #tpu.memory_space<hbm>>, %arg4: memref<80x128xf32, #tpu.memory_space<vmem>>, %arg5: memref<10240xi32, #tpu.memory_space<vmem>>, %arg6: memref<80xi32, #tpu.memory_space<vmem>>, %arg7: memref<80x128xf32, #tpu.memory_space<vmem_shared>>) attributes {dimension_semantics = [#tpu.dimension_semantics<core_parallel>, #tpu.dimension_semantics<subcore_parallel>], iteration_bounds = array<i64: 2, 16>, scalar_prefetch = 0 : i64, scratch_operands = 4 : i64, tpu.core_type = #tpu.core_type<sc_vector_subcore>, window_params = [{transform_indices = #map}, {transform_indices = #map1}]} {
    %mul3A = arith.constant 16 : i32
    %mul3A_0 = arith.muli %arg0, %mul3A : i32
    %add3A = arith.addi %mul3A_0, %arg1 : i32
    %broadcast_in_dim3A = arith.constant 0.000000e+00 : f32
    %broadcast_in_dim3A_1 = vector.broadcast %broadcast_in_dim3A : f32 to vector<16xf32>
    %scan3A = arith.constant 0 : i32
    %scan3A_2 = arith.constant 0 : i32
    %scan3A_3 = arith.constant 640 : i32
    %scan3A_4 = arith.addi %scan3A_2, %scan3A_3 : i32
    %scan3A_5 = arith.constant 1 : i32
    %scan3A_6 = scf.for %scan3A_54 = %scan3A_2 to %scan3A_4 step %scan3A_5 iter_args(%scan3A_55 = %scan3A) -> (i32)  : i32 {
      %jit3A = arith.constant 8 : i32
      %div3A = arith.divsi %scan3A_54, %jit3A : i32
      %sign3A = arith.constant 0 : i32
      %sign3A_56 = arith.cmpi sgt, %scan3A_54, %sign3A : i32
      %sign3A_57 = arith.extui %sign3A_56 : i1 to i32
      %sign3A_58 = arith.constant 0 : i32
      %sign3A_59 = arith.cmpi slt, %scan3A_54, %sign3A_58 : i32
      %sign3A_60 = arith.extui %sign3A_59 : i1 to i32
      %sign3A_61 = arith.subi %sign3A_57, %sign3A_60 : i32
      %sign3A_62 = arith.constant 0 : i32
      %sign3A_63 = arith.cmpi sgt, %jit3A, %sign3A_62 : i32
      %sign3A_64 = arith.extui %sign3A_63 : i1 to i32
      %sign3A_65 = arith.constant 0 : i32
      %sign3A_66 = arith.cmpi slt, %jit3A, %sign3A_65 : i32
      %sign3A_67 = arith.extui %sign3A_66 : i1 to i32
      %sign3A_68 = arith.subi %sign3A_64, %sign3A_67 : i32
      %ne3A = arith.cmpi ne, %sign3A_61, %sign3A_68 : i32
      %rem3A = arith.remsi %scan3A_54, %jit3A : i32
      %ne3A_69 = arith.constant 0 : i32
      %ne3A_70 = arith.cmpi ne, %rem3A, %ne3A_69 : i32
      %and3A = arith.andi %ne3A, %ne3A_70 : i1
      %sub3A = arith.constant 1 : i32
      %sub3A_71 = arith.subi %div3A, %sub3A : i32
      %select_n3A = arith.select %and3A, %sub3A_71, %div3A : i32
      %jit3A_72 = arith.constant 8 : i32
      %eq3A_73 = arith.constant 0 : i32
      %eq3A_74 = arith.cmpi eq, %jit3A_72, %eq3A_73 : i32
      %jit3A_75 = arith.constant 1 : i32
      %select_n3A_76 = arith.select %eq3A_74, %jit3A_75, %jit3A_72 : i32
      %rem3A_77 = arith.remsi %scan3A_54, %select_n3A_76 : i32
      %ne3A_78 = arith.constant 0 : i32
      %ne3A_79 = arith.cmpi ne, %rem3A_77, %ne3A_78 : i32
      %lt3A_80 = arith.constant 0 : i32
      %lt3A_81 = arith.cmpi slt, %rem3A_77, %lt3A_80 : i32
      %lt3A_82 = arith.constant 0 : i32
      %lt3A_83 = arith.cmpi slt, %select_n3A_76, %lt3A_82 : i32
      %ne3A_84 = arith.xori %lt3A_81, %lt3A_83 : i1
      %and3A_85 = arith.andi %ne3A_84, %ne3A_79 : i1
      %add3A_86 = arith.addi %rem3A_77, %select_n3A_76 : i32
      %select_n3A_87 = arith.select %and3A_85, %add3A_86, %rem3A_77 : i32
      %mul3A_88 = arith.constant 16 : i32
      %mul3A_89 = arith.muli %select_n3A_87, %mul3A_88 : i32
      %swap3A_90 = arith.index_cast %select_n3A : i32 to index
      %swap3A_91 = arith.index_cast %mul3A_89 : i32 to index
      %swap3A_92 = tpu.vector_load %arg4[%swap3A_90, %swap3A_91] {strides = array<i32>} : memref<80x128xf32, #tpu.memory_space<vmem>>, vector<16xf32>,
      tpu.vector_store %arg4[%swap3A_90, %swap3A_91], %broadcast_in_dim3A_1 {strides = array<i32>} : memref<80x128xf32, #tpu.memory_space<vmem>>, vector<16xf32>,
      %scan3A_93 = arith.constant 0 : i32
      scf.yield %scan3A_93 : i32
    }
    %scan3A_7 = arith.constant 640 : i32
    %iota3A = tpu.iota {dimensions = array<i32: 0>} : vector<16xi32>
    %add3A_8 = arith.constant 0 : i32
    %add3A_9 = vector.broadcast %add3A_8 : i32 to vector<16xi32>
    %add3A_10 = arith.addi %iota3A, %add3A_9 : vector<16xi32>
    %swap3A = arith.constant 0 : index
    %swap3A_11 = tpu.vector_load %arg6[%swap3A] {strides = array<i32>} : memref<80xi32, #tpu.memory_space<vmem>>, vector<16xi32>,
    tpu.vector_store %arg6[%swap3A], %add3A_10 {strides = array<i32>} : memref<80xi32, #tpu.memory_space<vmem>>, vector<16xi32>,
    %iota3A_12 = tpu.iota {dimensions = array<i32: 0>} : vector<16xi32>
    %add3A_13 = arith.constant 16 : i32
    %add3A_14 = vector.broadcast %add3A_13 : i32 to vector<16xi32>
    %add3A_15 = arith.addi %iota3A_12, %add3A_14 : vector<16xi32>
    %swap3A_16 = arith.constant 16 : index
    %swap3A_17 = tpu.vector_load %arg6[%swap3A_16] {strides = array<i32>} : memref<80xi32, #tpu.memory_space<vmem>>, vector<16xi32>,
    tpu.vector_store %arg6[%swap3A_16], %add3A_15 {strides = array<i32>} : memref<80xi32, #tpu.memory_space<vmem>>, vector<16xi32>,
    %iota3A_18 = tpu.iota {dimensions = array<i32: 0>} : vector<16xi32>
    %add3A_19 = arith.constant 32 : i32
    %add3A_20 = vector.broadcast %add3A_19 : i32 to vector<16xi32>
    %add3A_21 = arith.addi %iota3A_18, %add3A_20 : vector<16xi32>
    %swap3A_22 = arith.constant 32 : index
    %swap3A_23 = tpu.vector_load %arg6[%swap3A_22] {strides = array<i32>} : memref<80xi32, #tpu.memory_space<vmem>>, vector<16xi32>,
    tpu.vector_store %arg6[%swap3A_22], %add3A_21 {strides = array<i32>} : memref<80xi32, #tpu.memory_space<vmem>>, vector<16xi32>,
    %iota3A_24 = tpu.iota {dimensions = array<i32: 0>} : vector<16xi32>
    %add3A_25 = arith.constant 48 : i32
    %add3A_26 = vector.broadcast %add3A_25 : i32 to vector<16xi32>
    %add3A_27 = arith.addi %iota3A_24, %add3A_26 : vector<16xi32>
    %swap3A_28 = arith.constant 48 : index
    %swap3A_29 = tpu.vector_load %arg6[%swap3A_28] {strides = array<i32>} : memref<80xi32, #tpu.memory_space<vmem>>, vector<16xi32>,
    tpu.vector_store %arg6[%swap3A_28], %add3A_27 {strides = array<i32>} : memref<80xi32, #tpu.memory_space<vmem>>, vector<16xi32>,
    %iota3A_30 = tpu.iota {dimensions = array<i32: 0>} : vector<16xi32>
    %add3A_31 = arith.constant 64 : i32
    %add3A_32 = vector.broadcast %add3A_31 : i32 to vector<16xi32>
    %add3A_33 = arith.addi %iota3A_30, %add3A_32 : vector<16xi32>
    %swap3A_34 = arith.constant 64 : index
    %swap3A_35 = tpu.vector_load %arg6[%swap3A_34] {strides = array<i32>} : memref<80xi32, #tpu.memory_space<vmem>>, vector<16xi32>,
    tpu.vector_store %arg6[%swap3A_34], %add3A_33 {strides = array<i32>} : memref<80xi32, #tpu.memory_space<vmem>>, vector<16xi32>,
    %eq3A = arith.constant 0 : i32
    %eq3A_36 = arith.cmpi eq, %arg1, %eq3A : i32
    %convert_element_type3A = arith.extui %eq3A_36 : i1 to i32
    %cond3A = arith.constant 0 : i32
    %cond3A_37 = arith.cmpi ne, %convert_element_type3A, %cond3A : i32
    scf.if %cond3A_37 {
      "tpu.region"() ({
        %run_scoped3A = tpu.sem_alloc : memref<!tpu.dma_semaphore, #tpu.memory_space<semaphore_mem>>
        tpu.enqueue_dma source(%arg4 : memref<80x128xf32, #tpu.memory_space<vmem>>) target(%arg7 : memref<80x128xf32, #tpu.memory_space<vmem_shared>>) target_semaphore(%run_scoped3A : memref<!tpu.dma_semaphore, #tpu.memory_space<semaphore_mem>>)
        tpu.wait_dma2 semaphore(%run_scoped3A : memref<!tpu.dma_semaphore, #tpu.memory_space<semaphore_mem>>) src(%arg4 : memref<80x128xf32, #tpu.memory_space<vmem>>) dst(%arg7 : memref<80x128xf32, #tpu.memory_space<vmem_shared>>)
        tpu.yield
      }) : () -> ()
    } else {
    }
    %mul3A_38 = arith.constant 10240 : i32
    %mul3A_39 = arith.muli %add3A, %mul3A_38 : i32
    "tpu.region"() ({
      %run_scoped3A = tpu.sem_alloc : memref<!tpu.dma_semaphore, #tpu.memory_space<semaphore_mem>>
      %dma_start3A = tpu.memref_slice %arg2[%mul3A_39] : memref<327680xi32, #tpu.memory_space<hbm>> -> memref<10240xi32, #tpu.memory_space<hbm>>
      %dma_start3A_54 = tpu.memref_slice %arg2[%mul3A_39] : memref<327680xi32, #tpu.memory_space<hbm>> -> memref<10240xi32, #tpu.memory_space<hbm>>
      tpu.enqueue_dma source(%dma_start3A_54 : memref<10240xi32, #tpu.memory_space<hbm>>) target(%arg5 : memref<10240xi32, #tpu.memory_space<vmem>>) target_semaphore(%run_scoped3A : memref<!tpu.dma_semaphore, #tpu.memory_space<semaphore_mem>>)
      %dma_wait3A = tpu.memref_slice %arg2[%mul3A_39] : memref<327680xi32, #tpu.memory_space<hbm>> -> memref<10240xi32, #tpu.memory_space<hbm>>
      %dma_wait3A_55 = tpu.memref_slice %arg2[%mul3A_39] : memref<327680xi32, #tpu.memory_space<hbm>> -> memref<10240xi32, #tpu.memory_space<hbm>>
      tpu.wait_dma2 semaphore(%run_scoped3A : memref<!tpu.dma_semaphore, #tpu.memory_space<semaphore_mem>>) src(%dma_wait3A_55 : memref<10240xi32, #tpu.memory_space<hbm>>) dst(%arg5 : memref<10240xi32, #tpu.memory_space<vmem>>)
      tpu.yield
    }) : () -> ()
    %broadcast_in_dim3A_40 = arith.constant 1.000000e+00 : f32
    %broadcast_in_dim3A_41 = vector.broadcast %broadcast_in_dim3A_40 : f32 to vector<16xf32>
    %scan3A_42 = arith.constant 0 : i32
    %scan3A_43 = arith.constant 0 : i32
    %scan3A_44 = arith.constant 640 : i32
    %scan3A_45 = arith.addi %scan3A_43, %scan3A_44 : i32
    %scan3A_46 = arith.constant 1 : i32
    %scan3A_47 = scf.for %scan3A_54 = %scan3A_43 to %scan3A_45 step %scan3A_46 iter_args(%scan3A_55 = %scan3A_42) -> (i32)  : i32 {
      %mul3A_56 = arith.constant 16 : i32
      %mul3A_57 = arith.muli %scan3A_54, %mul3A_56 : i32
      %get3A = arith.index_cast %mul3A_57 : i32 to index
      %get3A_58 = tpu.vector_load %arg5[%get3A] {strides = array<i32>} : memref<10240xi32, #tpu.memory_space<vmem>>, vector<16xi32>,
      %shift_right_arithmetic3A = arith.constant 7 : i32
      %shift_right_arithmetic3A_59 = vector.broadcast %shift_right_arithmetic3A : i32 to vector<16xi32>
      %shift_right_arithmetic3A_60 = arith.shrsi %get3A_58, %shift_right_arithmetic3A_59 : vector<16xi32>
      %and3A = arith.constant 127 : i32
      %and3A_61 = vector.broadcast %and3A : i32 to vector<16xi32>
      %and3A_62 = arith.andi %get3A_58, %and3A_61 : vector<16xi32>
      tpu.vector_store_idx %arg4[%shift_right_arithmetic3A_60, %and3A_62], %broadcast_in_dim3A_41 {add = true} : memref<80x128xf32, #tpu.memory_space<vmem>>[vector<16xi32>, vector<16xi32>], vector<16xf32>,
      %scan3A_63 = arith.constant 0 : i32
      scf.yield %scan3A_63 : i32
    }
    %scan3A_48 = arith.constant 640 : i32
    %barrier3A = arith.constant 0 : index
    tpu.barrier barrier_id(%barrier3A)
    "tpu.region"() ({
      %run_scoped3A = tpu.sem_alloc : memref<!tpu.dma_semaphore, #tpu.memory_space<semaphore_mem>>
      %dma_start3A = arith.constant 0 : i32
      %dma_start3A_54 = arith.constant 0 : i32
      %dma_start3A_55 = tpu.memref_slice %arg7[%dma_start3A, %dma_start3A_54] : memref<80x128xf32, #tpu.memory_space<vmem_shared>> -> memref<80x128xf32, #tpu.memory_space<vmem_shared>>
      tpu.enqueue_indirect_dma source(%arg4 : memref<80x128xf32, #tpu.memory_space<vmem>>) target(%dma_start3A_55 : memref<80x128xf32, #tpu.memory_space<vmem_shared>>) offsets(%arg6 : memref<80xi32, #tpu.memory_space<vmem>>) semaphore(%run_scoped3A : memref<!tpu.dma_semaphore, #tpu.memory_space<semaphore_mem>>) {add = true}
      %dma_wait3A = arith.constant 0 : i32
      %dma_wait3A_56 = arith.constant 0 : i32
      %dma_wait3A_57 = tpu.memref_slice %arg7[%dma_wait3A, %dma_wait3A_56] : memref<80x128xf32, #tpu.memory_space<vmem_shared>> -> memref<80x128xf32, #tpu.memory_space<vmem_shared>>
      tpu.wait_indirect_dma semaphore(%run_scoped3A : memref<!tpu.dma_semaphore, #tpu.memory_space<semaphore_mem>>) src(%arg4 : memref<80x128xf32, #tpu.memory_space<vmem>>) dst(%dma_wait3A_57 : memref<80x128xf32, #tpu.memory_space<vmem_shared>>)
      tpu.yield
    }) : () -> ()
    %barrier3A_49 = arith.constant 0 : index
    tpu.barrier barrier_id(%barrier3A_49)
    %lt3A = arith.constant 10 : i32
    %lt3A_50 = arith.cmpi slt, %arg1, %lt3A : i32
    %convert_element_type3A_51 = arith.extui %lt3A_50 : i1 to i32
    %cond3A_52 = arith.constant 0 : i32
    %cond3A_53 = arith.cmpi ne, %convert_element_type3A_51, %cond3A_52 : i32
    scf.if %cond3A_53 {
      %mul3A_54 = arith.constant 8 : i32
      %mul3A_55 = arith.muli %arg1, %mul3A_54 : i32
      %mul3A_56 = arith.constant 8 : i32
      %mul3A_57 = arith.muli %arg1, %mul3A_56 : i32
      "tpu.region"() ({
        %run_scoped3A = tpu.sem_alloc : memref<!tpu.dma_semaphore, #tpu.memory_space<semaphore_mem>>
        %dma_start3A = arith.constant 0 : i32
        %dma_start3A_58 = tpu.memref_slice %arg3[%arg0, %mul3A_57, %dma_start3A] : memref<2x80x128xf32, #tpu.memory_space<hbm>> -> memref<1x8x128xf32, #tpu.memory_space<hbm>>
        %dma_start3A_59 = tpu.memref_squeeze %dma_start3A_58 : memref<1x8x128xf32, #tpu.memory_space<hbm>> -> memref<8x128xf32, #tpu.memory_space<hbm>>
        %dma_start3A_60 = arith.constant 0 : i32
        %dma_start3A_61 = tpu.memref_slice %arg7[%mul3A_55, %dma_start3A_60] : memref<80x128xf32, #tpu.memory_space<vmem_shared>> -> memref<8x128xf32, #tpu.memory_space<vmem_shared>>
        tpu.enqueue_dma source(%dma_start3A_61 : memref<8x128xf32, #tpu.memory_space<vmem_shared>>) target(%dma_start3A_59 : memref<8x128xf32, #tpu.memory_space<hbm>>) target_semaphore(%run_scoped3A : memref<!tpu.dma_semaphore, #tpu.memory_space<semaphore_mem>>)
        %dma_wait3A = arith.constant 0 : i32
        %dma_wait3A_62 = tpu.memref_slice %arg3[%arg0, %mul3A_57, %dma_wait3A] : memref<2x80x128xf32, #tpu.memory_space<hbm>> -> memref<1x8x128xf32, #tpu.memory_space<hbm>>
        %dma_wait3A_63 = tpu.memref_squeeze %dma_wait3A_62 : memref<1x8x128xf32, #tpu.memory_space<hbm>> -> memref<8x128xf32, #tpu.memory_space<hbm>>
        %dma_wait3A_64 = arith.constant 0 : i32
        %dma_wait3A_65 = tpu.memref_slice %arg7[%mul3A_55, %dma_wait3A_64] : memref<80x128xf32, #tpu.memory_space<vmem_shared>> -> memref<8x128xf32, #tpu.memory_space<vmem_shared>>
        tpu.wait_dma2 semaphore(%run_scoped3A : memref<!tpu.dma_semaphore, #tpu.memory_space<semaphore_mem>>) src(%dma_wait3A_65 : memref<8x128xf32, #tpu.memory_space<vmem_shared>>) dst(%dma_wait3A_63 : memref<8x128xf32, #tpu.memory_space<hbm>>)
        tpu.yield
      }) : () -> ()
    } else {
    }
    return
  }
}

#map = affine_map<(d0, d1) -> (0, 0)>
#map1 = affine_map<(d0, d1) -> (0)>
#map2 = affine_map<(d0, d1) -> (0, 0, 0)>
module attributes {stable_mosaic.version = 14 : i64} {
  func.func @_agg_kernel(%arg0: i32, %arg1: i32, %arg2: memref<10000x128xf32, #tpu.memory_space<hbm>>, %arg3: memref<327680xi32, #tpu.memory_space<hbm>>, %arg4: memref<327680xi32, #tpu.memory_space<hbm>>, %arg5: memref<2x10240x128xf32, #tpu.memory_space<hbm>>, %arg6: memref<64xi32, #tpu.memory_space<vmem>>, %arg7: memref<64xi32, #tpu.memory_space<vmem>>, %arg8: memref<64xi32, #tpu.memory_space<vmem>>, %arg9: memref<64xi32, #tpu.memory_space<vmem>>, %arg10: memref<64xi32, #tpu.memory_space<vmem>>, %arg11: memref<64xi32, #tpu.memory_space<vmem>>, %arg12: memref<64xi32, #tpu.memory_space<vmem>>, %arg13: memref<64xi32, #tpu.memory_space<vmem>>, %arg14: memref<64xi32, #tpu.memory_space<vmem>>, %arg15: memref<64xi32, #tpu.memory_space<vmem>>, %arg16: memref<64xi32, #tpu.memory_space<vmem>>, %arg17: memref<64xi32, #tpu.memory_space<vmem>>, %arg18: memref<64xi32, #tpu.memory_space<vmem>>, %arg19: memref<64xi32, #tpu.memory_space<vmem>>, %arg20: memref<64xi32, #tpu.memory_space<vmem>>, %arg21: memref<5x64x128xf32, #tpu.memory_space<vmem>>, %arg22: memref<10240x128xf32, #tpu.memory_space<vmem_shared>>, %arg23: memref<!tpu.dma_semaphore, #tpu.memory_space<semaphore_mem>>, %arg24: memref<!tpu.dma_semaphore, #tpu.memory_space<semaphore_mem>>, %arg25: memref<!tpu.dma_semaphore, #tpu.memory_space<semaphore_mem>>, %arg26: memref<!tpu.dma_semaphore, #tpu.memory_space<semaphore_mem>>, %arg27: memref<!tpu.dma_semaphore, #tpu.memory_space<semaphore_mem>>, %arg28: memref<!tpu.dma_semaphore, #tpu.memory_space<semaphore_mem>>, %arg29: memref<!tpu.dma_semaphore, #tpu.memory_space<semaphore_mem>>, %arg30: memref<!tpu.dma_semaphore, #tpu.memory_space<semaphore_mem>>, %arg31: memref<!tpu.dma_semaphore, #tpu.memory_space<semaphore_mem>>, %arg32: memref<!tpu.dma_semaphore, #tpu.memory_space<semaphore_mem>>, %arg33: memref<!tpu.dma_semaphore, #tpu.memory_space<semaphore_mem>>, %arg34: memref<!tpu.dma_semaphore, #tpu.memory_space<semaphore_mem>>, %arg35: memref<!tpu.dma_semaphore, #tpu.memory_space<semaphore_mem>>, %arg36: memref<!tpu.dma_semaphore, #tpu.memory_space<semaphore_mem>>, %arg37: memref<!tpu.dma_semaphore, #tpu.memory_space<semaphore_mem>>, %arg38: memref<!tpu.dma_semaphore, #tpu.memory_space<semaphore_mem>>, %arg39: memref<!tpu.dma_semaphore, #tpu.memory_space<semaphore_mem>>, %arg40: memref<!tpu.dma_semaphore, #tpu.memory_space<semaphore_mem>>, %arg41: memref<!tpu.dma_semaphore, #tpu.memory_space<semaphore_mem>>, %arg42: memref<!tpu.dma_semaphore, #tpu.memory_space<semaphore_mem>>, %arg43: memref<!tpu.dma_semaphore, #tpu.memory_space<semaphore_mem>>, %arg44: memref<!tpu.dma_semaphore, #tpu.memory_space<semaphore_mem>>, %arg45: memref<!tpu.dma_semaphore, #tpu.memory_space<semaphore_mem>>, %arg46: memref<!tpu.dma_semaphore, #tpu.memory_space<semaphore_mem>>, %arg47: memref<!tpu.dma_semaphore, #tpu.memory_space<semaphore_mem>>) attributes {dimension_semantics = [#tpu.dimension_semantics<core_parallel>, #tpu.dimension_semantics<subcore_parallel>], iteration_bounds = array<i64: 2, 16>, scalar_prefetch = 0 : i64, scratch_operands = 42 : i64, tpu.core_type = #tpu.core_type<sc_vector_subcore>, window_params = [{transform_indices = #map}, {transform_indices = #map1}, {transform_indices = #map1}, {transform_indices = #map2}]} {
    %mul3A = arith.constant 16 : i32
    %mul3A_0 = arith.muli %arg0, %mul3A : i32
    %add3A = arith.addi %mul3A_0, %arg1 : i32
    %mul3A_1 = arith.constant 10240 : i32
    %mul3A_2 = arith.muli %add3A, %mul3A_1 : i32
    %broadcast_in_dim3A = arith.constant 0.000000e+00 : f32
    %broadcast_in_dim3A_3 = vector.broadcast %broadcast_in_dim3A : f32 to vector<16xf32>
    %scan3A = arith.constant 0 : i32
    %scan3A_4 = arith.constant 0 : i32
    %scan3A_5 = arith.constant 1024 : i32
    %scan3A_6 = arith.addi %scan3A_4, %scan3A_5 : i32
    %scan3A_7 = arith.constant 1 : i32
    %scan3A_8 = scf.for %scan3A_188 = %scan3A_4 to %scan3A_6 step %scan3A_7 iter_args(%scan3A_189 = %scan3A) -> (i32)  : i32 {
      %jit3A = arith.constant 8 : i32
      %div3A = arith.divsi %scan3A_188, %jit3A : i32
      %sign3A = arith.constant 0 : i32
      %sign3A_190 = arith.cmpi sgt, %scan3A_188, %sign3A : i32
      %sign3A_191 = arith.extui %sign3A_190 : i1 to i32
      %sign3A_192 = arith.constant 0 : i32
      %sign3A_193 = arith.cmpi slt, %scan3A_188, %sign3A_192 : i32
      %sign3A_194 = arith.extui %sign3A_193 : i1 to i32
      %sign3A_195 = arith.subi %sign3A_191, %sign3A_194 : i32
      %sign3A_196 = arith.constant 0 : i32
      %sign3A_197 = arith.cmpi sgt, %jit3A, %sign3A_196 : i32
      %sign3A_198 = arith.extui %sign3A_197 : i1 to i32
      %sign3A_199 = arith.constant 0 : i32
      %sign3A_200 = arith.cmpi slt, %jit3A, %sign3A_199 : i32
      %sign3A_201 = arith.extui %sign3A_200 : i1 to i32
      %sign3A_202 = arith.subi %sign3A_198, %sign3A_201 : i32
      %ne3A = arith.cmpi ne, %sign3A_195, %sign3A_202 : i32
      %rem3A = arith.remsi %scan3A_188, %jit3A : i32
      %ne3A_203 = arith.constant 0 : i32
      %ne3A_204 = arith.cmpi ne, %rem3A, %ne3A_203 : i32
      %and3A = arith.andi %ne3A, %ne3A_204 : i1
      %sub3A = arith.constant 1 : i32
      %sub3A_205 = arith.subi %div3A, %sub3A : i32
      %select_n3A = arith.select %and3A, %sub3A_205, %div3A : i32
      %jit3A_206 = arith.constant 8 : i32
      %eq3A = arith.constant 0 : i32
      %eq3A_207 = arith.cmpi eq, %jit3A_206, %eq3A : i32
      %jit3A_208 = arith.constant 1 : i32
      %select_n3A_209 = arith.select %eq3A_207, %jit3A_208, %jit3A_206 : i32
      %rem3A_210 = arith.remsi %scan3A_188, %select_n3A_209 : i32
      %ne3A_211 = arith.constant 0 : i32
      %ne3A_212 = arith.cmpi ne, %rem3A_210, %ne3A_211 : i32
      %lt3A = arith.constant 0 : i32
      %lt3A_213 = arith.cmpi slt, %rem3A_210, %lt3A : i32
      %lt3A_214 = arith.constant 0 : i32
      %lt3A_215 = arith.cmpi slt, %select_n3A_209, %lt3A_214 : i32
      %ne3A_216 = arith.xori %lt3A_213, %lt3A_215 : i1
      %and3A_217 = arith.andi %ne3A_216, %ne3A_212 : i1
      %add3A_218 = arith.addi %rem3A_210, %select_n3A_209 : i32
      %select_n3A_219 = arith.select %and3A_217, %add3A_218, %rem3A_210 : i32
      %mul3A_220 = arith.constant 16 : i32
      %mul3A_221 = arith.muli %select_n3A_219, %mul3A_220 : i32
      %swap3A = arith.constant 0 : i32
      %swap3A_222 = arith.index_cast %swap3A : i32 to index
      %swap3A_223 = arith.index_cast %select_n3A : i32 to index
      %swap3A_224 = arith.index_cast %mul3A_221 : i32 to index
      %swap3A_225 = tpu.vector_load %arg21[%swap3A_222, %swap3A_223, %swap3A_224] {strides = array<i32>} : memref<5x64x128xf32, #tpu.memory_space<vmem>>, vector<16xf32>,
      tpu.vector_store %arg21[%swap3A_222, %swap3A_223, %swap3A_224], %broadcast_in_dim3A_3 {strides = array<i32>} : memref<5x64x128xf32, #tpu.memory_space<vmem>>, vector<16xf32>,
      %scan3A_226 = arith.constant 0 : i32
      scf.yield %scan3A_226 : i32
    }
    %scan3A_9 = arith.constant 1024 : i32
    %mul3A_10 = arith.constant 640 : i32
    %mul3A_11 = arith.muli %arg1, %mul3A_10 : i32
    %add3A_12 = arith.constant 0 : i32
    %add3A_13 = arith.addi %mul3A_11, %add3A_12 : i32
    %run_scoped3A = arith.constant 0 : i32
    "tpu.region"() ({
      %run_scoped3A_188 = tpu.sem_alloc : memref<!tpu.dma_semaphore, #tpu.memory_space<semaphore_mem>>
      %dma_start3A_189 = arith.constant 0 : i32
      %dma_start3A_190 = arith.constant 0 : i32
      %dma_start3A_191 = tpu.memref_slice %arg21[%run_scoped3A, %dma_start3A_189, %dma_start3A_190] : memref<5x64x128xf32, #tpu.memory_space<vmem>> -> memref<1x128x128xf32, #tpu.memory_space<vmem>>
      %dma_start3A_192 = tpu.memref_squeeze %dma_start3A_191 : memref<1x128x128xf32, #tpu.memory_space<vmem>> -> memref<128x128xf32, #tpu.memory_space<vmem>>
      %dma_start3A_193 = arith.constant 0 : i32
      %dma_start3A_194 = tpu.memref_slice %arg22[%add3A_13, %dma_start3A_193] : memref<10240x128xf32, #tpu.memory_space<vmem_shared>> -> memref<128x128xf32, #tpu.memory_space<vmem_shared>>
      %dma_start3A_195 = arith.constant 0 : i32
      %dma_start3A_196 = tpu.memref_slice %arg22[%add3A_13, %dma_start3A_195] : memref<10240x128xf32, #tpu.memory_space<vmem_shared>> -> memref<128x128xf32, #tpu.memory_space<vmem_shared>>
      %dma_start3A_197 = arith.constant 0 : i32
      %dma_start3A_198 = arith.constant 0 : i32
      %dma_start3A_199 = tpu.memref_slice %arg21[%run_scoped3A, %dma_start3A_197, %dma_start3A_198] : memref<5x64x128xf32, #tpu.memory_space<vmem>> -> memref<1x128x128xf32, #tpu.memory_space<vmem>>
      %dma_start3A_200 = tpu.memref_squeeze %dma_start3A_199 : memref<1x128x128xf32, #tpu.memory_space<vmem>> -> memref<128x128xf32, #tpu.memory_space<vmem>>
      tpu.enqueue_dma source(%dma_start3A_200 : memref<128x128xf32, #tpu.memory_space<vmem>>) target(%dma_start3A_196 : memref<128x128xf32, #tpu.memory_space<vmem_shared>>) target_semaphore(%run_scoped3A_188 : memref<!tpu.dma_semaphore, #tpu.memory_space<semaphore_mem>>)
      %dma_wait3A_201 = arith.constant 0 : i32
      %dma_wait3A_202 = arith.constant 0 : i32
      %dma_wait3A_203 = tpu.memref_slice %arg21[%run_scoped3A, %dma_wait3A_201, %dma_wait3A_202] : memref<5x64x128xf32, #tpu.memory_space<vmem>> -> memref<1x128x128xf32, #tpu.memory_space<vmem>>
      %dma_wait3A_204 = tpu.memref_squeeze %dma_wait3A_203 : memref<1x128x128xf32, #tpu.memory_space<vmem>> -> memref<128x128xf32, #tpu.memory_space<vmem>>
      %dma_wait3A_205 = arith.constant 0 : i32
      %dma_wait3A_206 = tpu.memref_slice %arg22[%add3A_13, %dma_wait3A_205] : memref<10240x128xf32, #tpu.memory_space<vmem_shared>> -> memref<128x128xf32, #tpu.memory_space<vmem_shared>>
      %dma_wait3A_207 = arith.constant 0 : i32
      %dma_wait3A_208 = tpu.memref_slice %arg22[%add3A_13, %dma_wait3A_207] : memref<10240x128xf32, #tpu.memory_space<vmem_shared>> -> memref<128x128xf32, #tpu.memory_space<vmem_shared>>
      %dma_wait3A_209 = arith.constant 0 : i32
      %dma_wait3A_210 = arith.constant 0 : i32
      %dma_wait3A_211 = tpu.memref_slice %arg21[%run_scoped3A, %dma_wait3A_209, %dma_wait3A_210] : memref<5x64x128xf32, #tpu.memory_space<vmem>> -> memref<1x128x128xf32, #tpu.memory_space<vmem>>
      %dma_wait3A_212 = tpu.memref_squeeze %dma_wait3A_211 : memref<1x128x128xf32, #tpu.memory_space<vmem>> -> memref<128x128xf32, #tpu.memory_space<vmem>>
      tpu.wait_dma2 semaphore(%run_scoped3A_188 : memref<!tpu.dma_semaphore, #tpu.memory_space<semaphore_mem>>) src(%dma_wait3A_212 : memref<128x128xf32, #tpu.memory_space<vmem>>) dst(%dma_wait3A_208 : memref<128x128xf32, #tpu.memory_space<vmem_shared>>)
      tpu.yield
    }) : () -> ()
    %mul3A_14 = arith.constant 640 : i32
    %mul3A_15 = arith.muli %arg1, %mul3A_14 : i32
    %add3A_16 = arith.constant 128 : i32
    %add3A_17 = arith.addi %mul3A_15, %add3A_16 : i32
    %run_scoped3A_18 = arith.constant 0 : i32
    "tpu.region"() ({
      %run_scoped3A_188 = tpu.sem_alloc : memref<!tpu.dma_semaphore, #tpu.memory_space<semaphore_mem>>
      %dma_start3A_189 = arith.constant 0 : i32
      %dma_start3A_190 = arith.constant 0 : i32
      %dma_start3A_191 = tpu.memref_slice %arg21[%run_scoped3A_18, %dma_start3A_189, %dma_start3A_190] : memref<5x64x128xf32, #tpu.memory_space<vmem>> -> memref<1x128x128xf32, #tpu.memory_space<vmem>>
      %dma_start3A_192 = tpu.memref_squeeze %dma_start3A_191 : memref<1x128x128xf32, #tpu.memory_space<vmem>> -> memref<128x128xf32, #tpu.memory_space<vmem>>
      %dma_start3A_193 = arith.constant 0 : i32
      %dma_start3A_194 = tpu.memref_slice %arg22[%add3A_17, %dma_start3A_193] : memref<10240x128xf32, #tpu.memory_space<vmem_shared>> -> memref<128x128xf32, #tpu.memory_space<vmem_shared>>
      %dma_start3A_195 = arith.constant 0 : i32
      %dma_start3A_196 = tpu.memref_slice %arg22[%add3A_17, %dma_start3A_195] : memref<10240x128xf32, #tpu.memory_space<vmem_shared>> -> memref<128x128xf32, #tpu.memory_space<vmem_shared>>
      %dma_start3A_197 = arith.constant 0 : i32
      %dma_start3A_198 = arith.constant 0 : i32
      %dma_start3A_199 = tpu.memref_slice %arg21[%run_scoped3A_18, %dma_start3A_197, %dma_start3A_198] : memref<5x64x128xf32, #tpu.memory_space<vmem>> -> memref<1x128x128xf32, #tpu.memory_space<vmem>>
      %dma_start3A_200 = tpu.memref_squeeze %dma_start3A_199 : memref<1x128x128xf32, #tpu.memory_space<vmem>> -> memref<128x128xf32, #tpu.memory_space<vmem>>
      tpu.enqueue_dma source(%dma_start3A_200 : memref<128x128xf32, #tpu.memory_space<vmem>>) target(%dma_start3A_196 : memref<128x128xf32, #tpu.memory_space<vmem_shared>>) target_semaphore(%run_scoped3A_188 : memref<!tpu.dma_semaphore, #tpu.memory_space<semaphore_mem>>)
      %dma_wait3A_201 = arith.constant 0 : i32
      %dma_wait3A_202 = arith.constant 0 : i32
      %dma_wait3A_203 = tpu.memref_slice %arg21[%run_scoped3A_18, %dma_wait3A_201, %dma_wait3A_202] : memref<5x64x128xf32, #tpu.memory_space<vmem>> -> memref<1x128x128xf32, #tpu.memory_space<vmem>>
      %dma_wait3A_204 = tpu.memref_squeeze %dma_wait3A_203 : memref<1x128x128xf32, #tpu.memory_space<vmem>> -> memref<128x128xf32, #tpu.memory_space<vmem>>
      %dma_wait3A_205 = arith.constant 0 : i32
      %dma_wait3A_206 = tpu.memref_slice %arg22[%add3A_17, %dma_wait3A_205] : memref<10240x128xf32, #tpu.memory_space<vmem_shared>> -> memref<128x128xf32, #tpu.memory_space<vmem_shared>>
      %dma_wait3A_207 = arith.constant 0 : i32
      %dma_wait3A_208 = tpu.memref_slice %arg22[%add3A_17, %dma_wait3A_207] : memref<10240x128xf32, #tpu.memory_space<vmem_shared>> -> memref<128x128xf32, #tpu.memory_space<vmem_shared>>
      %dma_wait3A_209 = arith.constant 0 : i32
      %dma_wait3A_210 = arith.constant 0 : i32
      %dma_wait3A_211 = tpu.memref_slice %arg21[%run_scoped3A_18, %dma_wait3A_209, %dma_wait3A_210] : memref<5x64x128xf32, #tpu.memory_space<vmem>> -> memref<1x128x128xf32, #tpu.memory_space<vmem>>
      %dma_wait3A_212 = tpu.memref_squeeze %dma_wait3A_211 : memref<1x128x128xf32, #tpu.memory_space<vmem>> -> memref<128x128xf32, #tpu.memory_space<vmem>>
      tpu.wait_dma2 semaphore(%run_scoped3A_188 : memref<!tpu.dma_semaphore, #tpu.memory_space<semaphore_mem>>) src(%dma_wait3A_212 : memref<128x128xf32, #tpu.memory_space<vmem>>) dst(%dma_wait3A_208 : memref<128x128xf32, #tpu.memory_space<vmem_shared>>)
      tpu.yield
    }) : () -> ()
    %mul3A_19 = arith.constant 640 : i32
    %mul3A_20 = arith.muli %arg1, %mul3A_19 : i32
    %add3A_21 = arith.constant 256 : i32
    %add3A_22 = arith.addi %mul3A_20, %add3A_21 : i32
    %run_scoped3A_23 = arith.constant 0 : i32
    "tpu.region"() ({
      %run_scoped3A_188 = tpu.sem_alloc : memref<!tpu.dma_semaphore, #tpu.memory_space<semaphore_mem>>
      %dma_start3A_189 = arith.constant 0 : i32
      %dma_start3A_190 = arith.constant 0 : i32
      %dma_start3A_191 = tpu.memref_slice %arg21[%run_scoped3A_23, %dma_start3A_189, %dma_start3A_190] : memref<5x64x128xf32, #tpu.memory_space<vmem>> -> memref<1x128x128xf32, #tpu.memory_space<vmem>>
      %dma_start3A_192 = tpu.memref_squeeze %dma_start3A_191 : memref<1x128x128xf32, #tpu.memory_space<vmem>> -> memref<128x128xf32, #tpu.memory_space<vmem>>
      %dma_start3A_193 = arith.constant 0 : i32
      %dma_start3A_194 = tpu.memref_slice %arg22[%add3A_22, %dma_start3A_193] : memref<10240x128xf32, #tpu.memory_space<vmem_shared>> -> memref<128x128xf32, #tpu.memory_space<vmem_shared>>
      %dma_start3A_195 = arith.constant 0 : i32
      %dma_start3A_196 = tpu.memref_slice %arg22[%add3A_22, %dma_start3A_195] : memref<10240x128xf32, #tpu.memory_space<vmem_shared>> -> memref<128x128xf32, #tpu.memory_space<vmem_shared>>
      %dma_start3A_197 = arith.constant 0 : i32
      %dma_start3A_198 = arith.constant 0 : i32
      %dma_start3A_199 = tpu.memref_slice %arg21[%run_scoped3A_23, %dma_start3A_197, %dma_start3A_198] : memref<5x64x128xf32, #tpu.memory_space<vmem>> -> memref<1x128x128xf32, #tpu.memory_space<vmem>>
      %dma_start3A_200 = tpu.memref_squeeze %dma_start3A_199 : memref<1x128x128xf32, #tpu.memory_space<vmem>> -> memref<128x128xf32, #tpu.memory_space<vmem>>
      tpu.enqueue_dma source(%dma_start3A_200 : memref<128x128xf32, #tpu.memory_space<vmem>>) target(%dma_start3A_196 : memref<128x128xf32, #tpu.memory_space<vmem_shared>>) target_semaphore(%run_scoped3A_188 : memref<!tpu.dma_semaphore, #tpu.memory_space<semaphore_mem>>)
      %dma_wait3A_201 = arith.constant 0 : i32
      %dma_wait3A_202 = arith.constant 0 : i32
      %dma_wait3A_203 = tpu.memref_slice %arg21[%run_scoped3A_23, %dma_wait3A_201, %dma_wait3A_202] : memref<5x64x128xf32, #tpu.memory_space<vmem>> -> memref<1x128x128xf32, #tpu.memory_space<vmem>>
      %dma_wait3A_204 = tpu.memref_squeeze %dma_wait3A_203 : memref<1x128x128xf32, #tpu.memory_space<vmem>> -> memref<128x128xf32, #tpu.memory_space<vmem>>
      %dma_wait3A_205 = arith.constant 0 : i32
      %dma_wait3A_206 = tpu.memref_slice %arg22[%add3A_22, %dma_wait3A_205] : memref<10240x128xf32, #tpu.memory_space<vmem_shared>> -> memref<128x128xf32, #tpu.memory_space<vmem_shared>>
      %dma_wait3A_207 = arith.constant 0 : i32
      %dma_wait3A_208 = tpu.memref_slice %arg22[%add3A_22, %dma_wait3A_207] : memref<10240x128xf32, #tpu.memory_space<vmem_shared>> -> memref<128x128xf32, #tpu.memory_space<vmem_shared>>
      %dma_wait3A_209 = arith.constant 0 : i32
      %dma_wait3A_210 = arith.constant 0 : i32
      %dma_wait3A_211 = tpu.memref_slice %arg21[%run_scoped3A_23, %dma_wait3A_209, %dma_wait3A_210] : memref<5x64x128xf32, #tpu.memory_space<vmem>> -> memref<1x128x128xf32, #tpu.memory_space<vmem>>
      %dma_wait3A_212 = tpu.memref_squeeze %dma_wait3A_211 : memref<1x128x128xf32, #tpu.memory_space<vmem>> -> memref<128x128xf32, #tpu.memory_space<vmem>>
      tpu.wait_dma2 semaphore(%run_scoped3A_188 : memref<!tpu.dma_semaphore, #tpu.memory_space<semaphore_mem>>) src(%dma_wait3A_212 : memref<128x128xf32, #tpu.memory_space<vmem>>) dst(%dma_wait3A_208 : memref<128x128xf32, #tpu.memory_space<vmem_shared>>)
      tpu.yield
    }) : () -> ()
    %mul3A_24 = arith.constant 640 : i32
    %mul3A_25 = arith.muli %arg1, %mul3A_24 : i32
    %add3A_26 = arith.constant 384 : i32
    %add3A_27 = arith.addi %mul3A_25, %add3A_26 : i32
    %run_scoped3A_28 = arith.constant 0 : i32
    "tpu.region"() ({
      %run_scoped3A_188 = tpu.sem_alloc : memref<!tpu.dma_semaphore, #tpu.memory_space<semaphore_mem>>
      %dma_start3A_189 = arith.constant 0 : i32
      %dma_start3A_190 = arith.constant 0 : i32
      %dma_start3A_191 = tpu.memref_slice %arg21[%run_scoped3A_28, %dma_start3A_189, %dma_start3A_190] : memref<5x64x128xf32, #tpu.memory_space<vmem>> -> memref<1x128x128xf32, #tpu.memory_space<vmem>>
      %dma_start3A_192 = tpu.memref_squeeze %dma_start3A_191 : memref<1x128x128xf32, #tpu.memory_space<vmem>> -> memref<128x128xf32, #tpu.memory_space<vmem>>
      %dma_start3A_193 = arith.constant 0 : i32
      %dma_start3A_194 = tpu.memref_slice %arg22[%add3A_27, %dma_start3A_193] : memref<10240x128xf32, #tpu.memory_space<vmem_shared>> -> memref<128x128xf32, #tpu.memory_space<vmem_shared>>
      %dma_start3A_195 = arith.constant 0 : i32
      %dma_start3A_196 = tpu.memref_slice %arg22[%add3A_27, %dma_start3A_195] : memref<10240x128xf32, #tpu.memory_space<vmem_shared>> -> memref<128x128xf32, #tpu.memory_space<vmem_shared>>
      %dma_start3A_197 = arith.constant 0 : i32
      %dma_start3A_198 = arith.constant 0 : i32
      %dma_start3A_199 = tpu.memref_slice %arg21[%run_scoped3A_28, %dma_start3A_197, %dma_start3A_198] : memref<5x64x128xf32, #tpu.memory_space<vmem>> -> memref<1x128x128xf32, #tpu.memory_space<vmem>>
      %dma_start3A_200 = tpu.memref_squeeze %dma_start3A_199 : memref<1x128x128xf32, #tpu.memory_space<vmem>> -> memref<128x128xf32, #tpu.memory_space<vmem>>
      tpu.enqueue_dma source(%dma_start3A_200 : memref<128x128xf32, #tpu.memory_space<vmem>>) target(%dma_start3A_196 : memref<128x128xf32, #tpu.memory_space<vmem_shared>>) target_semaphore(%run_scoped3A_188 : memref<!tpu.dma_semaphore, #tpu.memory_space<semaphore_mem>>)
      %dma_wait3A_201 = arith.constant 0 : i32
      %dma_wait3A_202 = arith.constant 0 : i32
      %dma_wait3A_203 = tpu.memref_slice %arg21[%run_scoped3A_28, %dma_wait3A_201, %dma_wait3A_202] : memref<5x64x128xf32, #tpu.memory_space<vmem>> -> memref<1x128x128xf32, #tpu.memory_space<vmem>>
      %dma_wait3A_204 = tpu.memref_squeeze %dma_wait3A_203 : memref<1x128x128xf32, #tpu.memory_space<vmem>> -> memref<128x128xf32, #tpu.memory_space<vmem>>
      %dma_wait3A_205 = arith.constant 0 : i32
      %dma_wait3A_206 = tpu.memref_slice %arg22[%add3A_27, %dma_wait3A_205] : memref<10240x128xf32, #tpu.memory_space<vmem_shared>> -> memref<128x128xf32, #tpu.memory_space<vmem_shared>>
      %dma_wait3A_207 = arith.constant 0 : i32
      %dma_wait3A_208 = tpu.memref_slice %arg22[%add3A_27, %dma_wait3A_207] : memref<10240x128xf32, #tpu.memory_space<vmem_shared>> -> memref<128x128xf32, #tpu.memory_space<vmem_shared>>
      %dma_wait3A_209 = arith.constant 0 : i32
      %dma_wait3A_210 = arith.constant 0 : i32
      %dma_wait3A_211 = tpu.memref_slice %arg21[%run_scoped3A_28, %dma_wait3A_209, %dma_wait3A_210] : memref<5x64x128xf32, #tpu.memory_space<vmem>> -> memref<1x128x128xf32, #tpu.memory_space<vmem>>
      %dma_wait3A_212 = tpu.memref_squeeze %dma_wait3A_211 : memref<1x128x128xf32, #tpu.memory_space<vmem>> -> memref<128x128xf32, #tpu.memory_space<vmem>>
      tpu.wait_dma2 semaphore(%run_scoped3A_188 : memref<!tpu.dma_semaphore, #tpu.memory_space<semaphore_mem>>) src(%dma_wait3A_212 : memref<128x128xf32, #tpu.memory_space<vmem>>) dst(%dma_wait3A_208 : memref<128x128xf32, #tpu.memory_space<vmem_shared>>)
      tpu.yield
    }) : () -> ()
    %mul3A_29 = arith.constant 640 : i32
    %mul3A_30 = arith.muli %arg1, %mul3A_29 : i32
    %add3A_31 = arith.constant 512 : i32
    %add3A_32 = arith.addi %mul3A_30, %add3A_31 : i32
    %run_scoped3A_33 = arith.constant 0 : i32
    "tpu.region"() ({
      %run_scoped3A_188 = tpu.sem_alloc : memref<!tpu.dma_semaphore, #tpu.memory_space<semaphore_mem>>
      %dma_start3A_189 = arith.constant 0 : i32
      %dma_start3A_190 = arith.constant 0 : i32
      %dma_start3A_191 = tpu.memref_slice %arg21[%run_scoped3A_33, %dma_start3A_189, %dma_start3A_190] : memref<5x64x128xf32, #tpu.memory_space<vmem>> -> memref<1x128x128xf32, #tpu.memory_space<vmem>>
      %dma_start3A_192 = tpu.memref_squeeze %dma_start3A_191 : memref<1x128x128xf32, #tpu.memory_space<vmem>> -> memref<128x128xf32, #tpu.memory_space<vmem>>
      %dma_start3A_193 = arith.constant 0 : i32
      %dma_start3A_194 = tpu.memref_slice %arg22[%add3A_32, %dma_start3A_193] : memref<10240x128xf32, #tpu.memory_space<vmem_shared>> -> memref<128x128xf32, #tpu.memory_space<vmem_shared>>
      %dma_start3A_195 = arith.constant 0 : i32
      %dma_start3A_196 = tpu.memref_slice %arg22[%add3A_32, %dma_start3A_195] : memref<10240x128xf32, #tpu.memory_space<vmem_shared>> -> memref<128x128xf32, #tpu.memory_space<vmem_shared>>
      %dma_start3A_197 = arith.constant 0 : i32
      %dma_start3A_198 = arith.constant 0 : i32
      %dma_start3A_199 = tpu.memref_slice %arg21[%run_scoped3A_33, %dma_start3A_197, %dma_start3A_198] : memref<5x64x128xf32, #tpu.memory_space<vmem>> -> memref<1x128x128xf32, #tpu.memory_space<vmem>>
      %dma_start3A_200 = tpu.memref_squeeze %dma_start3A_199 : memref<1x128x128xf32, #tpu.memory_space<vmem>> -> memref<128x128xf32, #tpu.memory_space<vmem>>
      tpu.enqueue_dma source(%dma_start3A_200 : memref<128x128xf32, #tpu.memory_space<vmem>>) target(%dma_start3A_196 : memref<128x128xf32, #tpu.memory_space<vmem_shared>>) target_semaphore(%run_scoped3A_188 : memref<!tpu.dma_semaphore, #tpu.memory_space<semaphore_mem>>)
      %dma_wait3A_201 = arith.constant 0 : i32
      %dma_wait3A_202 = arith.constant 0 : i32
      %dma_wait3A_203 = tpu.memref_slice %arg21[%run_scoped3A_33, %dma_wait3A_201, %dma_wait3A_202] : memref<5x64x128xf32, #tpu.memory_space<vmem>> -> memref<1x128x128xf32, #tpu.memory_space<vmem>>
      %dma_wait3A_204 = tpu.memref_squeeze %dma_wait3A_203 : memref<1x128x128xf32, #tpu.memory_space<vmem>> -> memref<128x128xf32, #tpu.memory_space<vmem>>
      %dma_wait3A_205 = arith.constant 0 : i32
      %dma_wait3A_206 = tpu.memref_slice %arg22[%add3A_32, %dma_wait3A_205] : memref<10240x128xf32, #tpu.memory_space<vmem_shared>> -> memref<128x128xf32, #tpu.memory_space<vmem_shared>>
      %dma_wait3A_207 = arith.constant 0 : i32
      %dma_wait3A_208 = tpu.memref_slice %arg22[%add3A_32, %dma_wait3A_207] : memref<10240x128xf32, #tpu.memory_space<vmem_shared>> -> memref<128x128xf32, #tpu.memory_space<vmem_shared>>
      %dma_wait3A_209 = arith.constant 0 : i32
      %dma_wait3A_210 = arith.constant 0 : i32
      %dma_wait3A_211 = tpu.memref_slice %arg21[%run_scoped3A_33, %dma_wait3A_209, %dma_wait3A_210] : memref<5x64x128xf32, #tpu.memory_space<vmem>> -> memref<1x128x128xf32, #tpu.memory_space<vmem>>
      %dma_wait3A_212 = tpu.memref_squeeze %dma_wait3A_211 : memref<1x128x128xf32, #tpu.memory_space<vmem>> -> memref<128x128xf32, #tpu.memory_space<vmem>>
      tpu.wait_dma2 semaphore(%run_scoped3A_188 : memref<!tpu.dma_semaphore, #tpu.memory_space<semaphore_mem>>) src(%dma_wait3A_212 : memref<128x128xf32, #tpu.memory_space<vmem>>) dst(%dma_wait3A_208 : memref<128x128xf32, #tpu.memory_space<vmem_shared>>)
      tpu.yield
    }) : () -> ()
    %barrier3A = arith.constant 0 : index
    tpu.barrier barrier_id(%barrier3A)
    %add3A_34 = arith.constant 0 : i32
    %add3A_35 = arith.addi %mul3A_2, %add3A_34 : i32
    %dma_start3A = tpu.memref_slice %arg3[%add3A_35] : memref<327680xi32, #tpu.memory_space<hbm>> -> memref<64xi32, #tpu.memory_space<hbm>>
    %dma_start3A_36 = tpu.memref_slice %arg3[%add3A_35] : memref<327680xi32, #tpu.memory_space<hbm>> -> memref<64xi32, #tpu.memory_space<hbm>>
    tpu.enqueue_dma source(%dma_start3A_36 : memref<64xi32, #tpu.memory_space<hbm>>) target(%arg6 : memref<64xi32, #tpu.memory_space<vmem>>) target_semaphore(%arg23 : memref<!tpu.dma_semaphore, #tpu.memory_space<semaphore_mem>>)
    %add3A_37 = arith.constant 0 : i32
    %add3A_38 = arith.addi %mul3A_2, %add3A_37 : i32
    %dma_start3A_39 = tpu.memref_slice %arg4[%add3A_38] : memref<327680xi32, #tpu.memory_space<hbm>> -> memref<64xi32, #tpu.memory_space<hbm>>
    %dma_start3A_40 = tpu.memref_slice %arg4[%add3A_38] : memref<327680xi32, #tpu.memory_space<hbm>> -> memref<64xi32, #tpu.memory_space<hbm>>
    tpu.enqueue_dma source(%dma_start3A_40 : memref<64xi32, #tpu.memory_space<hbm>>) target(%arg11 : memref<64xi32, #tpu.memory_space<vmem>>) target_semaphore(%arg28 : memref<!tpu.dma_semaphore, #tpu.memory_space<semaphore_mem>>)
    %add3A_41 = arith.constant 64 : i32
    %add3A_42 = arith.addi %mul3A_2, %add3A_41 : i32
    %dma_start3A_43 = tpu.memref_slice %arg3[%add3A_42] : memref<327680xi32, #tpu.memory_space<hbm>> -> memref<64xi32, #tpu.memory_space<hbm>>
    %dma_start3A_44 = tpu.memref_slice %arg3[%add3A_42] : memref<327680xi32, #tpu.memory_space<hbm>> -> memref<64xi32, #tpu.memory_space<hbm>>
    tpu.enqueue_dma source(%dma_start3A_44 : memref<64xi32, #tpu.memory_space<hbm>>) target(%arg7 : memref<64xi32, #tpu.memory_space<vmem>>) target_semaphore(%arg24 : memref<!tpu.dma_semaphore, #tpu.memory_space<semaphore_mem>>)
    %add3A_45 = arith.constant 64 : i32
    %add3A_46 = arith.addi %mul3A_2, %add3A_45 : i32
    %dma_start3A_47 = tpu.memref_slice %arg4[%add3A_46] : memref<327680xi32, #tpu.memory_space<hbm>> -> memref<64xi32, #tpu.memory_space<hbm>>
    %dma_start3A_48 = tpu.memref_slice %arg4[%add3A_46] : memref<327680xi32, #tpu.memory_space<hbm>> -> memref<64xi32, #tpu.memory_space<hbm>>
    tpu.enqueue_dma source(%dma_start3A_48 : memref<64xi32, #tpu.memory_space<hbm>>) target(%arg12 : memref<64xi32, #tpu.memory_space<vmem>>) target_semaphore(%arg29 : memref<!tpu.dma_semaphore, #tpu.memory_space<semaphore_mem>>)
    %add3A_49 = arith.constant 128 : i32
    %add3A_50 = arith.addi %mul3A_2, %add3A_49 : i32
    %dma_start3A_51 = tpu.memref_slice %arg3[%add3A_50] : memref<327680xi32, #tpu.memory_space<hbm>> -> memref<64xi32, #tpu.memory_space<hbm>>
    %dma_start3A_52 = tpu.memref_slice %arg3[%add3A_50] : memref<327680xi32, #tpu.memory_space<hbm>> -> memref<64xi32, #tpu.memory_space<hbm>>
    tpu.enqueue_dma source(%dma_start3A_52 : memref<64xi32, #tpu.memory_space<hbm>>) target(%arg8 : memref<64xi32, #tpu.memory_space<vmem>>) target_semaphore(%arg25 : memref<!tpu.dma_semaphore, #tpu.memory_space<semaphore_mem>>)
    %add3A_53 = arith.constant 128 : i32
    %add3A_54 = arith.addi %mul3A_2, %add3A_53 : i32
    %dma_start3A_55 = tpu.memref_slice %arg4[%add3A_54] : memref<327680xi32, #tpu.memory_space<hbm>> -> memref<64xi32, #tpu.memory_space<hbm>>
    %dma_start3A_56 = tpu.memref_slice %arg4[%add3A_54] : memref<327680xi32, #tpu.memory_space<hbm>> -> memref<64xi32, #tpu.memory_space<hbm>>
    tpu.enqueue_dma source(%dma_start3A_56 : memref<64xi32, #tpu.memory_space<hbm>>) target(%arg13 : memref<64xi32, #tpu.memory_space<vmem>>) target_semaphore(%arg30 : memref<!tpu.dma_semaphore, #tpu.memory_space<semaphore_mem>>)
    %add3A_57 = arith.constant 192 : i32
    %add3A_58 = arith.addi %mul3A_2, %add3A_57 : i32
    %dma_start3A_59 = tpu.memref_slice %arg3[%add3A_58] : memref<327680xi32, #tpu.memory_space<hbm>> -> memref<64xi32, #tpu.memory_space<hbm>>
    %dma_start3A_60 = tpu.memref_slice %arg3[%add3A_58] : memref<327680xi32, #tpu.memory_space<hbm>> -> memref<64xi32, #tpu.memory_space<hbm>>
    tpu.enqueue_dma source(%dma_start3A_60 : memref<64xi32, #tpu.memory_space<hbm>>) target(%arg9 : memref<64xi32, #tpu.memory_space<vmem>>) target_semaphore(%arg26 : memref<!tpu.dma_semaphore, #tpu.memory_space<semaphore_mem>>)
    %add3A_61 = arith.constant 192 : i32
    %add3A_62 = arith.addi %mul3A_2, %add3A_61 : i32
    %dma_start3A_63 = tpu.memref_slice %arg4[%add3A_62] : memref<327680xi32, #tpu.memory_space<hbm>> -> memref<64xi32, #tpu.memory_space<hbm>>
    %dma_start3A_64 = tpu.memref_slice %arg4[%add3A_62] : memref<327680xi32, #tpu.memory_space<hbm>> -> memref<64xi32, #tpu.memory_space<hbm>>
    tpu.enqueue_dma source(%dma_start3A_64 : memref<64xi32, #tpu.memory_space<hbm>>) target(%arg14 : memref<64xi32, #tpu.memory_space<vmem>>) target_semaphore(%arg31 : memref<!tpu.dma_semaphore, #tpu.memory_space<semaphore_mem>>)
    %add3A_65 = arith.constant 256 : i32
    %add3A_66 = arith.addi %mul3A_2, %add3A_65 : i32
    %dma_start3A_67 = tpu.memref_slice %arg3[%add3A_66] : memref<327680xi32, #tpu.memory_space<hbm>> -> memref<64xi32, #tpu.memory_space<hbm>>
    %dma_start3A_68 = tpu.memref_slice %arg3[%add3A_66] : memref<327680xi32, #tpu.memory_space<hbm>> -> memref<64xi32, #tpu.memory_space<hbm>>
    tpu.enqueue_dma source(%dma_start3A_68 : memref<64xi32, #tpu.memory_space<hbm>>) target(%arg10 : memref<64xi32, #tpu.memory_space<vmem>>) target_semaphore(%arg27 : memref<!tpu.dma_semaphore, #tpu.memory_space<semaphore_mem>>)
    %add3A_69 = arith.constant 256 : i32
    %add3A_70 = arith.addi %mul3A_2, %add3A_69 : i32
    %dma_start3A_71 = tpu.memref_slice %arg4[%add3A_70] : memref<327680xi32, #tpu.memory_space<hbm>> -> memref<64xi32, #tpu.memory_space<hbm>>
    %dma_start3A_72 = tpu.memref_slice %arg4[%add3A_70] : memref<327680xi32, #tpu.memory_space<hbm>> -> memref<64xi32, #tpu.memory_space<hbm>>
    tpu.enqueue_dma source(%dma_start3A_72 : memref<64xi32, #tpu.memory_space<hbm>>) target(%arg15 : memref<64xi32, #tpu.memory_space<vmem>>) target_semaphore(%arg32 : memref<!tpu.dma_semaphore, #tpu.memory_space<semaphore_mem>>)
    %dma_wait3A = arith.constant 0 : i32
    %dma_wait3A_73 = tpu.memref_slice %arg3[%dma_wait3A] : memref<327680xi32, #tpu.memory_space<hbm>> -> memref<64xi32, #tpu.memory_space<hbm>>
    %dma_wait3A_74 = arith.constant 0 : i32
    %dma_wait3A_75 = tpu.memref_slice %arg3[%dma_wait3A_74] : memref<327680xi32, #tpu.memory_space<hbm>> -> memref<64xi32, #tpu.memory_space<hbm>>
    tpu.wait_dma2 semaphore(%arg23 : memref<!tpu.dma_semaphore, #tpu.memory_space<semaphore_mem>>) src(%dma_wait3A_75 : memref<64xi32, #tpu.memory_space<hbm>>) dst(%arg6 : memref<64xi32, #tpu.memory_space<vmem>>)
    %dma_start3A_76 = arith.constant 0 : i32
    %dma_start3A_77 = arith.constant 0 : i32
    %dma_start3A_78 = arith.constant 0 : i32
    %dma_start3A_79 = tpu.memref_slice %arg21[%dma_start3A_76, %dma_start3A_77, %dma_start3A_78] : memref<5x64x128xf32, #tpu.memory_space<vmem>> -> memref<1x64x128xf32, #tpu.memory_space<vmem>>
    %dma_start3A_80 = tpu.memref_squeeze %dma_start3A_79 : memref<1x64x128xf32, #tpu.memory_space<vmem>> -> memref<64x128xf32, #tpu.memory_space<vmem>>
    %dma_start3A_81 = arith.constant 0 : i32
    %dma_start3A_82 = arith.constant 0 : i32
    %dma_start3A_83 = tpu.memref_slice %arg2[%dma_start3A_81, %dma_start3A_82] : memref<10000x128xf32, #tpu.memory_space<hbm>> -> memref<10000x128xf32, #tpu.memory_space<hbm>>
    tpu.enqueue_indirect_dma source(%dma_start3A_83 : memref<10000x128xf32, #tpu.memory_space<hbm>>) target(%dma_start3A_80 : memref<64x128xf32, #tpu.memory_space<vmem>>) offsets(%arg6 : memref<64xi32, #tpu.memory_space<vmem>>) semaphore(%arg38 : memref<!tpu.dma_semaphore, #tpu.memory_space<semaphore_mem>>)
    %dma_wait3A_84 = arith.constant 0 : i32
    %dma_wait3A_85 = tpu.memref_slice %arg3[%dma_wait3A_84] : memref<327680xi32, #tpu.memory_space<hbm>> -> memref<64xi32, #tpu.memory_space<hbm>>
    %dma_wait3A_86 = arith.constant 0 : i32
    %dma_wait3A_87 = tpu.memref_slice %arg3[%dma_wait3A_86] : memref<327680xi32, #tpu.memory_space<hbm>> -> memref<64xi32, #tpu.memory_space<hbm>>
    tpu.wait_dma2 semaphore(%arg24 : memref<!tpu.dma_semaphore, #tpu.memory_space<semaphore_mem>>) src(%dma_wait3A_87 : memref<64xi32, #tpu.memory_space<hbm>>) dst(%arg7 : memref<64xi32, #tpu.memory_space<vmem>>)
    %dma_start3A_88 = arith.constant 1 : i32
    %dma_start3A_89 = arith.constant 0 : i32
    %dma_start3A_90 = arith.constant 0 : i32
    %dma_start3A_91 = tpu.memref_slice %arg21[%dma_start3A_88, %dma_start3A_89, %dma_start3A_90] : memref<5x64x128xf32, #tpu.memory_space<vmem>> -> memref<1x64x128xf32, #tpu.memory_space<vmem>>
    %dma_start3A_92 = tpu.memref_squeeze %dma_start3A_91 : memref<1x64x128xf32, #tpu.memory_space<vmem>> -> memref<64x128xf32, #tpu.memory_space<vmem>>
    %dma_start3A_93 = arith.constant 0 : i32
    %dma_start3A_94 = arith.constant 0 : i32
    %dma_start3A_95 = tpu.memref_slice %arg2[%dma_start3A_93, %dma_start3A_94] : memref<10000x128xf32, #tpu.memory_space<hbm>> -> memref<10000x128xf32, #tpu.memory_space<hbm>>
    tpu.enqueue_indirect_dma source(%dma_start3A_95 : memref<10000x128xf32, #tpu.memory_space<hbm>>) target(%dma_start3A_92 : memref<64x128xf32, #tpu.memory_space<vmem>>) offsets(%arg7 : memref<64xi32, #tpu.memory_space<vmem>>) semaphore(%arg39 : memref<!tpu.dma_semaphore, #tpu.memory_space<semaphore_mem>>)
    %dma_wait3A_96 = arith.constant 0 : i32
    %dma_wait3A_97 = tpu.memref_slice %arg3[%dma_wait3A_96] : memref<327680xi32, #tpu.memory_space<hbm>> -> memref<64xi32, #tpu.memory_space<hbm>>
    %dma_wait3A_98 = arith.constant 0 : i32
    %dma_wait3A_99 = tpu.memref_slice %arg3[%dma_wait3A_98] : memref<327680xi32, #tpu.memory_space<hbm>> -> memref<64xi32, #tpu.memory_space<hbm>>
    tpu.wait_dma2 semaphore(%arg25 : memref<!tpu.dma_semaphore, #tpu.memory_space<semaphore_mem>>) src(%dma_wait3A_99 : memref<64xi32, #tpu.memory_space<hbm>>) dst(%arg8 : memref<64xi32, #tpu.memory_space<vmem>>)
    %dma_start3A_100 = arith.constant 2 : i32
    %dma_start3A_101 = arith.constant 0 : i32
    %dma_start3A_102 = arith.constant 0 : i32
    %dma_start3A_103 = tpu.memref_slice %arg21[%dma_start3A_100, %dma_start3A_101, %dma_start3A_102] : memref<5x64x128xf32, #tpu.memory_space<vmem>> -> memref<1x64x128xf32, #tpu.memory_space<vmem>>
    %dma_start3A_104 = tpu.memref_squeeze %dma_start3A_103 : memref<1x64x128xf32, #tpu.memory_space<vmem>> -> memref<64x128xf32, #tpu.memory_space<vmem>>
    %dma_start3A_105 = arith.constant 0 : i32
    %dma_start3A_106 = arith.constant 0 : i32
    %dma_start3A_107 = tpu.memref_slice %arg2[%dma_start3A_105, %dma_start3A_106] : memref<10000x128xf32, #tpu.memory_space<hbm>> -> memref<10000x128xf32, #tpu.memory_space<hbm>>
    tpu.enqueue_indirect_dma source(%dma_start3A_107 : memref<10000x128xf32, #tpu.memory_space<hbm>>) target(%dma_start3A_104 : memref<64x128xf32, #tpu.memory_space<vmem>>) offsets(%arg8 : memref<64xi32, #tpu.memory_space<vmem>>) semaphore(%arg40 : memref<!tpu.dma_semaphore, #tpu.memory_space<semaphore_mem>>)
    %dma_wait3A_108 = arith.constant 0 : i32
    %dma_wait3A_109 = tpu.memref_slice %arg3[%dma_wait3A_108] : memref<327680xi32, #tpu.memory_space<hbm>> -> memref<64xi32, #tpu.memory_space<hbm>>
    %dma_wait3A_110 = arith.constant 0 : i32
    %dma_wait3A_111 = tpu.memref_slice %arg3[%dma_wait3A_110] : memref<327680xi32, #tpu.memory_space<hbm>> -> memref<64xi32, #tpu.memory_space<hbm>>
    tpu.wait_dma2 semaphore(%arg26 : memref<!tpu.dma_semaphore, #tpu.memory_space<semaphore_mem>>) src(%dma_wait3A_111 : memref<64xi32, #tpu.memory_space<hbm>>) dst(%arg9 : memref<64xi32, #tpu.memory_space<vmem>>)
    %dma_start3A_112 = arith.constant 3 : i32
    %dma_start3A_113 = arith.constant 0 : i32
    %dma_start3A_114 = arith.constant 0 : i32
    %dma_start3A_115 = tpu.memref_slice %arg21[%dma_start3A_112, %dma_start3A_113, %dma_start3A_114] : memref<5x64x128xf32, #tpu.memory_space<vmem>> -> memref<1x64x128xf32, #tpu.memory_space<vmem>>
    %dma_start3A_116 = tpu.memref_squeeze %dma_start3A_115 : memref<1x64x128xf32, #tpu.memory_space<vmem>> -> memref<64x128xf32, #tpu.memory_space<vmem>>
    %dma_start3A_117 = arith.constant 0 : i32
    %dma_start3A_118 = arith.constant 0 : i32
    %dma_start3A_119 = tpu.memref_slice %arg2[%dma_start3A_117, %dma_start3A_118] : memref<10000x128xf32, #tpu.memory_space<hbm>> -> memref<10000x128xf32, #tpu.memory_space<hbm>>
    tpu.enqueue_indirect_dma source(%dma_start3A_119 : memref<10000x128xf32, #tpu.memory_space<hbm>>) target(%dma_start3A_116 : memref<64x128xf32, #tpu.memory_space<vmem>>) offsets(%arg9 : memref<64xi32, #tpu.memory_space<vmem>>) semaphore(%arg41 : memref<!tpu.dma_semaphore, #tpu.memory_space<semaphore_mem>>)
    %scan3A_120 = arith.constant 0 : i32
    %scan3A_121 = arith.constant 0 : i32
    %scan3A_122 = arith.constant 16 : i32
    %scan3A_123 = arith.addi %scan3A_121, %scan3A_122 : i32
    %scan3A_124 = arith.constant 1 : i32
    %scan3A_125 = scf.for %scan3A_188 = %scan3A_121 to %scan3A_123 step %scan3A_124 iter_args(%scan3A_189 = %scan3A_120) -> (i32)  : i32 {
      %mul3A_190 = arith.constant 10 : i32
      %mul3A_191 = arith.muli %scan3A_188, %mul3A_190 : i32
      %add3A_192 = arith.constant 0 : i32
      %add3A_193 = arith.addi %mul3A_191, %add3A_192 : i32
      %dma_wait3A_194 = arith.constant 0 : i32
      %dma_wait3A_195 = arith.constant 0 : i32
      %dma_wait3A_196 = arith.constant 0 : i32
      %dma_wait3A_197 = tpu.memref_slice %arg21[%dma_wait3A_194, %dma_wait3A_195, %dma_wait3A_196] : memref<5x64x128xf32, #tpu.memory_space<vmem>> -> memref<1x64x128xf32, #tpu.memory_space<vmem>>
      %dma_wait3A_198 = tpu.memref_squeeze %dma_wait3A_197 : memref<1x64x128xf32, #tpu.memory_space<vmem>> -> memref<64x128xf32, #tpu.memory_space<vmem>>
      %dma_wait3A_199 = arith.constant 0 : i32
      %dma_wait3A_200 = arith.constant 0 : i32
      %dma_wait3A_201 = tpu.memref_slice %arg2[%dma_wait3A_199, %dma_wait3A_200] : memref<10000x128xf32, #tpu.memory_space<hbm>> -> memref<10000x128xf32, #tpu.memory_space<hbm>>
      tpu.wait_indirect_dma semaphore(%arg38 : memref<!tpu.dma_semaphore, #tpu.memory_space<semaphore_mem>>) src(%dma_wait3A_201 : memref<10000x128xf32, #tpu.memory_space<hbm>>) dst(%dma_wait3A_198 : memref<64x128xf32, #tpu.memory_space<vmem>>)
      %dma_wait3A_202 = arith.constant 0 : i32
      %dma_wait3A_203 = tpu.memref_slice %arg4[%dma_wait3A_202] : memref<327680xi32, #tpu.memory_space<hbm>> -> memref<64xi32, #tpu.memory_space<hbm>>
      %dma_wait3A_204 = arith.constant 0 : i32
      %dma_wait3A_205 = tpu.memref_slice %arg4[%dma_wait3A_204] : memref<327680xi32, #tpu.memory_space<hbm>> -> memref<64xi32, #tpu.memory_space<hbm>>
      tpu.wait_dma2 semaphore(%arg28 : memref<!tpu.dma_semaphore, #tpu.memory_space<semaphore_mem>>) src(%dma_wait3A_205 : memref<64xi32, #tpu.memory_space<hbm>>) dst(%arg11 : memref<64xi32, #tpu.memory_space<vmem>>)
      %dma_start3A_206 = arith.constant 0 : i32
      %dma_start3A_207 = arith.constant 0 : i32
      %dma_start3A_208 = arith.constant 0 : i32
      %dma_start3A_209 = tpu.memref_slice %arg21[%dma_start3A_206, %dma_start3A_207, %dma_start3A_208] : memref<5x64x128xf32, #tpu.memory_space<vmem>> -> memref<1x64x128xf32, #tpu.memory_space<vmem>>
      %dma_start3A_210 = tpu.memref_squeeze %dma_start3A_209 : memref<1x64x128xf32, #tpu.memory_space<vmem>> -> memref<64x128xf32, #tpu.memory_space<vmem>>
      %dma_start3A_211 = arith.constant 0 : i32
      %dma_start3A_212 = arith.constant 0 : i32
      %dma_start3A_213 = tpu.memref_slice %arg22[%dma_start3A_211, %dma_start3A_212] : memref<10240x128xf32, #tpu.memory_space<vmem_shared>> -> memref<10240x128xf32, #tpu.memory_space<vmem_shared>>
      tpu.enqueue_indirect_dma source(%dma_start3A_210 : memref<64x128xf32, #tpu.memory_space<vmem>>) target(%dma_start3A_213 : memref<10240x128xf32, #tpu.memory_space<vmem_shared>>) offsets(%arg11 : memref<64xi32, #tpu.memory_space<vmem>>) semaphore(%arg43 : memref<!tpu.dma_semaphore, #tpu.memory_space<semaphore_mem>>) {add = true}
      %add3A_214 = arith.constant 5 : i32
      %add3A_215 = arith.addi %add3A_193, %add3A_214 : i32
      %lt3A = arith.constant 160 : i32
      %lt3A_216 = arith.cmpi slt, %add3A_215, %lt3A : i32
      %convert_element_type3A = arith.extui %lt3A_216 : i1 to i32
      %cond3A = arith.constant 0 : i32
      %cond3A_217 = arith.cmpi ne, %convert_element_type3A, %cond3A : i32
      scf.if %cond3A_217 {
        %add3A_568 = arith.constant 5 : i32
        %add3A_569 = arith.addi %add3A_193, %add3A_568 : i32
        %mul3A_570 = arith.constant 64 : i32
        %mul3A_571 = arith.muli %add3A_569, %mul3A_570 : i32
        %add3A_572 = arith.addi %mul3A_2, %mul3A_571 : i32
        %dma_start3A_573 = tpu.memref_slice %arg3[%add3A_572] : memref<327680xi32, #tpu.memory_space<hbm>> -> memref<64xi32, #tpu.memory_space<hbm>>
        %dma_start3A_574 = tpu.memref_slice %arg3[%add3A_572] : memref<327680xi32, #tpu.memory_space<hbm>> -> memref<64xi32, #tpu.memory_space<hbm>>
        tpu.enqueue_dma source(%dma_start3A_574 : memref<64xi32, #tpu.memory_space<hbm>>) target(%arg6 : memref<64xi32, #tpu.memory_space<vmem>>) target_semaphore(%arg23 : memref<!tpu.dma_semaphore, #tpu.memory_space<semaphore_mem>>)
        %mul3A_575 = arith.constant 64 : i32
        %mul3A_576 = arith.muli %add3A_569, %mul3A_575 : i32
        %add3A_577 = arith.addi %mul3A_2, %mul3A_576 : i32
        %dma_start3A_578 = tpu.memref_slice %arg4[%add3A_577] : memref<327680xi32, #tpu.memory_space<hbm>> -> memref<64xi32, #tpu.memory_space<hbm>>
        %dma_start3A_579 = tpu.memref_slice %arg4[%add3A_577] : memref<327680xi32, #tpu.memory_space<hbm>> -> memref<64xi32, #tpu.memory_space<hbm>>
        tpu.enqueue_dma source(%dma_start3A_579 : memref<64xi32, #tpu.memory_space<hbm>>) target(%arg16 : memref<64xi32, #tpu.memory_space<vmem>>) target_semaphore(%arg33 : memref<!tpu.dma_semaphore, #tpu.memory_space<semaphore_mem>>)
      } else {
      }
      %add3A_218 = arith.constant 4 : i32
      %add3A_219 = arith.addi %add3A_193, %add3A_218 : i32
      %lt3A_220 = arith.constant 160 : i32
      %lt3A_221 = arith.cmpi slt, %add3A_219, %lt3A_220 : i32
      %convert_element_type3A_222 = arith.extui %lt3A_221 : i1 to i32
      %cond3A_223 = arith.constant 0 : i32
      %cond3A_224 = arith.cmpi ne, %convert_element_type3A_222, %cond3A_223 : i32
      scf.if %cond3A_224 {
        %ge3A = arith.constant 5 : i32
        %ge3A_568 = arith.cmpi sge, %add3A_219, %ge3A : i32
        %convert_element_type3A_569 = arith.extui %ge3A_568 : i1 to i32
        %cond3A_570 = arith.constant 0 : i32
        %cond3A_571 = arith.cmpi ne, %convert_element_type3A_569, %cond3A_570 : i32
        scf.if %cond3A_571 {
          %dma_wait3A_584 = arith.constant 4 : i32
          %dma_wait3A_585 = arith.constant 0 : i32
          %dma_wait3A_586 = arith.constant 0 : i32
          %dma_wait3A_587 = tpu.memref_slice %arg21[%dma_wait3A_584, %dma_wait3A_585, %dma_wait3A_586] : memref<5x64x128xf32, #tpu.memory_space<vmem>> -> memref<1x64x128xf32, #tpu.memory_space<vmem>>
          %dma_wait3A_588 = tpu.memref_squeeze %dma_wait3A_587 : memref<1x64x128xf32, #tpu.memory_space<vmem>> -> memref<64x128xf32, #tpu.memory_space<vmem>>
          %dma_wait3A_589 = arith.constant 0 : i32
          %dma_wait3A_590 = arith.constant 0 : i32
          %dma_wait3A_591 = tpu.memref_slice %arg22[%dma_wait3A_589, %dma_wait3A_590] : memref<10240x128xf32, #tpu.memory_space<vmem_shared>> -> memref<10240x128xf32, #tpu.memory_space<vmem_shared>>
          tpu.wait_indirect_dma semaphore(%arg47 : memref<!tpu.dma_semaphore, #tpu.memory_space<semaphore_mem>>) src(%dma_wait3A_588 : memref<64x128xf32, #tpu.memory_space<vmem>>) dst(%dma_wait3A_591 : memref<10240x128xf32, #tpu.memory_space<vmem_shared>>)
        } else {
        }
        %dma_wait3A_572 = arith.constant 0 : i32
        %dma_wait3A_573 = tpu.memref_slice %arg3[%dma_wait3A_572] : memref<327680xi32, #tpu.memory_space<hbm>> -> memref<64xi32, #tpu.memory_space<hbm>>
        %dma_wait3A_574 = arith.constant 0 : i32
        %dma_wait3A_575 = tpu.memref_slice %arg3[%dma_wait3A_574] : memref<327680xi32, #tpu.memory_space<hbm>> -> memref<64xi32, #tpu.memory_space<hbm>>
        tpu.wait_dma2 semaphore(%arg27 : memref<!tpu.dma_semaphore, #tpu.memory_space<semaphore_mem>>) src(%dma_wait3A_575 : memref<64xi32, #tpu.memory_space<hbm>>) dst(%arg10 : memref<64xi32, #tpu.memory_space<vmem>>)
        %dma_start3A_576 = arith.constant 4 : i32
        %dma_start3A_577 = arith.constant 0 : i32
        %dma_start3A_578 = arith.constant 0 : i32
        %dma_start3A_579 = tpu.memref_slice %arg21[%dma_start3A_576, %dma_start3A_577, %dma_start3A_578] : memref<5x64x128xf32, #tpu.memory_space<vmem>> -> memref<1x64x128xf32, #tpu.memory_space<vmem>>
        %dma_start3A_580 = tpu.memref_squeeze %dma_start3A_579 : memref<1x64x128xf32, #tpu.memory_space<vmem>> -> memref<64x128xf32, #tpu.memory_space<vmem>>
        %dma_start3A_581 = arith.constant 0 : i32
        %dma_start3A_582 = arith.constant 0 : i32
        %dma_start3A_583 = tpu.memref_slice %arg2[%dma_start3A_581, %dma_start3A_582] : memref<10000x128xf32, #tpu.memory_space<hbm>> -> memref<10000x128xf32, #tpu.memory_space<hbm>>
        tpu.enqueue_indirect_dma source(%dma_start3A_583 : memref<10000x128xf32, #tpu.memory_space<hbm>>) target(%dma_start3A_580 : memref<64x128xf32, #tpu.memory_space<vmem>>) offsets(%arg10 : memref<64xi32, #tpu.memory_space<vmem>>) semaphore(%arg42 : memref<!tpu.dma_semaphore, #tpu.memory_space<semaphore_mem>>)
      } else {
      }
      %mul3A_225 = arith.constant 10 : i32
      %mul3A_226 = arith.muli %scan3A_188, %mul3A_225 : i32
      %add3A_227 = arith.constant 1 : i32
      %add3A_228 = arith.addi %mul3A_226, %add3A_227 : i32
      %dma_wait3A_229 = arith.constant 1 : i32
      %dma_wait3A_230 = arith.constant 0 : i32
      %dma_wait3A_231 = arith.constant 0 : i32
      %dma_wait3A_232 = tpu.memref_slice %arg21[%dma_wait3A_229, %dma_wait3A_230, %dma_wait3A_231] : memref<5x64x128xf32, #tpu.memory_space<vmem>> -> memref<1x64x128xf32, #tpu.memory_space<vmem>>
      %dma_wait3A_233 = tpu.memref_squeeze %dma_wait3A_232 : memref<1x64x128xf32, #tpu.memory_space<vmem>> -> memref<64x128xf32, #tpu.memory_space<vmem>>
      %dma_wait3A_234 = arith.constant 0 : i32
      %dma_wait3A_235 = arith.constant 0 : i32
      %dma_wait3A_236 = tpu.memref_slice %arg2[%dma_wait3A_234, %dma_wait3A_235] : memref<10000x128xf32, #tpu.memory_space<hbm>> -> memref<10000x128xf32, #tpu.memory_space<hbm>>
      tpu.wait_indirect_dma semaphore(%arg39 : memref<!tpu.dma_semaphore, #tpu.memory_space<semaphore_mem>>) src(%dma_wait3A_236 : memref<10000x128xf32, #tpu.memory_space<hbm>>) dst(%dma_wait3A_233 : memref<64x128xf32, #tpu.memory_space<vmem>>)
      %dma_wait3A_237 = arith.constant 0 : i32
      %dma_wait3A_238 = tpu.memref_slice %arg4[%dma_wait3A_237] : memref<327680xi32, #tpu.memory_space<hbm>> -> memref<64xi32, #tpu.memory_space<hbm>>
      %dma_wait3A_239 = arith.constant 0 : i32
      %dma_wait3A_240 = tpu.memref_slice %arg4[%dma_wait3A_239] : memref<327680xi32, #tpu.memory_space<hbm>> -> memref<64xi32, #tpu.memory_space<hbm>>
      tpu.wait_dma2 semaphore(%arg29 : memref<!tpu.dma_semaphore, #tpu.memory_space<semaphore_mem>>) src(%dma_wait3A_240 : memref<64xi32, #tpu.memory_space<hbm>>) dst(%arg12 : memref<64xi32, #tpu.memory_space<vmem>>)
      %dma_start3A_241 = arith.constant 1 : i32
      %dma_start3A_242 = arith.constant 0 : i32
      %dma_start3A_243 = arith.constant 0 : i32
      %dma_start3A_244 = tpu.memref_slice %arg21[%dma_start3A_241, %dma_start3A_242, %dma_start3A_243] : memref<5x64x128xf32, #tpu.memory_space<vmem>> -> memref<1x64x128xf32, #tpu.memory_space<vmem>>
      %dma_start3A_245 = tpu.memref_squeeze %dma_start3A_244 : memref<1x64x128xf32, #tpu.memory_space<vmem>> -> memref<64x128xf32, #tpu.memory_space<vmem>>
      %dma_start3A_246 = arith.constant 0 : i32
      %dma_start3A_247 = arith.constant 0 : i32
      %dma_start3A_248 = tpu.memref_slice %arg22[%dma_start3A_246, %dma_start3A_247] : memref<10240x128xf32, #tpu.memory_space<vmem_shared>> -> memref<10240x128xf32, #tpu.memory_space<vmem_shared>>
      tpu.enqueue_indirect_dma source(%dma_start3A_245 : memref<64x128xf32, #tpu.memory_space<vmem>>) target(%dma_start3A_248 : memref<10240x128xf32, #tpu.memory_space<vmem_shared>>) offsets(%arg12 : memref<64xi32, #tpu.memory_space<vmem>>) semaphore(%arg44 : memref<!tpu.dma_semaphore, #tpu.memory_space<semaphore_mem>>) {add = true}
      %add3A_249 = arith.constant 5 : i32
      %add3A_250 = arith.addi %add3A_228, %add3A_249 : i32
      %lt3A_251 = arith.constant 160 : i32
      %lt3A_252 = arith.cmpi slt, %add3A_250, %lt3A_251 : i32
      %convert_element_type3A_253 = arith.extui %lt3A_252 : i1 to i32
      %cond3A_254 = arith.constant 0 : i32
      %cond3A_255 = arith.cmpi ne, %convert_element_type3A_253, %cond3A_254 : i32
      scf.if %cond3A_255 {
        %add3A_568 = arith.constant 5 : i32
        %add3A_569 = arith.addi %add3A_228, %add3A_568 : i32
        %mul3A_570 = arith.constant 64 : i32
        %mul3A_571 = arith.muli %add3A_569, %mul3A_570 : i32
        %add3A_572 = arith.addi %mul3A_2, %mul3A_571 : i32
        %dma_start3A_573 = tpu.memref_slice %arg3[%add3A_572] : memref<327680xi32, #tpu.memory_space<hbm>> -> memref<64xi32, #tpu.memory_space<hbm>>
        %dma_start3A_574 = tpu.memref_slice %arg3[%add3A_572] : memref<327680xi32, #tpu.memory_space<hbm>> -> memref<64xi32, #tpu.memory_space<hbm>>
        tpu.enqueue_dma source(%dma_start3A_574 : memref<64xi32, #tpu.memory_space<hbm>>) target(%arg7 : memref<64xi32, #tpu.memory_space<vmem>>) target_semaphore(%arg24 : memref<!tpu.dma_semaphore, #tpu.memory_space<semaphore_mem>>)
        %mul3A_575 = arith.constant 64 : i32
        %mul3A_576 = arith.muli %add3A_569, %mul3A_575 : i32
        %add3A_577 = arith.addi %mul3A_2, %mul3A_576 : i32
        %dma_start3A_578 = tpu.memref_slice %arg4[%add3A_577] : memref<327680xi32, #tpu.memory_space<hbm>> -> memref<64xi32, #tpu.memory_space<hbm>>
        %dma_start3A_579 = tpu.memref_slice %arg4[%add3A_577] : memref<327680xi32, #tpu.memory_space<hbm>> -> memref<64xi32, #tpu.memory_space<hbm>>
        tpu.enqueue_dma source(%dma_start3A_579 : memref<64xi32, #tpu.memory_space<hbm>>) target(%arg17 : memref<64xi32, #tpu.memory_space<vmem>>) target_semaphore(%arg34 : memref<!tpu.dma_semaphore, #tpu.memory_space<semaphore_mem>>)
      } else {
      }
      %add3A_256 = arith.constant 4 : i32
      %add3A_257 = arith.addi %add3A_228, %add3A_256 : i32
      %lt3A_258 = arith.constant 160 : i32
      %lt3A_259 = arith.cmpi slt, %add3A_257, %lt3A_258 : i32
      %convert_element_type3A_260 = arith.extui %lt3A_259 : i1 to i32
      %cond3A_261 = arith.constant 0 : i32
      %cond3A_262 = arith.cmpi ne, %convert_element_type3A_260, %cond3A_261 : i32
      scf.if %cond3A_262 {
        %ge3A = arith.constant 5 : i32
        %ge3A_568 = arith.cmpi sge, %add3A_257, %ge3A : i32
        %convert_element_type3A_569 = arith.extui %ge3A_568 : i1 to i32
        %cond3A_570 = arith.constant 0 : i32
        %cond3A_571 = arith.cmpi ne, %convert_element_type3A_569, %cond3A_570 : i32
        scf.if %cond3A_571 {
          %dma_wait3A_584 = arith.constant 0 : i32
          %dma_wait3A_585 = arith.constant 0 : i32
          %dma_wait3A_586 = arith.constant 0 : i32
          %dma_wait3A_587 = tpu.memref_slice %arg21[%dma_wait3A_584, %dma_wait3A_585, %dma_wait3A_586] : memref<5x64x128xf32, #tpu.memory_space<vmem>> -> memref<1x64x128xf32, #tpu.memory_space<vmem>>
          %dma_wait3A_588 = tpu.memref_squeeze %dma_wait3A_587 : memref<1x64x128xf32, #tpu.memory_space<vmem>> -> memref<64x128xf32, #tpu.memory_space<vmem>>
          %dma_wait3A_589 = arith.constant 0 : i32
          %dma_wait3A_590 = arith.constant 0 : i32
          %dma_wait3A_591 = tpu.memref_slice %arg22[%dma_wait3A_589, %dma_wait3A_590] : memref<10240x128xf32, #tpu.memory_space<vmem_shared>> -> memref<10240x128xf32, #tpu.memory_space<vmem_shared>>
          tpu.wait_indirect_dma semaphore(%arg43 : memref<!tpu.dma_semaphore, #tpu.memory_space<semaphore_mem>>) src(%dma_wait3A_588 : memref<64x128xf32, #tpu.memory_space<vmem>>) dst(%dma_wait3A_591 : memref<10240x128xf32, #tpu.memory_space<vmem_shared>>)
        } else {
        }
        %dma_wait3A_572 = arith.constant 0 : i32
        %dma_wait3A_573 = tpu.memref_slice %arg3[%dma_wait3A_572] : memref<327680xi32, #tpu.memory_space<hbm>> -> memref<64xi32, #tpu.memory_space<hbm>>
        %dma_wait3A_574 = arith.constant 0 : i32
        %dma_wait3A_575 = tpu.memref_slice %arg3[%dma_wait3A_574] : memref<327680xi32, #tpu.memory_space<hbm>> -> memref<64xi32, #tpu.memory_space<hbm>>
        tpu.wait_dma2 semaphore(%arg23 : memref<!tpu.dma_semaphore, #tpu.memory_space<semaphore_mem>>) src(%dma_wait3A_575 : memref<64xi32, #tpu.memory_space<hbm>>) dst(%arg6 : memref<64xi32, #tpu.memory_space<vmem>>)
        %dma_start3A_576 = arith.constant 0 : i32
        %dma_start3A_577 = arith.constant 0 : i32
        %dma_start3A_578 = arith.constant 0 : i32
        %dma_start3A_579 = tpu.memref_slice %arg21[%dma_start3A_576, %dma_start3A_577, %dma_start3A_578] : memref<5x64x128xf32, #tpu.memory_space<vmem>> -> memref<1x64x128xf32, #tpu.memory_space<vmem>>
        %dma_start3A_580 = tpu.memref_squeeze %dma_start3A_579 : memref<1x64x128xf32, #tpu.memory_space<vmem>> -> memref<64x128xf32, #tpu.memory_space<vmem>>
        %dma_start3A_581 = arith.constant 0 : i32
        %dma_start3A_582 = arith.constant 0 : i32
        %dma_start3A_583 = tpu.memref_slice %arg2[%dma_start3A_581, %dma_start3A_582] : memref<10000x128xf32, #tpu.memory_space<hbm>> -> memref<10000x128xf32, #tpu.memory_space<hbm>>
        tpu.enqueue_indirect_dma source(%dma_start3A_583 : memref<10000x128xf32, #tpu.memory_space<hbm>>) target(%dma_start3A_580 : memref<64x128xf32, #tpu.memory_space<vmem>>) offsets(%arg6 : memref<64xi32, #tpu.memory_space<vmem>>) semaphore(%arg38 : memref<!tpu.dma_semaphore, #tpu.memory_space<semaphore_mem>>)
      } else {
      }
      %mul3A_263 = arith.constant 10 : i32
      %mul3A_264 = arith.muli %scan3A_188, %mul3A_263 : i32
      %add3A_265 = arith.constant 2 : i32
      %add3A_266 = arith.addi %mul3A_264, %add3A_265 : i32
      %dma_wait3A_267 = arith.constant 2 : i32
      %dma_wait3A_268 = arith.constant 0 : i32
      %dma_wait3A_269 = arith.constant 0 : i32
      %dma_wait3A_270 = tpu.memref_slice %arg21[%dma_wait3A_267, %dma_wait3A_268, %dma_wait3A_269] : memref<5x64x128xf32, #tpu.memory_space<vmem>> -> memref<1x64x128xf32, #tpu.memory_space<vmem>>
      %dma_wait3A_271 = tpu.memref_squeeze %dma_wait3A_270 : memref<1x64x128xf32, #tpu.memory_space<vmem>> -> memref<64x128xf32, #tpu.memory_space<vmem>>
      %dma_wait3A_272 = arith.constant 0 : i32
      %dma_wait3A_273 = arith.constant 0 : i32
      %dma_wait3A_274 = tpu.memref_slice %arg2[%dma_wait3A_272, %dma_wait3A_273] : memref<10000x128xf32, #tpu.memory_space<hbm>> -> memref<10000x128xf32, #tpu.memory_space<hbm>>
      tpu.wait_indirect_dma semaphore(%arg40 : memref<!tpu.dma_semaphore, #tpu.memory_space<semaphore_mem>>) src(%dma_wait3A_274 : memref<10000x128xf32, #tpu.memory_space<hbm>>) dst(%dma_wait3A_271 : memref<64x128xf32, #tpu.memory_space<vmem>>)
      %dma_wait3A_275 = arith.constant 0 : i32
      %dma_wait3A_276 = tpu.memref_slice %arg4[%dma_wait3A_275] : memref<327680xi32, #tpu.memory_space<hbm>> -> memref<64xi32, #tpu.memory_space<hbm>>
      %dma_wait3A_277 = arith.constant 0 : i32
      %dma_wait3A_278 = tpu.memref_slice %arg4[%dma_wait3A_277] : memref<327680xi32, #tpu.memory_space<hbm>> -> memref<64xi32, #tpu.memory_space<hbm>>
      tpu.wait_dma2 semaphore(%arg30 : memref<!tpu.dma_semaphore, #tpu.memory_space<semaphore_mem>>) src(%dma_wait3A_278 : memref<64xi32, #tpu.memory_space<hbm>>) dst(%arg13 : memref<64xi32, #tpu.memory_space<vmem>>)
      %dma_start3A_279 = arith.constant 2 : i32
      %dma_start3A_280 = arith.constant 0 : i32
      %dma_start3A_281 = arith.constant 0 : i32
      %dma_start3A_282 = tpu.memref_slice %arg21[%dma_start3A_279, %dma_start3A_280, %dma_start3A_281] : memref<5x64x128xf32, #tpu.memory_space<vmem>> -> memref<1x64x128xf32, #tpu.memory_space<vmem>>
      %dma_start3A_283 = tpu.memref_squeeze %dma_start3A_282 : memref<1x64x128xf32, #tpu.memory_space<vmem>> -> memref<64x128xf32, #tpu.memory_space<vmem>>
      %dma_start3A_284 = arith.constant 0 : i32
      %dma_start3A_285 = arith.constant 0 : i32
      %dma_start3A_286 = tpu.memref_slice %arg22[%dma_start3A_284, %dma_start3A_285] : memref<10240x128xf32, #tpu.memory_space<vmem_shared>> -> memref<10240x128xf32, #tpu.memory_space<vmem_shared>>
      tpu.enqueue_indirect_dma source(%dma_start3A_283 : memref<64x128xf32, #tpu.memory_space<vmem>>) target(%dma_start3A_286 : memref<10240x128xf32, #tpu.memory_space<vmem_shared>>) offsets(%arg13 : memref<64xi32, #tpu.memory_space<vmem>>) semaphore(%arg45 : memref<!tpu.dma_semaphore, #tpu.memory_space<semaphore_mem>>) {add = true}
      %add3A_287 = arith.constant 5 : i32
      %add3A_288 = arith.addi %add3A_266, %add3A_287 : i32
      %lt3A_289 = arith.constant 160 : i32
      %lt3A_290 = arith.cmpi slt, %add3A_288, %lt3A_289 : i32
      %convert_element_type3A_291 = arith.extui %lt3A_290 : i1 to i32
      %cond3A_292 = arith.constant 0 : i32
      %cond3A_293 = arith.cmpi ne, %convert_element_type3A_291, %cond3A_292 : i32
      scf.if %cond3A_293 {
        %add3A_568 = arith.constant 5 : i32
        %add3A_569 = arith.addi %add3A_266, %add3A_568 : i32
        %mul3A_570 = arith.constant 64 : i32
        %mul3A_571 = arith.muli %add3A_569, %mul3A_570 : i32
        %add3A_572 = arith.addi %mul3A_2, %mul3A_571 : i32
        %dma_start3A_573 = tpu.memref_slice %arg3[%add3A_572] : memref<327680xi32, #tpu.memory_space<hbm>> -> memref<64xi32, #tpu.memory_space<hbm>>
        %dma_start3A_574 = tpu.memref_slice %arg3[%add3A_572] : memref<327680xi32, #tpu.memory_space<hbm>> -> memref<64xi32, #tpu.memory_space<hbm>>
        tpu.enqueue_dma source(%dma_start3A_574 : memref<64xi32, #tpu.memory_space<hbm>>) target(%arg8 : memref<64xi32, #tpu.memory_space<vmem>>) target_semaphore(%arg25 : memref<!tpu.dma_semaphore, #tpu.memory_space<semaphore_mem>>)
        %mul3A_575 = arith.constant 64 : i32
        %mul3A_576 = arith.muli %add3A_569, %mul3A_575 : i32
        %add3A_577 = arith.addi %mul3A_2, %mul3A_576 : i32
        %dma_start3A_578 = tpu.memref_slice %arg4[%add3A_577] : memref<327680xi32, #tpu.memory_space<hbm>> -> memref<64xi32, #tpu.memory_space<hbm>>
        %dma_start3A_579 = tpu.memref_slice %arg4[%add3A_577] : memref<327680xi32, #tpu.memory_space<hbm>> -> memref<64xi32, #tpu.memory_space<hbm>>
        tpu.enqueue_dma source(%dma_start3A_579 : memref<64xi32, #tpu.memory_space<hbm>>) target(%arg18 : memref<64xi32, #tpu.memory_space<vmem>>) target_semaphore(%arg35 : memref<!tpu.dma_semaphore, #tpu.memory_space<semaphore_mem>>)
      } else {
      }
      %add3A_294 = arith.constant 4 : i32
      %add3A_295 = arith.addi %add3A_266, %add3A_294 : i32
      %lt3A_296 = arith.constant 160 : i32
      %lt3A_297 = arith.cmpi slt, %add3A_295, %lt3A_296 : i32
      %convert_element_type3A_298 = arith.extui %lt3A_297 : i1 to i32
      %cond3A_299 = arith.constant 0 : i32
      %cond3A_300 = arith.cmpi ne, %convert_element_type3A_298, %cond3A_299 : i32
      scf.if %cond3A_300 {
        %ge3A = arith.constant 5 : i32
        %ge3A_568 = arith.cmpi sge, %add3A_295, %ge3A : i32
        %convert_element_type3A_569 = arith.extui %ge3A_568 : i1 to i32
        %cond3A_570 = arith.constant 0 : i32
        %cond3A_571 = arith.cmpi ne, %convert_element_type3A_569, %cond3A_570 : i32
        scf.if %cond3A_571 {
          %dma_wait3A_584 = arith.constant 1 : i32
          %dma_wait3A_585 = arith.constant 0 : i32
          %dma_wait3A_586 = arith.constant 0 : i32
          %dma_wait3A_587 = tpu.memref_slice %arg21[%dma_wait3A_584, %dma_wait3A_585, %dma_wait3A_586] : memref<5x64x128xf32, #tpu.memory_space<vmem>> -> memref<1x64x128xf32, #tpu.memory_space<vmem>>
          %dma_wait3A_588 = tpu.memref_squeeze %dma_wait3A_587 : memref<1x64x128xf32, #tpu.memory_space<vmem>> -> memref<64x128xf32, #tpu.memory_space<vmem>>
          %dma_wait3A_589 = arith.constant 0 : i32
          %dma_wait3A_590 = arith.constant 0 : i32
          %dma_wait3A_591 = tpu.memref_slice %arg22[%dma_wait3A_589, %dma_wait3A_590] : memref<10240x128xf32, #tpu.memory_space<vmem_shared>> -> memref<10240x128xf32, #tpu.memory_space<vmem_shared>>
          tpu.wait_indirect_dma semaphore(%arg44 : memref<!tpu.dma_semaphore, #tpu.memory_space<semaphore_mem>>) src(%dma_wait3A_588 : memref<64x128xf32, #tpu.memory_space<vmem>>) dst(%dma_wait3A_591 : memref<10240x128xf32, #tpu.memory_space<vmem_shared>>)
        } else {
        }
        %dma_wait3A_572 = arith.constant 0 : i32
        %dma_wait3A_573 = tpu.memref_slice %arg3[%dma_wait3A_572] : memref<327680xi32, #tpu.memory_space<hbm>> -> memref<64xi32, #tpu.memory_space<hbm>>
        %dma_wait3A_574 = arith.constant 0 : i32
        %dma_wait3A_575 = tpu.memref_slice %arg3[%dma_wait3A_574] : memref<327680xi32, #tpu.memory_space<hbm>> -> memref<64xi32, #tpu.memory_space<hbm>>
        tpu.wait_dma2 semaphore(%arg24 : memref<!tpu.dma_semaphore, #tpu.memory_space<semaphore_mem>>) src(%dma_wait3A_575 : memref<64xi32, #tpu.memory_space<hbm>>) dst(%arg7 : memref<64xi32, #tpu.memory_space<vmem>>)
        %dma_start3A_576 = arith.constant 1 : i32
        %dma_start3A_577 = arith.constant 0 : i32
        %dma_start3A_578 = arith.constant 0 : i32
        %dma_start3A_579 = tpu.memref_slice %arg21[%dma_start3A_576, %dma_start3A_577, %dma_start3A_578] : memref<5x64x128xf32, #tpu.memory_space<vmem>> -> memref<1x64x128xf32, #tpu.memory_space<vmem>>
        %dma_start3A_580 = tpu.memref_squeeze %dma_start3A_579 : memref<1x64x128xf32, #tpu.memory_space<vmem>> -> memref<64x128xf32, #tpu.memory_space<vmem>>
        %dma_start3A_581 = arith.constant 0 : i32
        %dma_start3A_582 = arith.constant 0 : i32
        %dma_start3A_583 = tpu.memref_slice %arg2[%dma_start3A_581, %dma_start3A_582] : memref<10000x128xf32, #tpu.memory_space<hbm>> -> memref<10000x128xf32, #tpu.memory_space<hbm>>
        tpu.enqueue_indirect_dma source(%dma_start3A_583 : memref<10000x128xf32, #tpu.memory_space<hbm>>) target(%dma_start3A_580 : memref<64x128xf32, #tpu.memory_space<vmem>>) offsets(%arg7 : memref<64xi32, #tpu.memory_space<vmem>>) semaphore(%arg39 : memref<!tpu.dma_semaphore, #tpu.memory_space<semaphore_mem>>)
      } else {
      }
      %mul3A_301 = arith.constant 10 : i32
      %mul3A_302 = arith.muli %scan3A_188, %mul3A_301 : i32
      %add3A_303 = arith.constant 3 : i32
      %add3A_304 = arith.addi %mul3A_302, %add3A_303 : i32
      %dma_wait3A_305 = arith.constant 3 : i32
      %dma_wait3A_306 = arith.constant 0 : i32
      %dma_wait3A_307 = arith.constant 0 : i32
      %dma_wait3A_308 = tpu.memref_slice %arg21[%dma_wait3A_305, %dma_wait3A_306, %dma_wait3A_307] : memref<5x64x128xf32, #tpu.memory_space<vmem>> -> memref<1x64x128xf32, #tpu.memory_space<vmem>>
      %dma_wait3A_309 = tpu.memref_squeeze %dma_wait3A_308 : memref<1x64x128xf32, #tpu.memory_space<vmem>> -> memref<64x128xf32, #tpu.memory_space<vmem>>
      %dma_wait3A_310 = arith.constant 0 : i32
      %dma_wait3A_311 = arith.constant 0 : i32
      %dma_wait3A_312 = tpu.memref_slice %arg2[%dma_wait3A_310, %dma_wait3A_311] : memref<10000x128xf32, #tpu.memory_space<hbm>> -> memref<10000x128xf32, #tpu.memory_space<hbm>>
      tpu.wait_indirect_dma semaphore(%arg41 : memref<!tpu.dma_semaphore, #tpu.memory_space<semaphore_mem>>) src(%dma_wait3A_312 : memref<10000x128xf32, #tpu.memory_space<hbm>>) dst(%dma_wait3A_309 : memref<64x128xf32, #tpu.memory_space<vmem>>)
      %dma_wait3A_313 = arith.constant 0 : i32
      %dma_wait3A_314 = tpu.memref_slice %arg4[%dma_wait3A_313] : memref<327680xi32, #tpu.memory_space<hbm>> -> memref<64xi32, #tpu.memory_space<hbm>>
      %dma_wait3A_315 = arith.constant 0 : i32
      %dma_wait3A_316 = tpu.memref_slice %arg4[%dma_wait3A_315] : memref<327680xi32, #tpu.memory_space<hbm>> -> memref<64xi32, #tpu.memory_space<hbm>>
      tpu.wait_dma2 semaphore(%arg31 : memref<!tpu.dma_semaphore, #tpu.memory_space<semaphore_mem>>) src(%dma_wait3A_316 : memref<64xi32, #tpu.memory_space<hbm>>) dst(%arg14 : memref<64xi32, #tpu.memory_space<vmem>>)
      %dma_start3A_317 = arith.constant 3 : i32
      %dma_start3A_318 = arith.constant 0 : i32
      %dma_start3A_319 = arith.constant 0 : i32
      %dma_start3A_320 = tpu.memref_slice %arg21[%dma_start3A_317, %dma_start3A_318, %dma_start3A_319] : memref<5x64x128xf32, #tpu.memory_space<vmem>> -> memref<1x64x128xf32, #tpu.memory_space<vmem>>
      %dma_start3A_321 = tpu.memref_squeeze %dma_start3A_320 : memref<1x64x128xf32, #tpu.memory_space<vmem>> -> memref<64x128xf32, #tpu.memory_space<vmem>>
      %dma_start3A_322 = arith.constant 0 : i32
      %dma_start3A_323 = arith.constant 0 : i32
      %dma_start3A_324 = tpu.memref_slice %arg22[%dma_start3A_322, %dma_start3A_323] : memref<10240x128xf32, #tpu.memory_space<vmem_shared>> -> memref<10240x128xf32, #tpu.memory_space<vmem_shared>>
      tpu.enqueue_indirect_dma source(%dma_start3A_321 : memref<64x128xf32, #tpu.memory_space<vmem>>) target(%dma_start3A_324 : memref<10240x128xf32, #tpu.memory_space<vmem_shared>>) offsets(%arg14 : memref<64xi32, #tpu.memory_space<vmem>>) semaphore(%arg46 : memref<!tpu.dma_semaphore, #tpu.memory_space<semaphore_mem>>) {add = true}
      %add3A_325 = arith.constant 5 : i32
      %add3A_326 = arith.addi %add3A_304, %add3A_325 : i32
      %lt3A_327 = arith.constant 160 : i32
      %lt3A_328 = arith.cmpi slt, %add3A_326, %lt3A_327 : i32
      %convert_element_type3A_329 = arith.extui %lt3A_328 : i1 to i32
      %cond3A_330 = arith.constant 0 : i32
      %cond3A_331 = arith.cmpi ne, %convert_element_type3A_329, %cond3A_330 : i32
      scf.if %cond3A_331 {
        %add3A_568 = arith.constant 5 : i32
        %add3A_569 = arith.addi %add3A_304, %add3A_568 : i32
        %mul3A_570 = arith.constant 64 : i32
        %mul3A_571 = arith.muli %add3A_569, %mul3A_570 : i32
        %add3A_572 = arith.addi %mul3A_2, %mul3A_571 : i32
        %dma_start3A_573 = tpu.memref_slice %arg3[%add3A_572] : memref<327680xi32, #tpu.memory_space<hbm>> -> memref<64xi32, #tpu.memory_space<hbm>>
        %dma_start3A_574 = tpu.memref_slice %arg3[%add3A_572] : memref<327680xi32, #tpu.memory_space<hbm>> -> memref<64xi32, #tpu.memory_space<hbm>>
        tpu.enqueue_dma source(%dma_start3A_574 : memref<64xi32, #tpu.memory_space<hbm>>) target(%arg9 : memref<64xi32, #tpu.memory_space<vmem>>) target_semaphore(%arg26 : memref<!tpu.dma_semaphore, #tpu.memory_space<semaphore_mem>>)
        %mul3A_575 = arith.constant 64 : i32
        %mul3A_576 = arith.muli %add3A_569, %mul3A_575 : i32
        %add3A_577 = arith.addi %mul3A_2, %mul3A_576 : i32
        %dma_start3A_578 = tpu.memref_slice %arg4[%add3A_577] : memref<327680xi32, #tpu.memory_space<hbm>> -> memref<64xi32, #tpu.memory_space<hbm>>
        %dma_start3A_579 = tpu.memref_slice %arg4[%add3A_577] : memref<327680xi32, #tpu.memory_space<hbm>> -> memref<64xi32, #tpu.memory_space<hbm>>
        tpu.enqueue_dma source(%dma_start3A_579 : memref<64xi32, #tpu.memory_space<hbm>>) target(%arg19 : memref<64xi32, #tpu.memory_space<vmem>>) target_semaphore(%arg36 : memref<!tpu.dma_semaphore, #tpu.memory_space<semaphore_mem>>)
      } else {
      }
      %add3A_332 = arith.constant 4 : i32
      %add3A_333 = arith.addi %add3A_304, %add3A_332 : i32
      %lt3A_334 = arith.constant 160 : i32
      %lt3A_335 = arith.cmpi slt, %add3A_333, %lt3A_334 : i32
      %convert_element_type3A_336 = arith.extui %lt3A_335 : i1 to i32
      %cond3A_337 = arith.constant 0 : i32
      %cond3A_338 = arith.cmpi ne, %convert_element_type3A_336, %cond3A_337 : i32
      scf.if %cond3A_338 {
        %ge3A = arith.constant 5 : i32
        %ge3A_568 = arith.cmpi sge, %add3A_333, %ge3A : i32
        %convert_element_type3A_569 = arith.extui %ge3A_568 : i1 to i32
        %cond3A_570 = arith.constant 0 : i32
        %cond3A_571 = arith.cmpi ne, %convert_element_type3A_569, %cond3A_570 : i32
        scf.if %cond3A_571 {
          %dma_wait3A_584 = arith.constant 2 : i32
          %dma_wait3A_585 = arith.constant 0 : i32
          %dma_wait3A_586 = arith.constant 0 : i32
          %dma_wait3A_587 = tpu.memref_slice %arg21[%dma_wait3A_584, %dma_wait3A_585, %dma_wait3A_586] : memref<5x64x128xf32, #tpu.memory_space<vmem>> -> memref<1x64x128xf32, #tpu.memory_space<vmem>>
          %dma_wait3A_588 = tpu.memref_squeeze %dma_wait3A_587 : memref<1x64x128xf32, #tpu.memory_space<vmem>> -> memref<64x128xf32, #tpu.memory_space<vmem>>
          %dma_wait3A_589 = arith.constant 0 : i32
          %dma_wait3A_590 = arith.constant 0 : i32
          %dma_wait3A_591 = tpu.memref_slice %arg22[%dma_wait3A_589, %dma_wait3A_590] : memref<10240x128xf32, #tpu.memory_space<vmem_shared>> -> memref<10240x128xf32, #tpu.memory_space<vmem_shared>>
          tpu.wait_indirect_dma semaphore(%arg45 : memref<!tpu.dma_semaphore, #tpu.memory_space<semaphore_mem>>) src(%dma_wait3A_588 : memref<64x128xf32, #tpu.memory_space<vmem>>) dst(%dma_wait3A_591 : memref<10240x128xf32, #tpu.memory_space<vmem_shared>>)
        } else {
        }
        %dma_wait3A_572 = arith.constant 0 : i32
        %dma_wait3A_573 = tpu.memref_slice %arg3[%dma_wait3A_572] : memref<327680xi32, #tpu.memory_space<hbm>> -> memref<64xi32, #tpu.memory_space<hbm>>
        %dma_wait3A_574 = arith.constant 0 : i32
        %dma_wait3A_575 = tpu.memref_slice %arg3[%dma_wait3A_574] : memref<327680xi32, #tpu.memory_space<hbm>> -> memref<64xi32, #tpu.memory_space<hbm>>
        tpu.wait_dma2 semaphore(%arg25 : memref<!tpu.dma_semaphore, #tpu.memory_space<semaphore_mem>>) src(%dma_wait3A_575 : memref<64xi32, #tpu.memory_space<hbm>>) dst(%arg8 : memref<64xi32, #tpu.memory_space<vmem>>)
        %dma_start3A_576 = arith.constant 2 : i32
        %dma_start3A_577 = arith.constant 0 : i32
        %dma_start3A_578 = arith.constant 0 : i32
        %dma_start3A_579 = tpu.memref_slice %arg21[%dma_start3A_576, %dma_start3A_577, %dma_start3A_578] : memref<5x64x128xf32, #tpu.memory_space<vmem>> -> memref<1x64x128xf32, #tpu.memory_space<vmem>>
        %dma_start3A_580 = tpu.memref_squeeze %dma_start3A_579 : memref<1x64x128xf32, #tpu.memory_space<vmem>> -> memref<64x128xf32, #tpu.memory_space<vmem>>
        %dma_start3A_581 = arith.constant 0 : i32
        %dma_start3A_582 = arith.constant 0 : i32
        %dma_start3A_583 = tpu.memref_slice %arg2[%dma_start3A_581, %dma_start3A_582] : memref<10000x128xf32, #tpu.memory_space<hbm>> -> memref<10000x128xf32, #tpu.memory_space<hbm>>
        tpu.enqueue_indirect_dma source(%dma_start3A_583 : memref<10000x128xf32, #tpu.memory_space<hbm>>) target(%dma_start3A_580 : memref<64x128xf32, #tpu.memory_space<vmem>>) offsets(%arg8 : memref<64xi32, #tpu.memory_space<vmem>>) semaphore(%arg40 : memref<!tpu.dma_semaphore, #tpu.memory_space<semaphore_mem>>)
      } else {
      }
      %mul3A_339 = arith.constant 10 : i32
      %mul3A_340 = arith.muli %scan3A_188, %mul3A_339 : i32
      %add3A_341 = arith.constant 4 : i32
      %add3A_342 = arith.addi %mul3A_340, %add3A_341 : i32
      %dma_wait3A_343 = arith.constant 4 : i32
      %dma_wait3A_344 = arith.constant 0 : i32
      %dma_wait3A_345 = arith.constant 0 : i32
      %dma_wait3A_346 = tpu.memref_slice %arg21[%dma_wait3A_343, %dma_wait3A_344, %dma_wait3A_345] : memref<5x64x128xf32, #tpu.memory_space<vmem>> -> memref<1x64x128xf32, #tpu.memory_space<vmem>>
      %dma_wait3A_347 = tpu.memref_squeeze %dma_wait3A_346 : memref<1x64x128xf32, #tpu.memory_space<vmem>> -> memref<64x128xf32, #tpu.memory_space<vmem>>
      %dma_wait3A_348 = arith.constant 0 : i32
      %dma_wait3A_349 = arith.constant 0 : i32
      %dma_wait3A_350 = tpu.memref_slice %arg2[%dma_wait3A_348, %dma_wait3A_349] : memref<10000x128xf32, #tpu.memory_space<hbm>> -> memref<10000x128xf32, #tpu.memory_space<hbm>>
      tpu.wait_indirect_dma semaphore(%arg42 : memref<!tpu.dma_semaphore, #tpu.memory_space<semaphore_mem>>) src(%dma_wait3A_350 : memref<10000x128xf32, #tpu.memory_space<hbm>>) dst(%dma_wait3A_347 : memref<64x128xf32, #tpu.memory_space<vmem>>)
      %dma_wait3A_351 = arith.constant 0 : i32
      %dma_wait3A_352 = tpu.memref_slice %arg4[%dma_wait3A_351] : memref<327680xi32, #tpu.memory_space<hbm>> -> memref<64xi32, #tpu.memory_space<hbm>>
      %dma_wait3A_353 = arith.constant 0 : i32
      %dma_wait3A_354 = tpu.memref_slice %arg4[%dma_wait3A_353] : memref<327680xi32, #tpu.memory_space<hbm>> -> memref<64xi32, #tpu.memory_space<hbm>>
      tpu.wait_dma2 semaphore(%arg32 : memref<!tpu.dma_semaphore, #tpu.memory_space<semaphore_mem>>) src(%dma_wait3A_354 : memref<64xi32, #tpu.memory_space<hbm>>) dst(%arg15 : memref<64xi32, #tpu.memory_space<vmem>>)
      %dma_start3A_355 = arith.constant 4 : i32
      %dma_start3A_356 = arith.constant 0 : i32
      %dma_start3A_357 = arith.constant 0 : i32
      %dma_start3A_358 = tpu.memref_slice %arg21[%dma_start3A_355, %dma_start3A_356, %dma_start3A_357] : memref<5x64x128xf32, #tpu.memory_space<vmem>> -> memref<1x64x128xf32, #tpu.memory_space<vmem>>
      %dma_start3A_359 = tpu.memref_squeeze %dma_start3A_358 : memref<1x64x128xf32, #tpu.memory_space<vmem>> -> memref<64x128xf32, #tpu.memory_space<vmem>>
      %dma_start3A_360 = arith.constant 0 : i32
      %dma_start3A_361 = arith.constant 0 : i32
      %dma_start3A_362 = tpu.memref_slice %arg22[%dma_start3A_360, %dma_start3A_361] : memref<10240x128xf32, #tpu.memory_space<vmem_shared>> -> memref<10240x128xf32, #tpu.memory_space<vmem_shared>>
      tpu.enqueue_indirect_dma source(%dma_start3A_359 : memref<64x128xf32, #tpu.memory_space<vmem>>) target(%dma_start3A_362 : memref<10240x128xf32, #tpu.memory_space<vmem_shared>>) offsets(%arg15 : memref<64xi32, #tpu.memory_space<vmem>>) semaphore(%arg47 : memref<!tpu.dma_semaphore, #tpu.memory_space<semaphore_mem>>) {add = true}
      %add3A_363 = arith.constant 5 : i32
      %add3A_364 = arith.addi %add3A_342, %add3A_363 : i32
      %lt3A_365 = arith.constant 160 : i32
      %lt3A_366 = arith.cmpi slt, %add3A_364, %lt3A_365 : i32
      %convert_element_type3A_367 = arith.extui %lt3A_366 : i1 to i32
      %cond3A_368 = arith.constant 0 : i32
      %cond3A_369 = arith.cmpi ne, %convert_element_type3A_367, %cond3A_368 : i32
      scf.if %cond3A_369 {
        %add3A_568 = arith.constant 5 : i32
        %add3A_569 = arith.addi %add3A_342, %add3A_568 : i32
        %mul3A_570 = arith.constant 64 : i32
        %mul3A_571 = arith.muli %add3A_569, %mul3A_570 : i32
        %add3A_572 = arith.addi %mul3A_2, %mul3A_571 : i32
        %dma_start3A_573 = tpu.memref_slice %arg3[%add3A_572] : memref<327680xi32, #tpu.memory_space<hbm>> -> memref<64xi32, #tpu.memory_space<hbm>>
        %dma_start3A_574 = tpu.memref_slice %arg3[%add3A_572] : memref<327680xi32, #tpu.memory_space<hbm>> -> memref<64xi32, #tpu.memory_space<hbm>>
        tpu.enqueue_dma source(%dma_start3A_574 : memref<64xi32, #tpu.memory_space<hbm>>) target(%arg10 : memref<64xi32, #tpu.memory_space<vmem>>) target_semaphore(%arg27 : memref<!tpu.dma_semaphore, #tpu.memory_space<semaphore_mem>>)
        %mul3A_575 = arith.constant 64 : i32
        %mul3A_576 = arith.muli %add3A_569, %mul3A_575 : i32
        %add3A_577 = arith.addi %mul3A_2, %mul3A_576 : i32
        %dma_start3A_578 = tpu.memref_slice %arg4[%add3A_577] : memref<327680xi32, #tpu.memory_space<hbm>> -> memref<64xi32, #tpu.memory_space<hbm>>
        %dma_start3A_579 = tpu.memref_slice %arg4[%add3A_577] : memref<327680xi32, #tpu.memory_space<hbm>> -> memref<64xi32, #tpu.memory_space<hbm>>
        tpu.enqueue_dma source(%dma_start3A_579 : memref<64xi32, #tpu.memory_space<hbm>>) target(%arg20 : memref<64xi32, #tpu.memory_space<vmem>>) target_semaphore(%arg37 : memref<!tpu.dma_semaphore, #tpu.memory_space<semaphore_mem>>)
      } else {
      }
      %add3A_370 = arith.constant 4 : i32
      %add3A_371 = arith.addi %add3A_342, %add3A_370 : i32
      %lt3A_372 = arith.constant 160 : i32
      %lt3A_373 = arith.cmpi slt, %add3A_371, %lt3A_372 : i32
      %convert_element_type3A_374 = arith.extui %lt3A_373 : i1 to i32
      %cond3A_375 = arith.constant 0 : i32
      %cond3A_376 = arith.cmpi ne, %convert_element_type3A_374, %cond3A_375 : i32
      scf.if %cond3A_376 {
        %ge3A = arith.constant 5 : i32
        %ge3A_568 = arith.cmpi sge, %add3A_371, %ge3A : i32
        %convert_element_type3A_569 = arith.extui %ge3A_568 : i1 to i32
        %cond3A_570 = arith.constant 0 : i32
        %cond3A_571 = arith.cmpi ne, %convert_element_type3A_569, %cond3A_570 : i32
        scf.if %cond3A_571 {
          %dma_wait3A_584 = arith.constant 3 : i32
          %dma_wait3A_585 = arith.constant 0 : i32
          %dma_wait3A_586 = arith.constant 0 : i32
          %dma_wait3A_587 = tpu.memref_slice %arg21[%dma_wait3A_584, %dma_wait3A_585, %dma_wait3A_586] : memref<5x64x128xf32, #tpu.memory_space<vmem>> -> memref<1x64x128xf32, #tpu.memory_space<vmem>>
          %dma_wait3A_588 = tpu.memref_squeeze %dma_wait3A_587 : memref<1x64x128xf32, #tpu.memory_space<vmem>> -> memref<64x128xf32, #tpu.memory_space<vmem>>
          %dma_wait3A_589 = arith.constant 0 : i32
          %dma_wait3A_590 = arith.constant 0 : i32
          %dma_wait3A_591 = tpu.memref_slice %arg22[%dma_wait3A_589, %dma_wait3A_590] : memref<10240x128xf32, #tpu.memory_space<vmem_shared>> -> memref<10240x128xf32, #tpu.memory_space<vmem_shared>>
          tpu.wait_indirect_dma semaphore(%arg46 : memref<!tpu.dma_semaphore, #tpu.memory_space<semaphore_mem>>) src(%dma_wait3A_588 : memref<64x128xf32, #tpu.memory_space<vmem>>) dst(%dma_wait3A_591 : memref<10240x128xf32, #tpu.memory_space<vmem_shared>>)
        } else {
        }
        %dma_wait3A_572 = arith.constant 0 : i32
        %dma_wait3A_573 = tpu.memref_slice %arg3[%dma_wait3A_572] : memref<327680xi32, #tpu.memory_space<hbm>> -> memref<64xi32, #tpu.memory_space<hbm>>
        %dma_wait3A_574 = arith.constant 0 : i32
        %dma_wait3A_575 = tpu.memref_slice %arg3[%dma_wait3A_574] : memref<327680xi32, #tpu.memory_space<hbm>> -> memref<64xi32, #tpu.memory_space<hbm>>
        tpu.wait_dma2 semaphore(%arg26 : memref<!tpu.dma_semaphore, #tpu.memory_space<semaphore_mem>>) src(%dma_wait3A_575 : memref<64xi32, #tpu.memory_space<hbm>>) dst(%arg9 : memref<64xi32, #tpu.memory_space<vmem>>)
        %dma_start3A_576 = arith.constant 3 : i32
        %dma_start3A_577 = arith.constant 0 : i32
        %dma_start3A_578 = arith.constant 0 : i32
        %dma_start3A_579 = tpu.memref_slice %arg21[%dma_start3A_576, %dma_start3A_577, %dma_start3A_578] : memref<5x64x128xf32, #tpu.memory_space<vmem>> -> memref<1x64x128xf32, #tpu.memory_space<vmem>>
        %dma_start3A_580 = tpu.memref_squeeze %dma_start3A_579 : memref<1x64x128xf32, #tpu.memory_space<vmem>> -> memref<64x128xf32, #tpu.memory_space<vmem>>
        %dma_start3A_581 = arith.constant 0 : i32
        %dma_start3A_582 = arith.constant 0 : i32
        %dma_start3A_583 = tpu.memref_slice %arg2[%dma_start3A_581, %dma_start3A_582] : memref<10000x128xf32, #tpu.memory_space<hbm>> -> memref<10000x128xf32, #tpu.memory_space<hbm>>
        tpu.enqueue_indirect_dma source(%dma_start3A_583 : memref<10000x128xf32, #tpu.memory_space<hbm>>) target(%dma_start3A_580 : memref<64x128xf32, #tpu.memory_space<vmem>>) offsets(%arg9 : memref<64xi32, #tpu.memory_space<vmem>>) semaphore(%arg41 : memref<!tpu.dma_semaphore, #tpu.memory_space<semaphore_mem>>)
      } else {
      }
      %mul3A_377 = arith.constant 10 : i32
      %mul3A_378 = arith.muli %scan3A_188, %mul3A_377 : i32
      %add3A_379 = arith.constant 5 : i32
      %add3A_380 = arith.addi %mul3A_378, %add3A_379 : i32
      %dma_wait3A_381 = arith.constant 0 : i32
      %dma_wait3A_382 = arith.constant 0 : i32
      %dma_wait3A_383 = arith.constant 0 : i32
      %dma_wait3A_384 = tpu.memref_slice %arg21[%dma_wait3A_381, %dma_wait3A_382, %dma_wait3A_383] : memref<5x64x128xf32, #tpu.memory_space<vmem>> -> memref<1x64x128xf32, #tpu.memory_space<vmem>>
      %dma_wait3A_385 = tpu.memref_squeeze %dma_wait3A_384 : memref<1x64x128xf32, #tpu.memory_space<vmem>> -> memref<64x128xf32, #tpu.memory_space<vmem>>
      %dma_wait3A_386 = arith.constant 0 : i32
      %dma_wait3A_387 = arith.constant 0 : i32
      %dma_wait3A_388 = tpu.memref_slice %arg2[%dma_wait3A_386, %dma_wait3A_387] : memref<10000x128xf32, #tpu.memory_space<hbm>> -> memref<10000x128xf32, #tpu.memory_space<hbm>>
      tpu.wait_indirect_dma semaphore(%arg38 : memref<!tpu.dma_semaphore, #tpu.memory_space<semaphore_mem>>) src(%dma_wait3A_388 : memref<10000x128xf32, #tpu.memory_space<hbm>>) dst(%dma_wait3A_385 : memref<64x128xf32, #tpu.memory_space<vmem>>)
      %dma_wait3A_389 = arith.constant 0 : i32
      %dma_wait3A_390 = tpu.memref_slice %arg4[%dma_wait3A_389] : memref<327680xi32, #tpu.memory_space<hbm>> -> memref<64xi32, #tpu.memory_space<hbm>>
      %dma_wait3A_391 = arith.constant 0 : i32
      %dma_wait3A_392 = tpu.memref_slice %arg4[%dma_wait3A_391] : memref<327680xi32, #tpu.memory_space<hbm>> -> memref<64xi32, #tpu.memory_space<hbm>>
      tpu.wait_dma2 semaphore(%arg33 : memref<!tpu.dma_semaphore, #tpu.memory_space<semaphore_mem>>) src(%dma_wait3A_392 : memref<64xi32, #tpu.memory_space<hbm>>) dst(%arg16 : memref<64xi32, #tpu.memory_space<vmem>>)
      %dma_start3A_393 = arith.constant 0 : i32
      %dma_start3A_394 = arith.constant 0 : i32
      %dma_start3A_395 = arith.constant 0 : i32
      %dma_start3A_396 = tpu.memref_slice %arg21[%dma_start3A_393, %dma_start3A_394, %dma_start3A_395] : memref<5x64x128xf32, #tpu.memory_space<vmem>> -> memref<1x64x128xf32, #tpu.memory_space<vmem>>
      %dma_start3A_397 = tpu.memref_squeeze %dma_start3A_396 : memref<1x64x128xf32, #tpu.memory_space<vmem>> -> memref<64x128xf32, #tpu.memory_space<vmem>>
      %dma_start3A_398 = arith.constant 0 : i32
      %dma_start3A_399 = arith.constant 0 : i32
      %dma_start3A_400 = tpu.memref_slice %arg22[%dma_start3A_398, %dma_start3A_399] : memref<10240x128xf32, #tpu.memory_space<vmem_shared>> -> memref<10240x128xf32, #tpu.memory_space<vmem_shared>>
      tpu.enqueue_indirect_dma source(%dma_start3A_397 : memref<64x128xf32, #tpu.memory_space<vmem>>) target(%dma_start3A_400 : memref<10240x128xf32, #tpu.memory_space<vmem_shared>>) offsets(%arg16 : memref<64xi32, #tpu.memory_space<vmem>>) semaphore(%arg43 : memref<!tpu.dma_semaphore, #tpu.memory_space<semaphore_mem>>) {add = true}
      %add3A_401 = arith.constant 5 : i32
      %add3A_402 = arith.addi %add3A_380, %add3A_401 : i32
      %lt3A_403 = arith.constant 160 : i32
      %lt3A_404 = arith.cmpi slt, %add3A_402, %lt3A_403 : i32
      %convert_element_type3A_405 = arith.extui %lt3A_404 : i1 to i32
      %cond3A_406 = arith.constant 0 : i32
      %cond3A_407 = arith.cmpi ne, %convert_element_type3A_405, %cond3A_406 : i32
      scf.if %cond3A_407 {
        %add3A_568 = arith.constant 5 : i32
        %add3A_569 = arith.addi %add3A_380, %add3A_568 : i32
        %mul3A_570 = arith.constant 64 : i32
        %mul3A_571 = arith.muli %add3A_569, %mul3A_570 : i32
        %add3A_572 = arith.addi %mul3A_2, %mul3A_571 : i32
        %dma_start3A_573 = tpu.memref_slice %arg3[%add3A_572] : memref<327680xi32, #tpu.memory_space<hbm>> -> memref<64xi32, #tpu.memory_space<hbm>>
        %dma_start3A_574 = tpu.memref_slice %arg3[%add3A_572] : memref<327680xi32, #tpu.memory_space<hbm>> -> memref<64xi32, #tpu.memory_space<hbm>>
        tpu.enqueue_dma source(%dma_start3A_574 : memref<64xi32, #tpu.memory_space<hbm>>) target(%arg6 : memref<64xi32, #tpu.memory_space<vmem>>) target_semaphore(%arg23 : memref<!tpu.dma_semaphore, #tpu.memory_space<semaphore_mem>>)
        %mul3A_575 = arith.constant 64 : i32
        %mul3A_576 = arith.muli %add3A_569, %mul3A_575 : i32
        %add3A_577 = arith.addi %mul3A_2, %mul3A_576 : i32
        %dma_start3A_578 = tpu.memref_slice %arg4[%add3A_577] : memref<327680xi32, #tpu.memory_space<hbm>> -> memref<64xi32, #tpu.memory_space<hbm>>
        %dma_start3A_579 = tpu.memref_slice %arg4[%add3A_577] : memref<327680xi32, #tpu.memory_space<hbm>> -> memref<64xi32, #tpu.memory_space<hbm>>
        tpu.enqueue_dma source(%dma_start3A_579 : memref<64xi32, #tpu.memory_space<hbm>>) target(%arg11 : memref<64xi32, #tpu.memory_space<vmem>>) target_semaphore(%arg28 : memref<!tpu.dma_semaphore, #tpu.memory_space<semaphore_mem>>)
      } else {
      }
      %add3A_408 = arith.constant 4 : i32
      %add3A_409 = arith.addi %add3A_380, %add3A_408 : i32
      %lt3A_410 = arith.constant 160 : i32
      %lt3A_411 = arith.cmpi slt, %add3A_409, %lt3A_410 : i32
      %convert_element_type3A_412 = arith.extui %lt3A_411 : i1 to i32
      %cond3A_413 = arith.constant 0 : i32
      %cond3A_414 = arith.cmpi ne, %convert_element_type3A_412, %cond3A_413 : i32
      scf.if %cond3A_414 {
        %ge3A = arith.constant 5 : i32
        %ge3A_568 = arith.cmpi sge, %add3A_409, %ge3A : i32
        %convert_element_type3A_569 = arith.extui %ge3A_568 : i1 to i32
        %cond3A_570 = arith.constant 0 : i32
        %cond3A_571 = arith.cmpi ne, %convert_element_type3A_569, %cond3A_570 : i32
        scf.if %cond3A_571 {
          %dma_wait3A_584 = arith.constant 4 : i32
          %dma_wait3A_585 = arith.constant 0 : i32
          %dma_wait3A_586 = arith.constant 0 : i32
          %dma_wait3A_587 = tpu.memref_slice %arg21[%dma_wait3A_584, %dma_wait3A_585, %dma_wait3A_586] : memref<5x64x128xf32, #tpu.memory_space<vmem>> -> memref<1x64x128xf32, #tpu.memory_space<vmem>>
          %dma_wait3A_588 = tpu.memref_squeeze %dma_wait3A_587 : memref<1x64x128xf32, #tpu.memory_space<vmem>> -> memref<64x128xf32, #tpu.memory_space<vmem>>
          %dma_wait3A_589 = arith.constant 0 : i32
          %dma_wait3A_590 = arith.constant 0 : i32
          %dma_wait3A_591 = tpu.memref_slice %arg22[%dma_wait3A_589, %dma_wait3A_590] : memref<10240x128xf32, #tpu.memory_space<vmem_shared>> -> memref<10240x128xf32, #tpu.memory_space<vmem_shared>>
          tpu.wait_indirect_dma semaphore(%arg47 : memref<!tpu.dma_semaphore, #tpu.memory_space<semaphore_mem>>) src(%dma_wait3A_588 : memref<64x128xf32, #tpu.memory_space<vmem>>) dst(%dma_wait3A_591 : memref<10240x128xf32, #tpu.memory_space<vmem_shared>>)
        } else {
        }
        %dma_wait3A_572 = arith.constant 0 : i32
        %dma_wait3A_573 = tpu.memref_slice %arg3[%dma_wait3A_572] : memref<327680xi32, #tpu.memory_space<hbm>> -> memref<64xi32, #tpu.memory_space<hbm>>
        %dma_wait3A_574 = arith.constant 0 : i32
        %dma_wait3A_575 = tpu.memref_slice %arg3[%dma_wait3A_574] : memref<327680xi32, #tpu.memory_space<hbm>> -> memref<64xi32, #tpu.memory_space<hbm>>
        tpu.wait_dma2 semaphore(%arg27 : memref<!tpu.dma_semaphore, #tpu.memory_space<semaphore_mem>>) src(%dma_wait3A_575 : memref<64xi32, #tpu.memory_space<hbm>>) dst(%arg10 : memref<64xi32, #tpu.memory_space<vmem>>)
        %dma_start3A_576 = arith.constant 4 : i32
        %dma_start3A_577 = arith.constant 0 : i32
        %dma_start3A_578 = arith.constant 0 : i32
        %dma_start3A_579 = tpu.memref_slice %arg21[%dma_start3A_576, %dma_start3A_577, %dma_start3A_578] : memref<5x64x128xf32, #tpu.memory_space<vmem>> -> memref<1x64x128xf32, #tpu.memory_space<vmem>>
        %dma_start3A_580 = tpu.memref_squeeze %dma_start3A_579 : memref<1x64x128xf32, #tpu.memory_space<vmem>> -> memref<64x128xf32, #tpu.memory_space<vmem>>
        %dma_start3A_581 = arith.constant 0 : i32
        %dma_start3A_582 = arith.constant 0 : i32
        %dma_start3A_583 = tpu.memref_slice %arg2[%dma_start3A_581, %dma_start3A_582] : memref<10000x128xf32, #tpu.memory_space<hbm>> -> memref<10000x128xf32, #tpu.memory_space<hbm>>
        tpu.enqueue_indirect_dma source(%dma_start3A_583 : memref<10000x128xf32, #tpu.memory_space<hbm>>) target(%dma_start3A_580 : memref<64x128xf32, #tpu.memory_space<vmem>>) offsets(%arg10 : memref<64xi32, #tpu.memory_space<vmem>>) semaphore(%arg42 : memref<!tpu.dma_semaphore, #tpu.memory_space<semaphore_mem>>)
      } else {
      }
      %mul3A_415 = arith.constant 10 : i32
      %mul3A_416 = arith.muli %scan3A_188, %mul3A_415 : i32
      %add3A_417 = arith.constant 6 : i32
      %add3A_418 = arith.addi %mul3A_416, %add3A_417 : i32
      %dma_wait3A_419 = arith.constant 1 : i32
      %dma_wait3A_420 = arith.constant 0 : i32
      %dma_wait3A_421 = arith.constant 0 : i32
      %dma_wait3A_422 = tpu.memref_slice %arg21[%dma_wait3A_419, %dma_wait3A_420, %dma_wait3A_421] : memref<5x64x128xf32, #tpu.memory_space<vmem>> -> memref<1x64x128xf32, #tpu.memory_space<vmem>>
      %dma_wait3A_423 = tpu.memref_squeeze %dma_wait3A_422 : memref<1x64x128xf32, #tpu.memory_space<vmem>> -> memref<64x128xf32, #tpu.memory_space<vmem>>
      %dma_wait3A_424 = arith.constant 0 : i32
      %dma_wait3A_425 = arith.constant 0 : i32
      %dma_wait3A_426 = tpu.memref_slice %arg2[%dma_wait3A_424, %dma_wait3A_425] : memref<10000x128xf32, #tpu.memory_space<hbm>> -> memref<10000x128xf32, #tpu.memory_space<hbm>>
      tpu.wait_indirect_dma semaphore(%arg39 : memref<!tpu.dma_semaphore, #tpu.memory_space<semaphore_mem>>) src(%dma_wait3A_426 : memref<10000x128xf32, #tpu.memory_space<hbm>>) dst(%dma_wait3A_423 : memref<64x128xf32, #tpu.memory_space<vmem>>)
      %dma_wait3A_427 = arith.constant 0 : i32
      %dma_wait3A_428 = tpu.memref_slice %arg4[%dma_wait3A_427] : memref<327680xi32, #tpu.memory_space<hbm>> -> memref<64xi32, #tpu.memory_space<hbm>>
      %dma_wait3A_429 = arith.constant 0 : i32
      %dma_wait3A_430 = tpu.memref_slice %arg4[%dma_wait3A_429] : memref<327680xi32, #tpu.memory_space<hbm>> -> memref<64xi32, #tpu.memory_space<hbm>>
      tpu.wait_dma2 semaphore(%arg34 : memref<!tpu.dma_semaphore, #tpu.memory_space<semaphore_mem>>) src(%dma_wait3A_430 : memref<64xi32, #tpu.memory_space<hbm>>) dst(%arg17 : memref<64xi32, #tpu.memory_space<vmem>>)
      %dma_start3A_431 = arith.constant 1 : i32
      %dma_start3A_432 = arith.constant 0 : i32
      %dma_start3A_433 = arith.constant 0 : i32
      %dma_start3A_434 = tpu.memref_slice %arg21[%dma_start3A_431, %dma_start3A_432, %dma_start3A_433] : memref<5x64x128xf32, #tpu.memory_space<vmem>> -> memref<1x64x128xf32, #tpu.memory_space<vmem>>
      %dma_start3A_435 = tpu.memref_squeeze %dma_start3A_434 : memref<1x64x128xf32, #tpu.memory_space<vmem>> -> memref<64x128xf32, #tpu.memory_space<vmem>>
      %dma_start3A_436 = arith.constant 0 : i32
      %dma_start3A_437 = arith.constant 0 : i32
      %dma_start3A_438 = tpu.memref_slice %arg22[%dma_start3A_436, %dma_start3A_437] : memref<10240x128xf32, #tpu.memory_space<vmem_shared>> -> memref<10240x128xf32, #tpu.memory_space<vmem_shared>>
      tpu.enqueue_indirect_dma source(%dma_start3A_435 : memref<64x128xf32, #tpu.memory_space<vmem>>) target(%dma_start3A_438 : memref<10240x128xf32, #tpu.memory_space<vmem_shared>>) offsets(%arg17 : memref<64xi32, #tpu.memory_space<vmem>>) semaphore(%arg44 : memref<!tpu.dma_semaphore, #tpu.memory_space<semaphore_mem>>) {add = true}
      %add3A_439 = arith.constant 5 : i32
      %add3A_440 = arith.addi %add3A_418, %add3A_439 : i32
      %lt3A_441 = arith.constant 160 : i32
      %lt3A_442 = arith.cmpi slt, %add3A_440, %lt3A_441 : i32
      %convert_element_type3A_443 = arith.extui %lt3A_442 : i1 to i32
      %cond3A_444 = arith.constant 0 : i32
      %cond3A_445 = arith.cmpi ne, %convert_element_type3A_443, %cond3A_444 : i32
      scf.if %cond3A_445 {
        %add3A_568 = arith.constant 5 : i32
        %add3A_569 = arith.addi %add3A_418, %add3A_568 : i32
        %mul3A_570 = arith.constant 64 : i32
        %mul3A_571 = arith.muli %add3A_569, %mul3A_570 : i32
        %add3A_572 = arith.addi %mul3A_2, %mul3A_571 : i32
        %dma_start3A_573 = tpu.memref_slice %arg3[%add3A_572] : memref<327680xi32, #tpu.memory_space<hbm>> -> memref<64xi32, #tpu.memory_space<hbm>>
        %dma_start3A_574 = tpu.memref_slice %arg3[%add3A_572] : memref<327680xi32, #tpu.memory_space<hbm>> -> memref<64xi32, #tpu.memory_space<hbm>>
        tpu.enqueue_dma source(%dma_start3A_574 : memref<64xi32, #tpu.memory_space<hbm>>) target(%arg7 : memref<64xi32, #tpu.memory_space<vmem>>) target_semaphore(%arg24 : memref<!tpu.dma_semaphore, #tpu.memory_space<semaphore_mem>>)
        %mul3A_575 = arith.constant 64 : i32
        %mul3A_576 = arith.muli %add3A_569, %mul3A_575 : i32
        %add3A_577 = arith.addi %mul3A_2, %mul3A_576 : i32
        %dma_start3A_578 = tpu.memref_slice %arg4[%add3A_577] : memref<327680xi32, #tpu.memory_space<hbm>> -> memref<64xi32, #tpu.memory_space<hbm>>
        %dma_start3A_579 = tpu.memref_slice %arg4[%add3A_577] : memref<327680xi32, #tpu.memory_space<hbm>> -> memref<64xi32, #tpu.memory_space<hbm>>
        tpu.enqueue_dma source(%dma_start3A_579 : memref<64xi32, #tpu.memory_space<hbm>>) target(%arg12 : memref<64xi32, #tpu.memory_space<vmem>>) target_semaphore(%arg29 : memref<!tpu.dma_semaphore, #tpu.memory_space<semaphore_mem>>)
      } else {
      }
      %add3A_446 = arith.constant 4 : i32
      %add3A_447 = arith.addi %add3A_418, %add3A_446 : i32
      %lt3A_448 = arith.constant 160 : i32
      %lt3A_449 = arith.cmpi slt, %add3A_447, %lt3A_448 : i32
      %convert_element_type3A_450 = arith.extui %lt3A_449 : i1 to i32
      %cond3A_451 = arith.constant 0 : i32
      %cond3A_452 = arith.cmpi ne, %convert_element_type3A_450, %cond3A_451 : i32
      scf.if %cond3A_452 {
        %ge3A = arith.constant 5 : i32
        %ge3A_568 = arith.cmpi sge, %add3A_447, %ge3A : i32
        %convert_element_type3A_569 = arith.extui %ge3A_568 : i1 to i32
        %cond3A_570 = arith.constant 0 : i32
        %cond3A_571 = arith.cmpi ne, %convert_element_type3A_569, %cond3A_570 : i32
        scf.if %cond3A_571 {
          %dma_wait3A_584 = arith.constant 0 : i32
          %dma_wait3A_585 = arith.constant 0 : i32
          %dma_wait3A_586 = arith.constant 0 : i32
          %dma_wait3A_587 = tpu.memref_slice %arg21[%dma_wait3A_584, %dma_wait3A_585, %dma_wait3A_586] : memref<5x64x128xf32, #tpu.memory_space<vmem>> -> memref<1x64x128xf32, #tpu.memory_space<vmem>>
          %dma_wait3A_588 = tpu.memref_squeeze %dma_wait3A_587 : memref<1x64x128xf32, #tpu.memory_space<vmem>> -> memref<64x128xf32, #tpu.memory_space<vmem>>
          %dma_wait3A_589 = arith.constant 0 : i32
          %dma_wait3A_590 = arith.constant 0 : i32
          %dma_wait3A_591 = tpu.memref_slice %arg22[%dma_wait3A_589, %dma_wait3A_590] : memref<10240x128xf32, #tpu.memory_space<vmem_shared>> -> memref<10240x128xf32, #tpu.memory_space<vmem_shared>>
          tpu.wait_indirect_dma semaphore(%arg43 : memref<!tpu.dma_semaphore, #tpu.memory_space<semaphore_mem>>) src(%dma_wait3A_588 : memref<64x128xf32, #tpu.memory_space<vmem>>) dst(%dma_wait3A_591 : memref<10240x128xf32, #tpu.memory_space<vmem_shared>>)
        } else {
        }
        %dma_wait3A_572 = arith.constant 0 : i32
        %dma_wait3A_573 = tpu.memref_slice %arg3[%dma_wait3A_572] : memref<327680xi32, #tpu.memory_space<hbm>> -> memref<64xi32, #tpu.memory_space<hbm>>
        %dma_wait3A_574 = arith.constant 0 : i32
        %dma_wait3A_575 = tpu.memref_slice %arg3[%dma_wait3A_574] : memref<327680xi32, #tpu.memory_space<hbm>> -> memref<64xi32, #tpu.memory_space<hbm>>
        tpu.wait_dma2 semaphore(%arg23 : memref<!tpu.dma_semaphore, #tpu.memory_space<semaphore_mem>>) src(%dma_wait3A_575 : memref<64xi32, #tpu.memory_space<hbm>>) dst(%arg6 : memref<64xi32, #tpu.memory_space<vmem>>)
        %dma_start3A_576 = arith.constant 0 : i32
        %dma_start3A_577 = arith.constant 0 : i32
        %dma_start3A_578 = arith.constant 0 : i32
        %dma_start3A_579 = tpu.memref_slice %arg21[%dma_start3A_576, %dma_start3A_577, %dma_start3A_578] : memref<5x64x128xf32, #tpu.memory_space<vmem>> -> memref<1x64x128xf32, #tpu.memory_space<vmem>>
        %dma_start3A_580 = tpu.memref_squeeze %dma_start3A_579 : memref<1x64x128xf32, #tpu.memory_space<vmem>> -> memref<64x128xf32, #tpu.memory_space<vmem>>
        %dma_start3A_581 = arith.constant 0 : i32
        %dma_start3A_582 = arith.constant 0 : i32
        %dma_start3A_583 = tpu.memref_slice %arg2[%dma_start3A_581, %dma_start3A_582] : memref<10000x128xf32, #tpu.memory_space<hbm>> -> memref<10000x128xf32, #tpu.memory_space<hbm>>
        tpu.enqueue_indirect_dma source(%dma_start3A_583 : memref<10000x128xf32, #tpu.memory_space<hbm>>) target(%dma_start3A_580 : memref<64x128xf32, #tpu.memory_space<vmem>>) offsets(%arg6 : memref<64xi32, #tpu.memory_space<vmem>>) semaphore(%arg38 : memref<!tpu.dma_semaphore, #tpu.memory_space<semaphore_mem>>)
      } else {
      }
      %mul3A_453 = arith.constant 10 : i32
      %mul3A_454 = arith.muli %scan3A_188, %mul3A_453 : i32
      %add3A_455 = arith.constant 7 : i32
      %add3A_456 = arith.addi %mul3A_454, %add3A_455 : i32
      %dma_wait3A_457 = arith.constant 2 : i32
      %dma_wait3A_458 = arith.constant 0 : i32
      %dma_wait3A_459 = arith.constant 0 : i32
      %dma_wait3A_460 = tpu.memref_slice %arg21[%dma_wait3A_457, %dma_wait3A_458, %dma_wait3A_459] : memref<5x64x128xf32, #tpu.memory_space<vmem>> -> memref<1x64x128xf32, #tpu.memory_space<vmem>>
      %dma_wait3A_461 = tpu.memref_squeeze %dma_wait3A_460 : memref<1x64x128xf32, #tpu.memory_space<vmem>> -> memref<64x128xf32, #tpu.memory_space<vmem>>
      %dma_wait3A_462 = arith.constant 0 : i32
      %dma_wait3A_463 = arith.constant 0 : i32
      %dma_wait3A_464 = tpu.memref_slice %arg2[%dma_wait3A_462, %dma_wait3A_463] : memref<10000x128xf32, #tpu.memory_space<hbm>> -> memref<10000x128xf32, #tpu.memory_space<hbm>>
      tpu.wait_indirect_dma semaphore(%arg40 : memref<!tpu.dma_semaphore, #tpu.memory_space<semaphore_mem>>) src(%dma_wait3A_464 : memref<10000x128xf32, #tpu.memory_space<hbm>>) dst(%dma_wait3A_461 : memref<64x128xf32, #tpu.memory_space<vmem>>)
      %dma_wait3A_465 = arith.constant 0 : i32
      %dma_wait3A_466 = tpu.memref_slice %arg4[%dma_wait3A_465] : memref<327680xi32, #tpu.memory_space<hbm>> -> memref<64xi32, #tpu.memory_space<hbm>>
      %dma_wait3A_467 = arith.constant 0 : i32
      %dma_wait3A_468 = tpu.memref_slice %arg4[%dma_wait3A_467] : memref<327680xi32, #tpu.memory_space<hbm>> -> memref<64xi32, #tpu.memory_space<hbm>>
      tpu.wait_dma2 semaphore(%arg35 : memref<!tpu.dma_semaphore, #tpu.memory_space<semaphore_mem>>) src(%dma_wait3A_468 : memref<64xi32, #tpu.memory_space<hbm>>) dst(%arg18 : memref<64xi32, #tpu.memory_space<vmem>>)
      %dma_start3A_469 = arith.constant 2 : i32
      %dma_start3A_470 = arith.constant 0 : i32
      %dma_start3A_471 = arith.constant 0 : i32
      %dma_start3A_472 = tpu.memref_slice %arg21[%dma_start3A_469, %dma_start3A_470, %dma_start3A_471] : memref<5x64x128xf32, #tpu.memory_space<vmem>> -> memref<1x64x128xf32, #tpu.memory_space<vmem>>
      %dma_start3A_473 = tpu.memref_squeeze %dma_start3A_472 : memref<1x64x128xf32, #tpu.memory_space<vmem>> -> memref<64x128xf32, #tpu.memory_space<vmem>>
      %dma_start3A_474 = arith.constant 0 : i32
      %dma_start3A_475 = arith.constant 0 : i32
      %dma_start3A_476 = tpu.memref_slice %arg22[%dma_start3A_474, %dma_start3A_475] : memref<10240x128xf32, #tpu.memory_space<vmem_shared>> -> memref<10240x128xf32, #tpu.memory_space<vmem_shared>>
      tpu.enqueue_indirect_dma source(%dma_start3A_473 : memref<64x128xf32, #tpu.memory_space<vmem>>) target(%dma_start3A_476 : memref<10240x128xf32, #tpu.memory_space<vmem_shared>>) offsets(%arg18 : memref<64xi32, #tpu.memory_space<vmem>>) semaphore(%arg45 : memref<!tpu.dma_semaphore, #tpu.memory_space<semaphore_mem>>) {add = true}
      %add3A_477 = arith.constant 5 : i32
      %add3A_478 = arith.addi %add3A_456, %add3A_477 : i32
      %lt3A_479 = arith.constant 160 : i32
      %lt3A_480 = arith.cmpi slt, %add3A_478, %lt3A_479 : i32
      %convert_element_type3A_481 = arith.extui %lt3A_480 : i1 to i32
      %cond3A_482 = arith.constant 0 : i32
      %cond3A_483 = arith.cmpi ne, %convert_element_type3A_481, %cond3A_482 : i32
      scf.if %cond3A_483 {
        %add3A_568 = arith.constant 5 : i32
        %add3A_569 = arith.addi %add3A_456, %add3A_568 : i32
        %mul3A_570 = arith.constant 64 : i32
        %mul3A_571 = arith.muli %add3A_569, %mul3A_570 : i32
        %add3A_572 = arith.addi %mul3A_2, %mul3A_571 : i32
        %dma_start3A_573 = tpu.memref_slice %arg3[%add3A_572] : memref<327680xi32, #tpu.memory_space<hbm>> -> memref<64xi32, #tpu.memory_space<hbm>>
        %dma_start3A_574 = tpu.memref_slice %arg3[%add3A_572] : memref<327680xi32, #tpu.memory_space<hbm>> -> memref<64xi32, #tpu.memory_space<hbm>>
        tpu.enqueue_dma source(%dma_start3A_574 : memref<64xi32, #tpu.memory_space<hbm>>) target(%arg8 : memref<64xi32, #tpu.memory_space<vmem>>) target_semaphore(%arg25 : memref<!tpu.dma_semaphore, #tpu.memory_space<semaphore_mem>>)
        %mul3A_575 = arith.constant 64 : i32
        %mul3A_576 = arith.muli %add3A_569, %mul3A_575 : i32
        %add3A_577 = arith.addi %mul3A_2, %mul3A_576 : i32
        %dma_start3A_578 = tpu.memref_slice %arg4[%add3A_577] : memref<327680xi32, #tpu.memory_space<hbm>> -> memref<64xi32, #tpu.memory_space<hbm>>
        %dma_start3A_579 = tpu.memref_slice %arg4[%add3A_577] : memref<327680xi32, #tpu.memory_space<hbm>> -> memref<64xi32, #tpu.memory_space<hbm>>
        tpu.enqueue_dma source(%dma_start3A_579 : memref<64xi32, #tpu.memory_space<hbm>>) target(%arg13 : memref<64xi32, #tpu.memory_space<vmem>>) target_semaphore(%arg30 : memref<!tpu.dma_semaphore, #tpu.memory_space<semaphore_mem>>)
      } else {
      }
      %add3A_484 = arith.constant 4 : i32
      %add3A_485 = arith.addi %add3A_456, %add3A_484 : i32
      %lt3A_486 = arith.constant 160 : i32
      %lt3A_487 = arith.cmpi slt, %add3A_485, %lt3A_486 : i32
      %convert_element_type3A_488 = arith.extui %lt3A_487 : i1 to i32
      %cond3A_489 = arith.constant 0 : i32
      %cond3A_490 = arith.cmpi ne, %convert_element_type3A_488, %cond3A_489 : i32
      scf.if %cond3A_490 {
        %ge3A = arith.constant 5 : i32
        %ge3A_568 = arith.cmpi sge, %add3A_485, %ge3A : i32
        %convert_element_type3A_569 = arith.extui %ge3A_568 : i1 to i32
        %cond3A_570 = arith.constant 0 : i32
        %cond3A_571 = arith.cmpi ne, %convert_element_type3A_569, %cond3A_570 : i32
        scf.if %cond3A_571 {
          %dma_wait3A_584 = arith.constant 1 : i32
          %dma_wait3A_585 = arith.constant 0 : i32
          %dma_wait3A_586 = arith.constant 0 : i32
          %dma_wait3A_587 = tpu.memref_slice %arg21[%dma_wait3A_584, %dma_wait3A_585, %dma_wait3A_586] : memref<5x64x128xf32, #tpu.memory_space<vmem>> -> memref<1x64x128xf32, #tpu.memory_space<vmem>>
          %dma_wait3A_588 = tpu.memref_squeeze %dma_wait3A_587 : memref<1x64x128xf32, #tpu.memory_space<vmem>> -> memref<64x128xf32, #tpu.memory_space<vmem>>
          %dma_wait3A_589 = arith.constant 0 : i32
          %dma_wait3A_590 = arith.constant 0 : i32
          %dma_wait3A_591 = tpu.memref_slice %arg22[%dma_wait3A_589, %dma_wait3A_590] : memref<10240x128xf32, #tpu.memory_space<vmem_shared>> -> memref<10240x128xf32, #tpu.memory_space<vmem_shared>>
          tpu.wait_indirect_dma semaphore(%arg44 : memref<!tpu.dma_semaphore, #tpu.memory_space<semaphore_mem>>) src(%dma_wait3A_588 : memref<64x128xf32, #tpu.memory_space<vmem>>) dst(%dma_wait3A_591 : memref<10240x128xf32, #tpu.memory_space<vmem_shared>>)
        } else {
        }
        %dma_wait3A_572 = arith.constant 0 : i32
        %dma_wait3A_573 = tpu.memref_slice %arg3[%dma_wait3A_572] : memref<327680xi32, #tpu.memory_space<hbm>> -> memref<64xi32, #tpu.memory_space<hbm>>
        %dma_wait3A_574 = arith.constant 0 : i32
        %dma_wait3A_575 = tpu.memref_slice %arg3[%dma_wait3A_574] : memref<327680xi32, #tpu.memory_space<hbm>> -> memref<64xi32, #tpu.memory_space<hbm>>
        tpu.wait_dma2 semaphore(%arg24 : memref<!tpu.dma_semaphore, #tpu.memory_space<semaphore_mem>>) src(%dma_wait3A_575 : memref<64xi32, #tpu.memory_space<hbm>>) dst(%arg7 : memref<64xi32, #tpu.memory_space<vmem>>)
        %dma_start3A_576 = arith.constant 1 : i32
        %dma_start3A_577 = arith.constant 0 : i32
        %dma_start3A_578 = arith.constant 0 : i32
        %dma_start3A_579 = tpu.memref_slice %arg21[%dma_start3A_576, %dma_start3A_577, %dma_start3A_578] : memref<5x64x128xf32, #tpu.memory_space<vmem>> -> memref<1x64x128xf32, #tpu.memory_space<vmem>>
        %dma_start3A_580 = tpu.memref_squeeze %dma_start3A_579 : memref<1x64x128xf32, #tpu.memory_space<vmem>> -> memref<64x128xf32, #tpu.memory_space<vmem>>
        %dma_start3A_581 = arith.constant 0 : i32
        %dma_start3A_582 = arith.constant 0 : i32
        %dma_start3A_583 = tpu.memref_slice %arg2[%dma_start3A_581, %dma_start3A_582] : memref<10000x128xf32, #tpu.memory_space<hbm>> -> memref<10000x128xf32, #tpu.memory_space<hbm>>
        tpu.enqueue_indirect_dma source(%dma_start3A_583 : memref<10000x128xf32, #tpu.memory_space<hbm>>) target(%dma_start3A_580 : memref<64x128xf32, #tpu.memory_space<vmem>>) offsets(%arg7 : memref<64xi32, #tpu.memory_space<vmem>>) semaphore(%arg39 : memref<!tpu.dma_semaphore, #tpu.memory_space<semaphore_mem>>)
      } else {
      }
      %mul3A_491 = arith.constant 10 : i32
      %mul3A_492 = arith.muli %scan3A_188, %mul3A_491 : i32
      %add3A_493 = arith.constant 8 : i32
      %add3A_494 = arith.addi %mul3A_492, %add3A_493 : i32
      %dma_wait3A_495 = arith.constant 3 : i32
      %dma_wait3A_496 = arith.constant 0 : i32
      %dma_wait3A_497 = arith.constant 0 : i32
      %dma_wait3A_498 = tpu.memref_slice %arg21[%dma_wait3A_495, %dma_wait3A_496, %dma_wait3A_497] : memref<5x64x128xf32, #tpu.memory_space<vmem>> -> memref<1x64x128xf32, #tpu.memory_space<vmem>>
      %dma_wait3A_499 = tpu.memref_squeeze %dma_wait3A_498 : memref<1x64x128xf32, #tpu.memory_space<vmem>> -> memref<64x128xf32, #tpu.memory_space<vmem>>
      %dma_wait3A_500 = arith.constant 0 : i32
      %dma_wait3A_501 = arith.constant 0 : i32
      %dma_wait3A_502 = tpu.memref_slice %arg2[%dma_wait3A_500, %dma_wait3A_501] : memref<10000x128xf32, #tpu.memory_space<hbm>> -> memref<10000x128xf32, #tpu.memory_space<hbm>>
      tpu.wait_indirect_dma semaphore(%arg41 : memref<!tpu.dma_semaphore, #tpu.memory_space<semaphore_mem>>) src(%dma_wait3A_502 : memref<10000x128xf32, #tpu.memory_space<hbm>>) dst(%dma_wait3A_499 : memref<64x128xf32, #tpu.memory_space<vmem>>)
      %dma_wait3A_503 = arith.constant 0 : i32
      %dma_wait3A_504 = tpu.memref_slice %arg4[%dma_wait3A_503] : memref<327680xi32, #tpu.memory_space<hbm>> -> memref<64xi32, #tpu.memory_space<hbm>>
      %dma_wait3A_505 = arith.constant 0 : i32
      %dma_wait3A_506 = tpu.memref_slice %arg4[%dma_wait3A_505] : memref<327680xi32, #tpu.memory_space<hbm>> -> memref<64xi32, #tpu.memory_space<hbm>>
      tpu.wait_dma2 semaphore(%arg36 : memref<!tpu.dma_semaphore, #tpu.memory_space<semaphore_mem>>) src(%dma_wait3A_506 : memref<64xi32, #tpu.memory_space<hbm>>) dst(%arg19 : memref<64xi32, #tpu.memory_space<vmem>>)
      %dma_start3A_507 = arith.constant 3 : i32
      %dma_start3A_508 = arith.constant 0 : i32
      %dma_start3A_509 = arith.constant 0 : i32
      %dma_start3A_510 = tpu.memref_slice %arg21[%dma_start3A_507, %dma_start3A_508, %dma_start3A_509] : memref<5x64x128xf32, #tpu.memory_space<vmem>> -> memref<1x64x128xf32, #tpu.memory_space<vmem>>
      %dma_start3A_511 = tpu.memref_squeeze %dma_start3A_510 : memref<1x64x128xf32, #tpu.memory_space<vmem>> -> memref<64x128xf32, #tpu.memory_space<vmem>>
      %dma_start3A_512 = arith.constant 0 : i32
      %dma_start3A_513 = arith.constant 0 : i32
      %dma_start3A_514 = tpu.memref_slice %arg22[%dma_start3A_512, %dma_start3A_513] : memref<10240x128xf32, #tpu.memory_space<vmem_shared>> -> memref<10240x128xf32, #tpu.memory_space<vmem_shared>>
      tpu.enqueue_indirect_dma source(%dma_start3A_511 : memref<64x128xf32, #tpu.memory_space<vmem>>) target(%dma_start3A_514 : memref<10240x128xf32, #tpu.memory_space<vmem_shared>>) offsets(%arg19 : memref<64xi32, #tpu.memory_space<vmem>>) semaphore(%arg46 : memref<!tpu.dma_semaphore, #tpu.memory_space<semaphore_mem>>) {add = true}
      %add3A_515 = arith.constant 5 : i32
      %add3A_516 = arith.addi %add3A_494, %add3A_515 : i32
      %lt3A_517 = arith.constant 160 : i32
      %lt3A_518 = arith.cmpi slt, %add3A_516, %lt3A_517 : i32
      %convert_element_type3A_519 = arith.extui %lt3A_518 : i1 to i32
      %cond3A_520 = arith.constant 0 : i32
      %cond3A_521 = arith.cmpi ne, %convert_element_type3A_519, %cond3A_520 : i32
      scf.if %cond3A_521 {
        %add3A_568 = arith.constant 5 : i32
        %add3A_569 = arith.addi %add3A_494, %add3A_568 : i32
        %mul3A_570 = arith.constant 64 : i32
        %mul3A_571 = arith.muli %add3A_569, %mul3A_570 : i32
        %add3A_572 = arith.addi %mul3A_2, %mul3A_571 : i32
        %dma_start3A_573 = tpu.memref_slice %arg3[%add3A_572] : memref<327680xi32, #tpu.memory_space<hbm>> -> memref<64xi32, #tpu.memory_space<hbm>>
        %dma_start3A_574 = tpu.memref_slice %arg3[%add3A_572] : memref<327680xi32, #tpu.memory_space<hbm>> -> memref<64xi32, #tpu.memory_space<hbm>>
        tpu.enqueue_dma source(%dma_start3A_574 : memref<64xi32, #tpu.memory_space<hbm>>) target(%arg9 : memref<64xi32, #tpu.memory_space<vmem>>) target_semaphore(%arg26 : memref<!tpu.dma_semaphore, #tpu.memory_space<semaphore_mem>>)
        %mul3A_575 = arith.constant 64 : i32
        %mul3A_576 = arith.muli %add3A_569, %mul3A_575 : i32
        %add3A_577 = arith.addi %mul3A_2, %mul3A_576 : i32
        %dma_start3A_578 = tpu.memref_slice %arg4[%add3A_577] : memref<327680xi32, #tpu.memory_space<hbm>> -> memref<64xi32, #tpu.memory_space<hbm>>
        %dma_start3A_579 = tpu.memref_slice %arg4[%add3A_577] : memref<327680xi32, #tpu.memory_space<hbm>> -> memref<64xi32, #tpu.memory_space<hbm>>
        tpu.enqueue_dma source(%dma_start3A_579 : memref<64xi32, #tpu.memory_space<hbm>>) target(%arg14 : memref<64xi32, #tpu.memory_space<vmem>>) target_semaphore(%arg31 : memref<!tpu.dma_semaphore, #tpu.memory_space<semaphore_mem>>)
      } else {
      }
      %add3A_522 = arith.constant 4 : i32
      %add3A_523 = arith.addi %add3A_494, %add3A_522 : i32
      %lt3A_524 = arith.constant 160 : i32
      %lt3A_525 = arith.cmpi slt, %add3A_523, %lt3A_524 : i32
      %convert_element_type3A_526 = arith.extui %lt3A_525 : i1 to i32
      %cond3A_527 = arith.constant 0 : i32
      %cond3A_528 = arith.cmpi ne, %convert_element_type3A_526, %cond3A_527 : i32
      scf.if %cond3A_528 {
        %ge3A = arith.constant 5 : i32
        %ge3A_568 = arith.cmpi sge, %add3A_523, %ge3A : i32
        %convert_element_type3A_569 = arith.extui %ge3A_568 : i1 to i32
        %cond3A_570 = arith.constant 0 : i32
        %cond3A_571 = arith.cmpi ne, %convert_element_type3A_569, %cond3A_570 : i32
        scf.if %cond3A_571 {
          %dma_wait3A_584 = arith.constant 2 : i32
          %dma_wait3A_585 = arith.constant 0 : i32
          %dma_wait3A_586 = arith.constant 0 : i32
          %dma_wait3A_587 = tpu.memref_slice %arg21[%dma_wait3A_584, %dma_wait3A_585, %dma_wait3A_586] : memref<5x64x128xf32, #tpu.memory_space<vmem>> -> memref<1x64x128xf32, #tpu.memory_space<vmem>>
          %dma_wait3A_588 = tpu.memref_squeeze %dma_wait3A_587 : memref<1x64x128xf32, #tpu.memory_space<vmem>> -> memref<64x128xf32, #tpu.memory_space<vmem>>
          %dma_wait3A_589 = arith.constant 0 : i32
          %dma_wait3A_590 = arith.constant 0 : i32
          %dma_wait3A_591 = tpu.memref_slice %arg22[%dma_wait3A_589, %dma_wait3A_590] : memref<10240x128xf32, #tpu.memory_space<vmem_shared>> -> memref<10240x128xf32, #tpu.memory_space<vmem_shared>>
          tpu.wait_indirect_dma semaphore(%arg45 : memref<!tpu.dma_semaphore, #tpu.memory_space<semaphore_mem>>) src(%dma_wait3A_588 : memref<64x128xf32, #tpu.memory_space<vmem>>) dst(%dma_wait3A_591 : memref<10240x128xf32, #tpu.memory_space<vmem_shared>>)
        } else {
        }
        %dma_wait3A_572 = arith.constant 0 : i32
        %dma_wait3A_573 = tpu.memref_slice %arg3[%dma_wait3A_572] : memref<327680xi32, #tpu.memory_space<hbm>> -> memref<64xi32, #tpu.memory_space<hbm>>
        %dma_wait3A_574 = arith.constant 0 : i32
        %dma_wait3A_575 = tpu.memref_slice %arg3[%dma_wait3A_574] : memref<327680xi32, #tpu.memory_space<hbm>> -> memref<64xi32, #tpu.memory_space<hbm>>
        tpu.wait_dma2 semaphore(%arg25 : memref<!tpu.dma_semaphore, #tpu.memory_space<semaphore_mem>>) src(%dma_wait3A_575 : memref<64xi32, #tpu.memory_space<hbm>>) dst(%arg8 : memref<64xi32, #tpu.memory_space<vmem>>)
        %dma_start3A_576 = arith.constant 2 : i32
        %dma_start3A_577 = arith.constant 0 : i32
        %dma_start3A_578 = arith.constant 0 : i32
        %dma_start3A_579 = tpu.memref_slice %arg21[%dma_start3A_576, %dma_start3A_577, %dma_start3A_578] : memref<5x64x128xf32, #tpu.memory_space<vmem>> -> memref<1x64x128xf32, #tpu.memory_space<vmem>>
        %dma_start3A_580 = tpu.memref_squeeze %dma_start3A_579 : memref<1x64x128xf32, #tpu.memory_space<vmem>> -> memref<64x128xf32, #tpu.memory_space<vmem>>
        %dma_start3A_581 = arith.constant 0 : i32
        %dma_start3A_582 = arith.constant 0 : i32
        %dma_start3A_583 = tpu.memref_slice %arg2[%dma_start3A_581, %dma_start3A_582] : memref<10000x128xf32, #tpu.memory_space<hbm>> -> memref<10000x128xf32, #tpu.memory_space<hbm>>
        tpu.enqueue_indirect_dma source(%dma_start3A_583 : memref<10000x128xf32, #tpu.memory_space<hbm>>) target(%dma_start3A_580 : memref<64x128xf32, #tpu.memory_space<vmem>>) offsets(%arg8 : memref<64xi32, #tpu.memory_space<vmem>>) semaphore(%arg40 : memref<!tpu.dma_semaphore, #tpu.memory_space<semaphore_mem>>)
      } else {
      }
      %mul3A_529 = arith.constant 10 : i32
      %mul3A_530 = arith.muli %scan3A_188, %mul3A_529 : i32
      %add3A_531 = arith.constant 9 : i32
      %add3A_532 = arith.addi %mul3A_530, %add3A_531 : i32
      %dma_wait3A_533 = arith.constant 4 : i32
      %dma_wait3A_534 = arith.constant 0 : i32
      %dma_wait3A_535 = arith.constant 0 : i32
      %dma_wait3A_536 = tpu.memref_slice %arg21[%dma_wait3A_533, %dma_wait3A_534, %dma_wait3A_535] : memref<5x64x128xf32, #tpu.memory_space<vmem>> -> memref<1x64x128xf32, #tpu.memory_space<vmem>>
      %dma_wait3A_537 = tpu.memref_squeeze %dma_wait3A_536 : memref<1x64x128xf32, #tpu.memory_space<vmem>> -> memref<64x128xf32, #tpu.memory_space<vmem>>
      %dma_wait3A_538 = arith.constant 0 : i32
      %dma_wait3A_539 = arith.constant 0 : i32
      %dma_wait3A_540 = tpu.memref_slice %arg2[%dma_wait3A_538, %dma_wait3A_539] : memref<10000x128xf32, #tpu.memory_space<hbm>> -> memref<10000x128xf32, #tpu.memory_space<hbm>>
      tpu.wait_indirect_dma semaphore(%arg42 : memref<!tpu.dma_semaphore, #tpu.memory_space<semaphore_mem>>) src(%dma_wait3A_540 : memref<10000x128xf32, #tpu.memory_space<hbm>>) dst(%dma_wait3A_537 : memref<64x128xf32, #tpu.memory_space<vmem>>)
      %dma_wait3A_541 = arith.constant 0 : i32
      %dma_wait3A_542 = tpu.memref_slice %arg4[%dma_wait3A_541] : memref<327680xi32, #tpu.memory_space<hbm>> -> memref<64xi32, #tpu.memory_space<hbm>>
      %dma_wait3A_543 = arith.constant 0 : i32
      %dma_wait3A_544 = tpu.memref_slice %arg4[%dma_wait3A_543] : memref<327680xi32, #tpu.memory_space<hbm>> -> memref<64xi32, #tpu.memory_space<hbm>>
      tpu.wait_dma2 semaphore(%arg37 : memref<!tpu.dma_semaphore, #tpu.memory_space<semaphore_mem>>) src(%dma_wait3A_544 : memref<64xi32, #tpu.memory_space<hbm>>) dst(%arg20 : memref<64xi32, #tpu.memory_space<vmem>>)
      %dma_start3A_545 = arith.constant 4 : i32
      %dma_start3A_546 = arith.constant 0 : i32
      %dma_start3A_547 = arith.constant 0 : i32
      %dma_start3A_548 = tpu.memref_slice %arg21[%dma_start3A_545, %dma_start3A_546, %dma_start3A_547] : memref<5x64x128xf32, #tpu.memory_space<vmem>> -> memref<1x64x128xf32, #tpu.memory_space<vmem>>
      %dma_start3A_549 = tpu.memref_squeeze %dma_start3A_548 : memref<1x64x128xf32, #tpu.memory_space<vmem>> -> memref<64x128xf32, #tpu.memory_space<vmem>>
      %dma_start3A_550 = arith.constant 0 : i32
      %dma_start3A_551 = arith.constant 0 : i32
      %dma_start3A_552 = tpu.memref_slice %arg22[%dma_start3A_550, %dma_start3A_551] : memref<10240x128xf32, #tpu.memory_space<vmem_shared>> -> memref<10240x128xf32, #tpu.memory_space<vmem_shared>>
      tpu.enqueue_indirect_dma source(%dma_start3A_549 : memref<64x128xf32, #tpu.memory_space<vmem>>) target(%dma_start3A_552 : memref<10240x128xf32, #tpu.memory_space<vmem_shared>>) offsets(%arg20 : memref<64xi32, #tpu.memory_space<vmem>>) semaphore(%arg47 : memref<!tpu.dma_semaphore, #tpu.memory_space<semaphore_mem>>) {add = true}
      %add3A_553 = arith.constant 5 : i32
      %add3A_554 = arith.addi %add3A_532, %add3A_553 : i32
      %lt3A_555 = arith.constant 160 : i32
      %lt3A_556 = arith.cmpi slt, %add3A_554, %lt3A_555 : i32
      %convert_element_type3A_557 = arith.extui %lt3A_556 : i1 to i32
      %cond3A_558 = arith.constant 0 : i32
      %cond3A_559 = arith.cmpi ne, %convert_element_type3A_557, %cond3A_558 : i32
      scf.if %cond3A_559 {
        %add3A_568 = arith.constant 5 : i32
        %add3A_569 = arith.addi %add3A_532, %add3A_568 : i32
        %mul3A_570 = arith.constant 64 : i32
        %mul3A_571 = arith.muli %add3A_569, %mul3A_570 : i32
        %add3A_572 = arith.addi %mul3A_2, %mul3A_571 : i32
        %dma_start3A_573 = tpu.memref_slice %arg3[%add3A_572] : memref<327680xi32, #tpu.memory_space<hbm>> -> memref<64xi32, #tpu.memory_space<hbm>>
        %dma_start3A_574 = tpu.memref_slice %arg3[%add3A_572] : memref<327680xi32, #tpu.memory_space<hbm>> -> memref<64xi32, #tpu.memory_space<hbm>>
        tpu.enqueue_dma source(%dma_start3A_574 : memref<64xi32, #tpu.memory_space<hbm>>) target(%arg10 : memref<64xi32, #tpu.memory_space<vmem>>) target_semaphore(%arg27 : memref<!tpu.dma_semaphore, #tpu.memory_space<semaphore_mem>>)
        %mul3A_575 = arith.constant 64 : i32
        %mul3A_576 = arith.muli %add3A_569, %mul3A_575 : i32
        %add3A_577 = arith.addi %mul3A_2, %mul3A_576 : i32
        %dma_start3A_578 = tpu.memref_slice %arg4[%add3A_577] : memref<327680xi32, #tpu.memory_space<hbm>> -> memref<64xi32, #tpu.memory_space<hbm>>
        %dma_start3A_579 = tpu.memref_slice %arg4[%add3A_577] : memref<327680xi32, #tpu.memory_space<hbm>> -> memref<64xi32, #tpu.memory_space<hbm>>
        tpu.enqueue_dma source(%dma_start3A_579 : memref<64xi32, #tpu.memory_space<hbm>>) target(%arg15 : memref<64xi32, #tpu.memory_space<vmem>>) target_semaphore(%arg32 : memref<!tpu.dma_semaphore, #tpu.memory_space<semaphore_mem>>)
      } else {
      }
      %add3A_560 = arith.constant 4 : i32
      %add3A_561 = arith.addi %add3A_532, %add3A_560 : i32
      %lt3A_562 = arith.constant 160 : i32
      %lt3A_563 = arith.cmpi slt, %add3A_561, %lt3A_562 : i32
      %convert_element_type3A_564 = arith.extui %lt3A_563 : i1 to i32
      %cond3A_565 = arith.constant 0 : i32
      %cond3A_566 = arith.cmpi ne, %convert_element_type3A_564, %cond3A_565 : i32
      scf.if %cond3A_566 {
        %ge3A = arith.constant 5 : i32
        %ge3A_568 = arith.cmpi sge, %add3A_561, %ge3A : i32
        %convert_element_type3A_569 = arith.extui %ge3A_568 : i1 to i32
        %cond3A_570 = arith.constant 0 : i32
        %cond3A_571 = arith.cmpi ne, %convert_element_type3A_569, %cond3A_570 : i32
        scf.if %cond3A_571 {
          %dma_wait3A_584 = arith.constant 3 : i32
          %dma_wait3A_585 = arith.constant 0 : i32
          %dma_wait3A_586 = arith.constant 0 : i32
          %dma_wait3A_587 = tpu.memref_slice %arg21[%dma_wait3A_584, %dma_wait3A_585, %dma_wait3A_586] : memref<5x64x128xf32, #tpu.memory_space<vmem>> -> memref<1x64x128xf32, #tpu.memory_space<vmem>>
          %dma_wait3A_588 = tpu.memref_squeeze %dma_wait3A_587 : memref<1x64x128xf32, #tpu.memory_space<vmem>> -> memref<64x128xf32, #tpu.memory_space<vmem>>
          %dma_wait3A_589 = arith.constant 0 : i32
          %dma_wait3A_590 = arith.constant 0 : i32
          %dma_wait3A_591 = tpu.memref_slice %arg22[%dma_wait3A_589, %dma_wait3A_590] : memref<10240x128xf32, #tpu.memory_space<vmem_shared>> -> memref<10240x128xf32, #tpu.memory_space<vmem_shared>>
          tpu.wait_indirect_dma semaphore(%arg46 : memref<!tpu.dma_semaphore, #tpu.memory_space<semaphore_mem>>) src(%dma_wait3A_588 : memref<64x128xf32, #tpu.memory_space<vmem>>) dst(%dma_wait3A_591 : memref<10240x128xf32, #tpu.memory_space<vmem_shared>>)
        } else {
        }
        %dma_wait3A_572 = arith.constant 0 : i32
        %dma_wait3A_573 = tpu.memref_slice %arg3[%dma_wait3A_572] : memref<327680xi32, #tpu.memory_space<hbm>> -> memref<64xi32, #tpu.memory_space<hbm>>
        %dma_wait3A_574 = arith.constant 0 : i32
        %dma_wait3A_575 = tpu.memref_slice %arg3[%dma_wait3A_574] : memref<327680xi32, #tpu.memory_space<hbm>> -> memref<64xi32, #tpu.memory_space<hbm>>
        tpu.wait_dma2 semaphore(%arg26 : memref<!tpu.dma_semaphore, #tpu.memory_space<semaphore_mem>>) src(%dma_wait3A_575 : memref<64xi32, #tpu.memory_space<hbm>>) dst(%arg9 : memref<64xi32, #tpu.memory_space<vmem>>)
        %dma_start3A_576 = arith.constant 3 : i32
        %dma_start3A_577 = arith.constant 0 : i32
        %dma_start3A_578 = arith.constant 0 : i32
        %dma_start3A_579 = tpu.memref_slice %arg21[%dma_start3A_576, %dma_start3A_577, %dma_start3A_578] : memref<5x64x128xf32, #tpu.memory_space<vmem>> -> memref<1x64x128xf32, #tpu.memory_space<vmem>>
        %dma_start3A_580 = tpu.memref_squeeze %dma_start3A_579 : memref<1x64x128xf32, #tpu.memory_space<vmem>> -> memref<64x128xf32, #tpu.memory_space<vmem>>
        %dma_start3A_581 = arith.constant 0 : i32
        %dma_start3A_582 = arith.constant 0 : i32
        %dma_start3A_583 = tpu.memref_slice %arg2[%dma_start3A_581, %dma_start3A_582] : memref<10000x128xf32, #tpu.memory_space<hbm>> -> memref<10000x128xf32, #tpu.memory_space<hbm>>
        tpu.enqueue_indirect_dma source(%dma_start3A_583 : memref<10000x128xf32, #tpu.memory_space<hbm>>) target(%dma_start3A_580 : memref<64x128xf32, #tpu.memory_space<vmem>>) offsets(%arg9 : memref<64xi32, #tpu.memory_space<vmem>>) semaphore(%arg41 : memref<!tpu.dma_semaphore, #tpu.memory_space<semaphore_mem>>)
      } else {
      }
      %scan3A_567 = arith.constant 0 : i32
      scf.yield %scan3A_567 : i32
    }
    %scan3A_126 = arith.constant 16 : i32
    %dma_wait3A_127 = arith.constant 0 : i32
    %dma_wait3A_128 = arith.constant 0 : i32
    %dma_wait3A_129 = arith.constant 0 : i32
    %dma_wait3A_130 = tpu.memref_slice %arg21[%dma_wait3A_127, %dma_wait3A_128, %dma_wait3A_129] : memref<5x64x128xf32, #tpu.memory_space<vmem>> -> memref<1x64x128xf32, #tpu.memory_space<vmem>>
    %dma_wait3A_131 = tpu.memref_squeeze %dma_wait3A_130 : memref<1x64x128xf32, #tpu.memory_space<vmem>> -> memref<64x128xf32, #tpu.memory_space<vmem>>
    %dma_wait3A_132 = arith.constant 0 : i32
    %dma_wait3A_133 = arith.constant 0 : i32
    %dma_wait3A_134 = tpu.memref_slice %arg22[%dma_wait3A_132, %dma_wait3A_133] : memref<10240x128xf32, #tpu.memory_space<vmem_shared>> -> memref<10240x128xf32, #tpu.memory_space<vmem_shared>>
    tpu.wait_indirect_dma semaphore(%arg43 : memref<!tpu.dma_semaphore, #tpu.memory_space<semaphore_mem>>) src(%dma_wait3A_131 : memref<64x128xf32, #tpu.memory_space<vmem>>) dst(%dma_wait3A_134 : memref<10240x128xf32, #tpu.memory_space<vmem_shared>>)
    %dma_wait3A_135 = arith.constant 1 : i32
    %dma_wait3A_136 = arith.constant 0 : i32
    %dma_wait3A_137 = arith.constant 0 : i32
    %dma_wait3A_138 = tpu.memref_slice %arg21[%dma_wait3A_135, %dma_wait3A_136, %dma_wait3A_137] : memref<5x64x128xf32, #tpu.memory_space<vmem>> -> memref<1x64x128xf32, #tpu.memory_space<vmem>>
    %dma_wait3A_139 = tpu.memref_squeeze %dma_wait3A_138 : memref<1x64x128xf32, #tpu.memory_space<vmem>> -> memref<64x128xf32, #tpu.memory_space<vmem>>
    %dma_wait3A_140 = arith.constant 0 : i32
    %dma_wait3A_141 = arith.constant 0 : i32
    %dma_wait3A_142 = tpu.memref_slice %arg22[%dma_wait3A_140, %dma_wait3A_141] : memref<10240x128xf32, #tpu.memory_space<vmem_shared>> -> memref<10240x128xf32, #tpu.memory_space<vmem_shared>>
    tpu.wait_indirect_dma semaphore(%arg44 : memref<!tpu.dma_semaphore, #tpu.memory_space<semaphore_mem>>) src(%dma_wait3A_139 : memref<64x128xf32, #tpu.memory_space<vmem>>) dst(%dma_wait3A_142 : memref<10240x128xf32, #tpu.memory_space<vmem_shared>>)
    %dma_wait3A_143 = arith.constant 2 : i32
    %dma_wait3A_144 = arith.constant 0 : i32
    %dma_wait3A_145 = arith.constant 0 : i32
    %dma_wait3A_146 = tpu.memref_slice %arg21[%dma_wait3A_143, %dma_wait3A_144, %dma_wait3A_145] : memref<5x64x128xf32, #tpu.memory_space<vmem>> -> memref<1x64x128xf32, #tpu.memory_space<vmem>>
    %dma_wait3A_147 = tpu.memref_squeeze %dma_wait3A_146 : memref<1x64x128xf32, #tpu.memory_space<vmem>> -> memref<64x128xf32, #tpu.memory_space<vmem>>
    %dma_wait3A_148 = arith.constant 0 : i32
    %dma_wait3A_149 = arith.constant 0 : i32
    %dma_wait3A_150 = tpu.memref_slice %arg22[%dma_wait3A_148, %dma_wait3A_149] : memref<10240x128xf32, #tpu.memory_space<vmem_shared>> -> memref<10240x128xf32, #tpu.memory_space<vmem_shared>>
    tpu.wait_indirect_dma semaphore(%arg45 : memref<!tpu.dma_semaphore, #tpu.memory_space<semaphore_mem>>) src(%dma_wait3A_147 : memref<64x128xf32, #tpu.memory_space<vmem>>) dst(%dma_wait3A_150 : memref<10240x128xf32, #tpu.memory_space<vmem_shared>>)
    %dma_wait3A_151 = arith.constant 3 : i32
    %dma_wait3A_152 = arith.constant 0 : i32
    %dma_wait3A_153 = arith.constant 0 : i32
    %dma_wait3A_154 = tpu.memref_slice %arg21[%dma_wait3A_151, %dma_wait3A_152, %dma_wait3A_153] : memref<5x64x128xf32, #tpu.memory_space<vmem>> -> memref<1x64x128xf32, #tpu.memory_space<vmem>>
    %dma_wait3A_155 = tpu.memref_squeeze %dma_wait3A_154 : memref<1x64x128xf32, #tpu.memory_space<vmem>> -> memref<64x128xf32, #tpu.memory_space<vmem>>
    %dma_wait3A_156 = arith.constant 0 : i32
    %dma_wait3A_157 = arith.constant 0 : i32
    %dma_wait3A_158 = tpu.memref_slice %arg22[%dma_wait3A_156, %dma_wait3A_157] : memref<10240x128xf32, #tpu.memory_space<vmem_shared>> -> memref<10240x128xf32, #tpu.memory_space<vmem_shared>>
    tpu.wait_indirect_dma semaphore(%arg46 : memref<!tpu.dma_semaphore, #tpu.memory_space<semaphore_mem>>) src(%dma_wait3A_155 : memref<64x128xf32, #tpu.memory_space<vmem>>) dst(%dma_wait3A_158 : memref<10240x128xf32, #tpu.memory_space<vmem_shared>>)
    %dma_wait3A_159 = arith.constant 4 : i32
    %dma_wait3A_160 = arith.constant 0 : i32
    %dma_wait3A_161 = arith.constant 0 : i32
    %dma_wait3A_162 = tpu.memref_slice %arg21[%dma_wait3A_159, %dma_wait3A_160, %dma_wait3A_161] : memref<5x64x128xf32, #tpu.memory_space<vmem>> -> memref<1x64x128xf32, #tpu.memory_space<vmem>>
    %dma_wait3A_163 = tpu.memref_squeeze %dma_wait3A_162 : memref<1x64x128xf32, #tpu.memory_space<vmem>> -> memref<64x128xf32, #tpu.memory_space<vmem>>
    %dma_wait3A_164 = arith.constant 0 : i32
    %dma_wait3A_165 = arith.constant 0 : i32
    %dma_wait3A_166 = tpu.memref_slice %arg22[%dma_wait3A_164, %dma_wait3A_165] : memref<10240x128xf32, #tpu.memory_space<vmem_shared>> -> memref<10240x128xf32, #tpu.memory_space<vmem_shared>>
    tpu.wait_indirect_dma semaphore(%arg47 : memref<!tpu.dma_semaphore, #tpu.memory_space<semaphore_mem>>) src(%dma_wait3A_163 : memref<64x128xf32, #tpu.memory_space<vmem>>) dst(%dma_wait3A_166 : memref<10240x128xf32, #tpu.memory_space<vmem_shared>>)
    %barrier3A_167 = arith.constant 0 : index
    tpu.barrier barrier_id(%barrier3A_167)
    %mul3A_168 = arith.constant 640 : i32
    %mul3A_169 = arith.muli %arg1, %mul3A_168 : i32
    %add3A_170 = arith.constant 0 : i32
    %add3A_171 = arith.addi %mul3A_169, %add3A_170 : i32
    "tpu.region"() ({
      %run_scoped3A_188 = tpu.sem_alloc : memref<!tpu.dma_semaphore, #tpu.memory_space<semaphore_mem>>
      %dma_start3A_189 = arith.constant 0 : i32
      %dma_start3A_190 = tpu.memref_slice %arg5[%arg0, %add3A_171, %dma_start3A_189] : memref<2x10240x128xf32, #tpu.memory_space<hbm>> -> memref<1x128x128xf32, #tpu.memory_space<hbm>>
      %dma_start3A_191 = tpu.memref_squeeze %dma_start3A_190 : memref<1x128x128xf32, #tpu.memory_space<hbm>> -> memref<128x128xf32, #tpu.memory_space<hbm>>
      %dma_start3A_192 = arith.constant 0 : i32
      %dma_start3A_193 = tpu.memref_slice %arg22[%add3A_171, %dma_start3A_192] : memref<10240x128xf32, #tpu.memory_space<vmem_shared>> -> memref<128x128xf32, #tpu.memory_space<vmem_shared>>
      tpu.enqueue_dma source(%dma_start3A_193 : memref<128x128xf32, #tpu.memory_space<vmem_shared>>) target(%dma_start3A_191 : memref<128x128xf32, #tpu.memory_space<hbm>>) target_semaphore(%run_scoped3A_188 : memref<!tpu.dma_semaphore, #tpu.memory_space<semaphore_mem>>)
      %dma_wait3A_194 = arith.constant 0 : i32
      %dma_wait3A_195 = tpu.memref_slice %arg5[%arg0, %add3A_171, %dma_wait3A_194] : memref<2x10240x128xf32, #tpu.memory_space<hbm>> -> memref<1x128x128xf32, #tpu.memory_space<hbm>>
      %dma_wait3A_196 = tpu.memref_squeeze %dma_wait3A_195 : memref<1x128x128xf32, #tpu.memory_space<hbm>> -> memref<128x128xf32, #tpu.memory_space<hbm>>
      %dma_wait3A_197 = arith.constant 0 : i32
      %dma_wait3A_198 = tpu.memref_slice %arg22[%add3A_171, %dma_wait3A_197] : memref<10240x128xf32, #tpu.memory_space<vmem_shared>> -> memref<128x128xf32, #tpu.memory_space<vmem_shared>>
      tpu.wait_dma2 semaphore(%run_scoped3A_188 : memref<!tpu.dma_semaphore, #tpu.memory_space<semaphore_mem>>) src(%dma_wait3A_198 : memref<128x128xf32, #tpu.memory_space<vmem_shared>>) dst(%dma_wait3A_196 : memref<128x128xf32, #tpu.memory_space<hbm>>)
      tpu.yield
    }) : () -> ()
    %mul3A_172 = arith.constant 640 : i32
    %mul3A_173 = arith.muli %arg1, %mul3A_172 : i32
    %add3A_174 = arith.constant 128 : i32
    %add3A_175 = arith.addi %mul3A_173, %add3A_174 : i32
    "tpu.region"() ({
      %run_scoped3A_188 = tpu.sem_alloc : memref<!tpu.dma_semaphore, #tpu.memory_space<semaphore_mem>>
      %dma_start3A_189 = arith.constant 0 : i32
      %dma_start3A_190 = tpu.memref_slice %arg5[%arg0, %add3A_175, %dma_start3A_189] : memref<2x10240x128xf32, #tpu.memory_space<hbm>> -> memref<1x128x128xf32, #tpu.memory_space<hbm>>
      %dma_start3A_191 = tpu.memref_squeeze %dma_start3A_190 : memref<1x128x128xf32, #tpu.memory_space<hbm>> -> memref<128x128xf32, #tpu.memory_space<hbm>>
      %dma_start3A_192 = arith.constant 0 : i32
      %dma_start3A_193 = tpu.memref_slice %arg22[%add3A_175, %dma_start3A_192] : memref<10240x128xf32, #tpu.memory_space<vmem_shared>> -> memref<128x128xf32, #tpu.memory_space<vmem_shared>>
      tpu.enqueue_dma source(%dma_start3A_193 : memref<128x128xf32, #tpu.memory_space<vmem_shared>>) target(%dma_start3A_191 : memref<128x128xf32, #tpu.memory_space<hbm>>) target_semaphore(%run_scoped3A_188 : memref<!tpu.dma_semaphore, #tpu.memory_space<semaphore_mem>>)
      %dma_wait3A_194 = arith.constant 0 : i32
      %dma_wait3A_195 = tpu.memref_slice %arg5[%arg0, %add3A_175, %dma_wait3A_194] : memref<2x10240x128xf32, #tpu.memory_space<hbm>> -> memref<1x128x128xf32, #tpu.memory_space<hbm>>
      %dma_wait3A_196 = tpu.memref_squeeze %dma_wait3A_195 : memref<1x128x128xf32, #tpu.memory_space<hbm>> -> memref<128x128xf32, #tpu.memory_space<hbm>>
      %dma_wait3A_197 = arith.constant 0 : i32
      %dma_wait3A_198 = tpu.memref_slice %arg22[%add3A_175, %dma_wait3A_197] : memref<10240x128xf32, #tpu.memory_space<vmem_shared>> -> memref<128x128xf32, #tpu.memory_space<vmem_shared>>
      tpu.wait_dma2 semaphore(%run_scoped3A_188 : memref<!tpu.dma_semaphore, #tpu.memory_space<semaphore_mem>>) src(%dma_wait3A_198 : memref<128x128xf32, #tpu.memory_space<vmem_shared>>) dst(%dma_wait3A_196 : memref<128x128xf32, #tpu.memory_space<hbm>>)
      tpu.yield
    }) : () -> ()
    %mul3A_176 = arith.constant 640 : i32
    %mul3A_177 = arith.muli %arg1, %mul3A_176 : i32
    %add3A_178 = arith.constant 256 : i32
    %add3A_179 = arith.addi %mul3A_177, %add3A_178 : i32
    "tpu.region"() ({
      %run_scoped3A_188 = tpu.sem_alloc : memref<!tpu.dma_semaphore, #tpu.memory_space<semaphore_mem>>
      %dma_start3A_189 = arith.constant 0 : i32
      %dma_start3A_190 = tpu.memref_slice %arg5[%arg0, %add3A_179, %dma_start3A_189] : memref<2x10240x128xf32, #tpu.memory_space<hbm>> -> memref<1x128x128xf32, #tpu.memory_space<hbm>>
      %dma_start3A_191 = tpu.memref_squeeze %dma_start3A_190 : memref<1x128x128xf32, #tpu.memory_space<hbm>> -> memref<128x128xf32, #tpu.memory_space<hbm>>
      %dma_start3A_192 = arith.constant 0 : i32
      %dma_start3A_193 = tpu.memref_slice %arg22[%add3A_179, %dma_start3A_192] : memref<10240x128xf32, #tpu.memory_space<vmem_shared>> -> memref<128x128xf32, #tpu.memory_space<vmem_shared>>
      tpu.enqueue_dma source(%dma_start3A_193 : memref<128x128xf32, #tpu.memory_space<vmem_shared>>) target(%dma_start3A_191 : memref<128x128xf32, #tpu.memory_space<hbm>>) target_semaphore(%run_scoped3A_188 : memref<!tpu.dma_semaphore, #tpu.memory_space<semaphore_mem>>)
      %dma_wait3A_194 = arith.constant 0 : i32
      %dma_wait3A_195 = tpu.memref_slice %arg5[%arg0, %add3A_179, %dma_wait3A_194] : memref<2x10240x128xf32, #tpu.memory_space<hbm>> -> memref<1x128x128xf32, #tpu.memory_space<hbm>>
      %dma_wait3A_196 = tpu.memref_squeeze %dma_wait3A_195 : memref<1x128x128xf32, #tpu.memory_space<hbm>> -> memref<128x128xf32, #tpu.memory_space<hbm>>
      %dma_wait3A_197 = arith.constant 0 : i32
      %dma_wait3A_198 = tpu.memref_slice %arg22[%add3A_179, %dma_wait3A_197] : memref<10240x128xf32, #tpu.memory_space<vmem_shared>> -> memref<128x128xf32, #tpu.memory_space<vmem_shared>>
      tpu.wait_dma2 semaphore(%run_scoped3A_188 : memref<!tpu.dma_semaphore, #tpu.memory_space<semaphore_mem>>) src(%dma_wait3A_198 : memref<128x128xf32, #tpu.memory_space<vmem_shared>>) dst(%dma_wait3A_196 : memref<128x128xf32, #tpu.memory_space<hbm>>)
      tpu.yield
    }) : () -> ()
    %mul3A_180 = arith.constant 640 : i32
    %mul3A_181 = arith.muli %arg1, %mul3A_180 : i32
    %add3A_182 = arith.constant 384 : i32
    %add3A_183 = arith.addi %mul3A_181, %add3A_182 : i32
    "tpu.region"() ({
      %run_scoped3A_188 = tpu.sem_alloc : memref<!tpu.dma_semaphore, #tpu.memory_space<semaphore_mem>>
      %dma_start3A_189 = arith.constant 0 : i32
      %dma_start3A_190 = tpu.memref_slice %arg5[%arg0, %add3A_183, %dma_start3A_189] : memref<2x10240x128xf32, #tpu.memory_space<hbm>> -> memref<1x128x128xf32, #tpu.memory_space<hbm>>
      %dma_start3A_191 = tpu.memref_squeeze %dma_start3A_190 : memref<1x128x128xf32, #tpu.memory_space<hbm>> -> memref<128x128xf32, #tpu.memory_space<hbm>>
      %dma_start3A_192 = arith.constant 0 : i32
      %dma_start3A_193 = tpu.memref_slice %arg22[%add3A_183, %dma_start3A_192] : memref<10240x128xf32, #tpu.memory_space<vmem_shared>> -> memref<128x128xf32, #tpu.memory_space<vmem_shared>>
      tpu.enqueue_dma source(%dma_start3A_193 : memref<128x128xf32, #tpu.memory_space<vmem_shared>>) target(%dma_start3A_191 : memref<128x128xf32, #tpu.memory_space<hbm>>) target_semaphore(%run_scoped3A_188 : memref<!tpu.dma_semaphore, #tpu.memory_space<semaphore_mem>>)
      %dma_wait3A_194 = arith.constant 0 : i32
      %dma_wait3A_195 = tpu.memref_slice %arg5[%arg0, %add3A_183, %dma_wait3A_194] : memref<2x10240x128xf32, #tpu.memory_space<hbm>> -> memref<1x128x128xf32, #tpu.memory_space<hbm>>
      %dma_wait3A_196 = tpu.memref_squeeze %dma_wait3A_195 : memref<1x128x128xf32, #tpu.memory_space<hbm>> -> memref<128x128xf32, #tpu.memory_space<hbm>>
      %dma_wait3A_197 = arith.constant 0 : i32
      %dma_wait3A_198 = tpu.memref_slice %arg22[%add3A_183, %dma_wait3A_197] : memref<10240x128xf32, #tpu.memory_space<vmem_shared>> -> memref<128x128xf32, #tpu.memory_space<vmem_shared>>
      tpu.wait_dma2 semaphore(%run_scoped3A_188 : memref<!tpu.dma_semaphore, #tpu.memory_space<semaphore_mem>>) src(%dma_wait3A_198 : memref<128x128xf32, #tpu.memory_space<vmem_shared>>) dst(%dma_wait3A_196 : memref<128x128xf32, #tpu.memory_space<hbm>>)
      tpu.yield
    }) : () -> ()
    %mul3A_184 = arith.constant 640 : i32
    %mul3A_185 = arith.muli %arg1, %mul3A_184 : i32
    %add3A_186 = arith.constant 512 : i32
    %add3A_187 = arith.addi %mul3A_185, %add3A_186 : i32
    "tpu.region"() ({
      %run_scoped3A_188 = tpu.sem_alloc : memref<!tpu.dma_semaphore, #tpu.memory_space<semaphore_mem>>
      %dma_start3A_189 = arith.constant 0 : i32
      %dma_start3A_190 = tpu.memref_slice %arg5[%arg0, %add3A_187, %dma_start3A_189] : memref<2x10240x128xf32, #tpu.memory_space<hbm>> -> memref<1x128x128xf32, #tpu.memory_space<hbm>>
      %dma_start3A_191 = tpu.memref_squeeze %dma_start3A_190 : memref<1x128x128xf32, #tpu.memory_space<hbm>> -> memref<128x128xf32, #tpu.memory_space<hbm>>
      %dma_start3A_192 = arith.constant 0 : i32
      %dma_start3A_193 = tpu.memref_slice %arg22[%add3A_187, %dma_start3A_192] : memref<10240x128xf32, #tpu.memory_space<vmem_shared>> -> memref<128x128xf32, #tpu.memory_space<vmem_shared>>
      tpu.enqueue_dma source(%dma_start3A_193 : memref<128x128xf32, #tpu.memory_space<vmem_shared>>) target(%dma_start3A_191 : memref<128x128xf32, #tpu.memory_space<hbm>>) target_semaphore(%run_scoped3A_188 : memref<!tpu.dma_semaphore, #tpu.memory_space<semaphore_mem>>)
      %dma_wait3A_194 = arith.constant 0 : i32
      %dma_wait3A_195 = tpu.memref_slice %arg5[%arg0, %add3A_187, %dma_wait3A_194] : memref<2x10240x128xf32, #tpu.memory_space<hbm>> -> memref<1x128x128xf32, #tpu.memory_space<hbm>>
      %dma_wait3A_196 = tpu.memref_squeeze %dma_wait3A_195 : memref<1x128x128xf32, #tpu.memory_space<hbm>> -> memref<128x128xf32, #tpu.memory_space<hbm>>
      %dma_wait3A_197 = arith.constant 0 : i32
      %dma_wait3A_198 = tpu.memref_slice %arg22[%add3A_187, %dma_wait3A_197] : memref<10240x128xf32, #tpu.memory_space<vmem_shared>> -> memref<128x128xf32, #tpu.memory_space<vmem_shared>>
      tpu.wait_dma2 semaphore(%run_scoped3A_188 : memref<!tpu.dma_semaphore, #tpu.memory_space<semaphore_mem>>) src(%dma_wait3A_198 : memref<128x128xf32, #tpu.memory_space<vmem_shared>>) dst(%dma_wait3A_196 : memref<128x128xf32, #tpu.memory_space<hbm>>)
      tpu.yield
    }) : () -> ()
    return
  }
}

module attributes {stable_mosaic.version = 14 : i64} {
  func.func @_tc1_body(%arg0: i32, %arg1: memref<1024x128xf32, #tpu.memory_space<vmem>>, %arg2: memref<128x128xf32, #tpu.memory_space<vmem>>, %arg3: memref<2x1024xf32, #tpu.memory_space<vmem>>, %arg4: memref<1024x128xf32, #tpu.memory_space<vmem>>) attributes {dimension_semantics = [#tpu.dimension_semantics<arbitrary>], iteration_bounds = array<i64: 10>, scalar_prefetch = 0 : i64, scratch_operands = 0 : i64, tpu.core_type = #tpu.core_type<tc>, window_params = [{transform_indices = @transform_0, window_bounds = array<i64: 1024, 128>}, {pipeline_mode = #tpu.pipeline_mode<synchronous>, transform_indices = @transform_1, window_bounds = array<i64: 128, 128>}, {transform_indices = @transform_2, window_bounds = array<i64: 2, 1024>}, {transform_indices = @transform_3, window_bounds = array<i64: 1024, 128>}]} {
    %get3A = arith.constant 0 : index
    %get3A_0 = arith.constant 0 : index
    %get3A_1 = vector.load %arg3[%get3A, %get3A_0] : memref<2x1024xf32, #tpu.memory_space<vmem>>, vector<1x1024xf32>
    %get3A_2 = vector.shape_cast %get3A_1 : vector<1x1024xf32> to vector<1024xf32>
    %get3A_3 = arith.constant 1 : index
    %get3A_4 = arith.constant 0 : index
    %get3A_5 = vector.load %arg3[%get3A_3, %get3A_4] : memref<2x1024xf32, #tpu.memory_space<vmem>>, vector<1x1024xf32>
    %get3A_6 = vector.shape_cast %get3A_5 : vector<1x1024xf32> to vector<1024xf32>
    %add3A = arith.addf %get3A_2, %get3A_6 : vector<1024xf32>
    %add3A_7 = arith.constant 1.000000e+00 : f32
    %add3A_8 = vector.broadcast %add3A_7 : f32 to vector<1024xf32>
    %add3A_9 = arith.addf %add3A, %add3A_8 : vector<1024xf32>
    %rsqrt3A = math.rsqrt %add3A_9 : vector<1024xf32>
    %get3A_10 = arith.constant 0 : index
    %get3A_11 = arith.constant 0 : index
    %get3A_12 = vector.load %arg1[%get3A_10, %get3A_11] : memref<1024x128xf32, #tpu.memory_space<vmem>>, vector<1024x128xf32>
    %get3A_13 = arith.constant 0 : index
    %get3A_14 = arith.constant 0 : index
    %get3A_15 = vector.load %arg2[%get3A_13, %get3A_14] : memref<128x128xf32, #tpu.memory_space<vmem>>, vector<128x128xf32>
    %dot_general3A = arith.constant dense<0.000000e+00> : vector<1024x128xf32>
    %dot_general3A_16 = tpu.matmul %get3A_12, %get3A_15, %dot_general3A {dimension_numbers = #tpu.dot_dimension_numbers<[1], [0], [0], [1], [0, 0, 1, 1], [], []>, transpose_lhs_hint = false} : vector<1024x128xf32>, vector<128x128xf32>, vector<1024x128xf32> -> vector<1024x128xf32>
    %broadcast_in_dim3A = vector.shape_cast %rsqrt3A : vector<1024xf32> to vector<1024x1xf32>
    %mul3A = vector.broadcast %broadcast_in_dim3A : vector<1024x1xf32> to vector<1024x128xf32>
    %mul3A_17 = arith.mulf %dot_general3A_16, %mul3A : vector<1024x128xf32>
    %swap3A = arith.constant 0 : index
    %swap3A_18 = arith.constant 0 : index
    %swap3A_19 = vector.load %arg4[%swap3A, %swap3A_18] : memref<1024x128xf32, #tpu.memory_space<vmem>>, vector<1024x128xf32>
    tpu.vector_store %arg4[%swap3A, %swap3A_18], %mul3A_17 {strides = array<i32>} : memref<1024x128xf32, #tpu.memory_space<vmem>>, vector<1024x128xf32>,
    return
  }
  func.func @transform_0(%arg0: i32) -> (i32, i32) {
    %c0_i32 = arith.constant 0 : i32
    %c0_i32_0 = arith.constant 0 : i32
    return %arg0, %c0_i32 : i32, i32
  }
  func.func @transform_1(%arg0: i32) -> (i32, i32) {
    %c0_i32 = arith.constant 0 : i32
    %c0_i32_0 = arith.constant 0 : i32
    %c0_i32_1 = arith.constant 0 : i32
    return %c0_i32, %c0_i32_0 : i32, i32
  }
  func.func @transform_2(%arg0: i32) -> (i32, i32) {
    %c0_i32 = arith.constant 0 : i32
    %c0_i32_0 = arith.constant 0 : i32
    return %c0_i32, %arg0 : i32, i32
  }
  func.func @transform_3(%arg0: i32) -> (i32, i32) {
    %c0_i32 = arith.constant 0 : i32
    %c0_i32_0 = arith.constant 0 : i32
    return %arg0, %c0_i32 : i32, i32
  }
}

module attributes {stable_mosaic.version = 14 : i64} {
  func.func @_tc2_body(%arg0: i32, %arg1: memref<2x1024x128xf32, #tpu.memory_space<vmem>>, %arg2: memref<1024x128xf32, #tpu.memory_space<vmem>>, %arg3: memref<2x1024xf32, #tpu.memory_space<vmem>>, %arg4: memref<1x128xf32, #tpu.memory_space<vmem>>, %arg5: memref<1024x128xf32, #tpu.memory_space<vmem>>) attributes {dimension_semantics = [#tpu.dimension_semantics<arbitrary>], iteration_bounds = array<i64: 10>, scalar_prefetch = 0 : i64, scratch_operands = 0 : i64, tpu.core_type = #tpu.core_type<tc>, window_params = [{transform_indices = @transform_0, window_bounds = array<i64: 2, 1024, 128>}, {transform_indices = @transform_1, window_bounds = array<i64: 1024, 128>}, {transform_indices = @transform_2, window_bounds = array<i64: 2, 1024>}, {pipeline_mode = #tpu.pipeline_mode<synchronous>, transform_indices = @transform_3, window_bounds = array<i64: 1, 128>}, {transform_indices = @transform_4, window_bounds = array<i64: 1024, 128>}]} {
    %get3A = arith.constant 0 : index
    %get3A_0 = arith.constant 0 : index
    %get3A_1 = vector.load %arg3[%get3A, %get3A_0] : memref<2x1024xf32, #tpu.memory_space<vmem>>, vector<1x1024xf32>
    %get3A_2 = vector.shape_cast %get3A_1 : vector<1x1024xf32> to vector<1024xf32>
    %get3A_3 = arith.constant 1 : index
    %get3A_4 = arith.constant 0 : index
    %get3A_5 = vector.load %arg3[%get3A_3, %get3A_4] : memref<2x1024xf32, #tpu.memory_space<vmem>>, vector<1x1024xf32>
    %get3A_6 = vector.shape_cast %get3A_5 : vector<1x1024xf32> to vector<1024xf32>
    %add3A = arith.addf %get3A_2, %get3A_6 : vector<1024xf32>
    %add3A_7 = arith.constant 1.000000e+00 : f32
    %add3A_8 = vector.broadcast %add3A_7 : f32 to vector<1024xf32>
    %add3A_9 = arith.addf %add3A, %add3A_8 : vector<1024xf32>
    %rsqrt3A = math.rsqrt %add3A_9 : vector<1024xf32>
    %get3A_10 = arith.constant 0 : index
    %get3A_11 = arith.constant 0 : index
    %get3A_12 = arith.constant 0 : index
    %get3A_13 = vector.load %arg1[%get3A_10, %get3A_11, %get3A_12] : memref<2x1024x128xf32, #tpu.memory_space<vmem>>, vector<1x1024x128xf32>
    %get3A_14 = vector.shape_cast %get3A_13 : vector<1x1024x128xf32> to vector<1024x128xf32>
    %get3A_15 = arith.constant 1 : index
    %get3A_16 = arith.constant 0 : index
    %get3A_17 = arith.constant 0 : index
    %get3A_18 = vector.load %arg1[%get3A_15, %get3A_16, %get3A_17] : memref<2x1024x128xf32, #tpu.memory_space<vmem>>, vector<1x1024x128xf32>
    %get3A_19 = vector.shape_cast %get3A_18 : vector<1x1024x128xf32> to vector<1024x128xf32>
    %add3A_20 = arith.addf %get3A_14, %get3A_19 : vector<1024x128xf32>
    %get3A_21 = arith.constant 0 : index
    %get3A_22 = arith.constant 0 : index
    %get3A_23 = vector.load %arg2[%get3A_21, %get3A_22] : memref<1024x128xf32, #tpu.memory_space<vmem>>, vector<1024x128xf32>
    %add3A_24 = arith.addf %add3A_20, %get3A_23 : vector<1024x128xf32>
    %broadcast_in_dim3A = vector.shape_cast %rsqrt3A : vector<1024xf32> to vector<1024x1xf32>
    %mul3A = vector.broadcast %broadcast_in_dim3A : vector<1024x1xf32> to vector<1024x128xf32>
    %mul3A_25 = arith.mulf %add3A_24, %mul3A : vector<1024x128xf32>
    %get3A_26 = arith.constant 0 : index
    %get3A_27 = arith.constant 0 : index
    %get3A_28 = vector.load %arg4[%get3A_26, %get3A_27] : memref<1x128xf32, #tpu.memory_space<vmem>>, vector<1x128xf32>
    %add3A_29 = vector.broadcast %get3A_28 : vector<1x128xf32> to vector<1024x128xf32>
    %add3A_30 = arith.addf %mul3A_25, %add3A_29 : vector<1024x128xf32>
    %swap3A = arith.constant 0 : index
    %swap3A_31 = arith.constant 0 : index
    %swap3A_32 = vector.load %arg5[%swap3A, %swap3A_31] : memref<1024x128xf32, #tpu.memory_space<vmem>>, vector<1024x128xf32>
    tpu.vector_store %arg5[%swap3A, %swap3A_31], %add3A_30 {strides = array<i32>} : memref<1024x128xf32, #tpu.memory_space<vmem>>, vector<1024x128xf32>,
    return
  }
  func.func @transform_0(%arg0: i32) -> (i32, i32, i32) {
    %c0_i32 = arith.constant 0 : i32
    %c0_i32_0 = arith.constant 0 : i32
    %c0_i32_1 = arith.constant 0 : i32
    return %c0_i32, %arg0, %c0_i32_0 : i32, i32, i32
  }
  func.func @transform_1(%arg0: i32) -> (i32, i32) {
    %c0_i32 = arith.constant 0 : i32
    %c0_i32_0 = arith.constant 0 : i32
    return %arg0, %c0_i32 : i32, i32
  }
  func.func @transform_2(%arg0: i32) -> (i32, i32) {
    %c0_i32 = arith.constant 0 : i32
    %c0_i32_0 = arith.constant 0 : i32
    return %c0_i32, %arg0 : i32, i32
  }
  func.func @transform_3(%arg0: i32) -> (i32, i32) {
    %c0_i32 = arith.constant 0 : i32
    %c0_i32_0 = arith.constant 0 : i32
    %c0_i32_1 = arith.constant 0 : i32
    return %c0_i32, %c0_i32_0 : i32, i32
  }
  func.func @transform_4(%arg0: i32) -> (i32, i32) {
    %c0_i32 = arith.constant 0 : i32
    %c0_i32_0 = arith.constant 0 : i32
    return %arg0, %c0_i32 : i32, i32
  }
}

</mosaic_0001>

<sc_bundles>
// kernel: kernel.6.cloned.1.call-start
scs
__scs_entry_jumppad:
0x0: {  	(pc) =	sbr.rel $0x88, $3  }
0x1: {  	(tag) =	ssettag $0x0;
	lr =	simm.s32 $0x1  }
0x2: {  	[smem:$0x3F9D] =	sst lr;
	_ =	strace $0xD0000000  }
0x3: {  	_ = 	snop  }
0x4: {  	_ = 	snop  }
0x5: {  	_ = 	snop  }
0x6: {  	_ = 	snop  }
0x7: {  	_ = 	snop  }
__scs_overlays_trampoline_lowered:
0x8: {  	[smem:$0x3FAC] =	sst s0  }
0x9: {  	[smem:$0x3FAD] =	sst s1  }
0xa: {  	[smem:$0x3FAE] =	sst s2  }
0xb: {  	[smem:$0x3FAF] =	sst s3  }
0xc: {  	[smem:$0x3FB0] =	sst s4  }
0xd: {  	[smem:$0x3FB1] =	sst s5  }
0xe: {  	[smem:$0x3FB2] =	sst s6  }
0xf: {  	[smem:$0x3FB3] =	sst s7  }
0x10: {  	[smem:$0x3FB4] =	sst s8  }
0x11: {  	[smem:$0x3FB5] =	sst s9;
	s0 =	simm.s32 @!p0 $0x0  }
0x12: {  	s1 =	sld [smem:$0x3F9B];
	s0 =	simm.s32 @p0 $0x1  }
0x13: {  	[smem:$0x3FB6] =	sst s0;
	s0 =	simm.s32 @!p1 $0x0  }
0x14: {  	s2 =	sld [smem:$0x3F9A];
	s0 =	simm.s32 @p1 $0x1  }
0x15: {  	[smem:$0x3FB7] =	sst s0;
	s0 =	simm.s32 @!p2 $0x0  }
0x16: {  	s3 =	sld [smem:$0x3FDB];
	s0 =	simm.s32 @p2 $0x1  }
0x17: {  	s4 =	simm.s32 $0x1BF5;
	[smem:$0x3FB9] =	sst s0  }
0x18: {  	s0 =	sld [smem:$0x3F9C];
	_ =	swait.ge [sflag:s4], $0x0  }
0x19: {  	s7 =	sld [smem:$0x3F9D]  }
0x1a: {  	s8 =	sadd.s32 $0xFFFFE003, lr  }
0x1b: {  	s9 =	sadd.s32 $0xFFFFFEF7, lr;
	s5 =	simm.s32 $0xFFFFFFFF;
	p2 =	slt.u32 s8, $0xFFFFF086  }
0x1c: {  	p1 =	slt.u32 s9, $0xF7A;
	s5 =	simm.s32 @!p2 $0x0  }
0x1d: {  	s5 =	simm.s32 @p1 $0x1;
	p0 =	seq.s32 s7, s2  }
0x1e: {  	s7 =	smul.u32 @!p0 $0xF7A, s2;
	p2 =	seq.s32 @!p0 s5, $0x0  }
0x1f: {  	s9 =	smul.u32 $0xF7A, s1;
	s8 =	simm.s32 @!p0 $0x1BF5;
	p2 =	por !p2, p0  }
0x20: {  	[sflag:s8] =	ssyncset.s32 @!p0 $0xFFFFF086;
	s6 =	sadd.s32 @!p0 s3, s7;
	s7 =	simm.s32 @!p0 $0x108  }
0x21: {  	s3 =	sadd.s32 s3, s9;
	s6 =	sadd.s32 @!p0 $0x88, s6;
	s7 =	simm.s32 @p2 $0x1082  }
0x22: {  	[simem:s7], [sflag:s8] =	dma.local @!p0 [hbm:s6], $0xF7A  }
0x23: {  	s9 =	sor.u32 $0xD0000000, s2;
	s6 =	simm.s32 $0x108;
	_ =	swait.ge @!p0 [sflag:s8], $0x0  }
0x24: {  	s3 =	sadd.s32 $0x88, s3;
	s6 =	simm.s32 @!p1 $0x1082;
	[sflag:s4] =	ssyncset.s32 $0xFFFFF086  }
0x25: {  	[simem:s6], [sflag:s4] =	dma.local [hbm:s3], $0xF7A  }
0x26: {  	[smem:$0x3F9D] =	sst s1;
	(tag) =	ssettag s2;
	_ =	strace s9  }
0x27: {  	s1 =	sld [smem:$0x3FAD]  }
0x28: {  	s2 =	sld [smem:$0x3FAE]  }
0x29: {  	s4 =	sld [smem:$0x3FB0]  }
0x2a: {  	p0 =	seq.s32 s5, $0x0;
	s5 =	sld [smem:$0x3FB1]  }
0x2b: {  	s6 =	sld [smem:$0x3FB2]  }
0x2c: {  	s7 =	sld [smem:$0x3FB3]  }
0x2d: {  	s3 =	simm.s32 $0x108;
	s8 =	sld [smem:$0x3FB4]  }
0x2e: {  	s3 =	simm.s32 @!p0 $0x1082;
	s9 =	sld [smem:$0x3FB5]  }
0x2f: {  	lr =	sadd.s32 s0, s3;
	s0 =	sld [smem:$0x3FAC]  }
0x30: {  	s3 =	sld [smem:$0x3FAF]  }
0x31: {  	[smem:$0x3FB8] =	sst s10  }
0x32: {  	s10 =	sld [smem:$0x3FB6];
	_ =	sdelay $0x3  }
0x33: {  	p0 =	seq.s32 s10, $0x1;
	s10 =	sld [smem:$0x3FB8];
	_ =	sdelay $0x3  }
0x34: {  	[smem:$0x3FB8] =	sst s10  }
0x35: {  	s10 =	sld [smem:$0x3FB7];
	_ =	sdelay $0x3  }
0x36: {  	p1 =	seq.s32 s10, $0x1;
	s10 =	sld [smem:$0x3FB8];
	_ =	sdelay $0x3  }
0x37: {  	[smem:$0x3FB8] =	sst s10  }
0x38: {  	s10 =	sld [smem:$0x3FB9]  }
0x39: {  	_ = 	snop;
	(pc) =	sbr.ind lr, $3  }
0x3a: {  	_ = 	snop  }
0x3b: {  	_ = 	snop  }
0x3c: {  	p2 =	seq.s32 s10, $0x1;
	s10 =	sld [smem:$0x3FB8]  }
0x3d: {  	_ =	shalt  }
0x3e: {  	_ =	shalt  }
0x3f: {  	_ =	shalt  }
0x40: {  	_ =	shalt  }
0x41: {  	_ =	shalt  }
0x42: {  	_ =	shalt  }
0x43: {  	_ =	shalt  }
0x44: {  	_ =	shalt  }
0x45: {  	_ =	shalt  }
0x46: {  	_ =	shalt  }
0x47: {  	_ =	shalt  }
0x48: {  	_ =	shalt  }
0x49: {  	_ =	shalt  }
0x4a: {  	_ =	shalt  }
0x4b: {  	_ =	shalt  }
0x4c: {  	_ =	shalt  }
0x4d: {  	_ =	shalt  }
0x4e: {  	_ =	shalt  }
0x4f: {  	_ =	shalt  }
0x50: {  	_ =	shalt  }
0x51: {  	_ =	shalt  }
0x52: {  	_ =	shalt  }
0x53: {  	_ =	shalt  }
0x54: {  	_ =	shalt  }
0x55: {  	_ =	shalt  }
0x56: {  	_ =	shalt  }
0x57: {  	_ =	shalt  }
0x58: {  	_ =	shalt  }
0x59: {  	_ =	shalt  }
0x5a: {  	_ =	shalt  }
0x5b: {  	_ =	shalt  }
0x5c: {  	_ =	shalt  }
0x5d: {  	_ =	shalt  }
0x5e: {  	_ =	shalt  }
0x5f: {  	_ =	shalt  }
0x60: {  	_ =	shalt  }
0x61: {  	_ =	shalt  }
0x62: {  	_ =	shalt  }
0x63: {  	_ =	shalt  }
0x64: {  	_ =	shalt  }
0x65: {  	_ =	shalt  }
0x66: {  	_ =	shalt  }
0x67: {  	_ =	shalt  }
0x68: {  	_ =	shalt  }
0x69: {  	_ =	shalt  }
0x6a: {  	_ =	shalt  }
0x6b: {  	_ =	shalt  }
0x6c: {  	_ =	shalt  }
0x6d: {  	_ =	shalt  }
0x6e: {  	_ =	shalt  }
0x6f: {  	_ =	shalt  }
0x70: {  	_ =	shalt  }
0x71: {  	_ =	shalt  }
0x72: {  	_ =	shalt  }
0x73: {  	_ =	shalt  }
0x74: {  	_ =	shalt  }
0x75: {  	_ =	shalt  }
0x76: {  	_ =	shalt  }
0x77: {  	_ =	shalt  }
0x78: {  	_ =	shalt  }
0x79: {  	_ =	shalt  }
0x7a: {  	_ =	shalt  }
0x7b: {  	_ =	shalt  }
0x7c: {  	_ =	shalt  }
0x7d: {  	_ =	shalt  }
0x7e: {  	_ =	shalt  }
0x7f: {  	_ =	shalt  }
0x80: {  	_ =	shalt  }
0x81: {  	_ =	shalt  }
0x82: {  	_ =	shalt  }
0x83: {  	_ =	shalt  }
0x84: {  	_ =	shalt  }
0x85: {  	_ =	shalt  }
0x86: {  	_ =	shalt  }
0x87: {  	_ =	shalt  }
.Lfunc_end0:
.L_simem_size_0:
called_computation_lowered:
.L_overlay_start_0:
0x88: {  	s2 =	sld [smem:$0x3FD9]  }
0x89: {  	s3 =	sld [smem:$0x3FFE];
	_ =	sdelay $0x1  }
0x8a: {  	s1 =	srdreg.scid  }
0x8b: {  	s0 =	sand.u32 $0x1, s1  }
0x8c: {  	s17 =	sshll.u32 s0, $0xA;
	s2 =	sadd.s32 s3, s2  }
0x8d: {  	s2 =	sadd.s32 s2, s17  }
0x8e: {  	[smem:$0x3FC4] =	sst s2  }
0x8f: {  	_ = 	snop  }
0x90: {  	s2 =	sld [smem:$0x3FD0];
	(tm) =	ssettm $0x1  }
0x91: {  	s18 =	sld [smem:$0x3FFB];
	_ =	sdelay $0x3  }
0x92: {  	_ =	strace s18  }
0x93: {  	s3 =	sld [smem:$0x3FFC];
	_ =	sdelay $0x3  }
0x94: {  	_ =	strace s3  }
0x95: {  	s3 =	sld [smem:$0x3FFD];
	_ =	sdelay $0x3  }
0x96: {  	_ =	strace s3  }
0x97: {  	_ =	strace $0x8FFFFFFF  }
0x98: {  	s19 =	sld [smem:$0x3FDB];
	_ =	sdelay $0x1  }
0x99: {  	s4 =	simm.s32 $_scs_section_size  }
0x9a: {  	s5 =	simm.s32 $_size__tile_overlayer_lowered;
	s6 =	simm.s32 $_tile_overlayer_lowered  }
0x9b: {  	s22 =	simm.s32 $0x1BFF;
	s21 =	sshll.u32 s6, $0x1;
	s3 =	sadd.s32 s4, s19  }
0x9c: {  	s7 =	simm.s32 $0x0;
	s20 =	sshll.u32 s5, $0x1;
	s5 =	sadd.s32 s21, s3  }
0x9d: {  	[timem:s7], [sflag:s22] =	dma.local [hbm:s5], s20  }
0x9e: {  	_ =	swait.ge [sflag:s22], s20  }
0x9f: {  	s4 =	ssub.s32 $0x0, s20;
	[sflag:s22] =	ssyncset.done $0x0  }
0xa0: {  	[sflag:s22] =	ssyncadd.s32 s4;
	_ =	sdelay $0x1  }
0xa1: {  	s23 =	simm.s32 $0x1B8B  }
0xa2: {  	_ =	swait.ge [sflag:s23], $0x1  }
0xa3: {  	[sflag:s23] =	ssyncset.done $0x0  }
0xa4: {  	s25 =	simm.s32 $0x1B8E;
	s24 =	sld [smem:$0x3FFE];
	[sflag:s23] =	ssyncadd.s32 $0xFFFFFFFF  }
0xa5: {  	s26 =	simm.s32 $execute0_lowered;
	[smem:$0x3FD2] =	sst s25  }
0xa6: {  	s5 =	sshll.u32 s26, $0x1;
	_ =	strace $0x80000046;
	[dreg:$0x1] =	wrdreg $0xFFFFFFFF  }
0xa7: {  	s28 =	simm.s32 $_size_execute0_lowered;
	s3 =	sadd.s32 s3, s5;
	[dreg:$0x0] =	wrdreg $0x0  }
0xa8: {  	s5 =	sshll.u32 s28, $0x1;
	[dreg:$0x2] =	wrdreg s3  }
0xa9: {  	[dreg:$0x3] =	wrdreg s5  }
0xaa: {  	[dreg:$0x4] =	wrdreg $0xC0  }
0xab: {  	_ =	task [dreg:s7], $0x5FFFF  }
0xac: {  	[dreg:$0x1] =	wrdreg $0xFFFFFFFF  }
0xad: {  	[dreg:$0x0] =	wrdreg $0x60  }
0xae: {  	[dreg:$0x2] =	wrdreg s24  }
0xaf: {  	[dreg:$0x3] =	wrdreg s2  }
0xb0: {  	[dreg:$0x4] =	wrdreg $0x50800  }
0xb1: {  	[dreg:$0x5] =	wrdreg $0x9  }
0xb2: {  	_ =	task.clear_ibuf [dreg:s7], $0x6FFFF;
	_ =	strace $0x90000046  }
0xb3: {  	s29 =	simm.s32 $0x9;
	_ =	strace $0x80000048  }
0xb4: {  	_ =	swait.ge [sflag:s29], $0x1  }
0xb5: {  	[sflag:s29] =	ssyncadd.s32 $0xFFFFFFFF  }
0xb6: {  	_ =	strace $0x90000048  }
0xb7: {  	_ =	sfence  }
0xb8: {  	s30 =	sld [smem:$0x0];
	_ =	sdelay $0x2  }
0xb9: {  	s31 =	sshll.u32 s1, $0xD;
	s1 =	sshrl.u32 s1, $0x2  }
0xba: {  	s3 =	sand.u32 $0x4000, s31;
	s1 =	sadd.s32 s1, s30  }
0xbb: {  	s0 =	sor.u32 s3, s0;
	s1 =	sshll.u32 s1, $0x11  }
0xbc: {  	s0 =	sor.u32 s1, s0  }
0xbd: {  	s0 =	sadd.s32 $0x8F2B, s0  }
0xbe: {  	[sflag:s0] =	ssyncadd.remote.s32 $0x1  }
0xbf: {  	_ =	sfence.sel $0xFFFF  }
0xc0: {  	[dreg:$0x0] =	wrdreg $0xFFFFFFFF;
	(pc) =	sbr.abs _section_cstart, $3  }
0xc1: {  	[dreg:$0x1] =	wrdreg $0xFFFFFFFF  }
0xc2: {  	_ =	task.clear_ibuf [dreg:s7], $0x2FFFF;
	_ =	strace $0x9FFFFFFF  }
0xc3: {  	(tm) =	ssettm $0x7FFFFFFF  }
tec
execute0_lowered:
.L_overlay_start_1:
0x0: {  	(tag) =	ssettag $0x1  }
0x1: {  	s3 =	rddreg [dreg:$0x0]  }
0x2: {  	s4 =	rddreg [dreg:$0x1];
	s0 =	srdreg.scid  }
0x3: {  	s1 =	rddreg [dreg:$0x2];
	s10 =	stileid.u32  }
0x4: {  	s2 =	simm.s32 $0x0;
	s5 =	sand.u32 $0x1, s0;
	s0 =	rddreg [dreg:$0x3]  }
0x5: {  	s9 =	simm.s32 $0x5000;
	s12 =	simm.s32 $0x0;
	[smem:$0x7FF] =	sst s2  }
0x6: {  	s8 =	sshll.u32 s10, $0xA;
	p0 =	sne.s32 s10, $0x0;
	p1 =	sgt.u32 s10, $0x9  }
0x7: {  	s6 =	sshll.u32 s5, $0x4;
	s7 =	smul.u32 $0x2800, s5;
	_ =	strace $0x80000047  }
0x8: {  	s5 =	ssub.s32 $0x2, s5;
	s11 =	sadd.s32 s8, s1;
	s6 =	sor.u32 s10, s6  }
0x9: {  	s31 =	sshrl.u32 s5, $0x1;
	s10 =	sshll.u32 @!p1 s10, $0x6;
	s11 =	sshrl.u32 @!p1 s11, $0x3  }
0xa: {  	s6 =	smul.u32 $0x500, s6;
	s7 =	sadd.s32 s8, s7;
	s5 =	ssub.s32 s5, s31  }
0xb: {  	v0 =	vlaneseq.u32;
	s8 =	simm.s32 $0x50;
	s10 =	sor.u32 @!p1 $0x1C01, s10;
	s7 =	sshrl.u32 s7, $0x3  }
0xc: {  	v1 =	vimm.f32 $0.0e+00;
	v6 =	vimm.f32 $1.000000000e+00;
	v2 =	vor.u32 $0x10, v0;
	s5 =	smax.u32 s5, $0x1;
	s3 =	sadd.s32 s6, s3;
	s4 =	sadd.s32 s4, s7  }
0xd: {  	v3 =	vor.u32 $0x20, v0;
	v4 =	vor.u32 $0x30, v0;
	v5 =	vor.u32 $0x40, v0;
	s6 =	simm.s32 $0x2800;
	s7 =	simm.s32 $0x1;
	s3 =	sadd.s32 $0x1A00, s3  }
.LBB2_1:
0xe: {  	s13 =	sand.u32 $0xFE00, s2  }
0xf: {  	s14 =	sand.u32 $0x70, s2;
	s15 =	sshrl.u32 s13, $0x2  }
0x10: {  	s13 =	simm.s32 $0x40;
	s15 =	sor.u32 s14, s15;
	s14 =	simm.s32 $0x0  }
.LBB2_2:
0x11: {  	p2 =	sne.s32 s13, $0x9FC0  }
0x12: {  	[tilespmem:s15+$0x0] =	vst v1;
	s14 =	sadd.s32 $0x10, s14;
	s15 =	smov.u32 s13;
	s13 =	sadd.s32 $0x40, s13  }
.Ltmp0:
0x13: {  	(pc) =	sbr.rel @p2 .LBB2_2-.Ltmp0, $4  }
0x14: {  	_ = 	snop  }
0x15: {  	s15 =	sand.u32 $0xFE00, s15  }
0x16: {  	s16 =	sand.u32 $0x70, s14;
	s15 =	sshrl.u32 s15, $0x2  }
0x17: {  	s15 =	sor.u32 s16, s15  }
0x18: {  	[tilespmem:s15+$0x0] =	vst v1  }
0x19: {  	[tilespmem:$0x5000] =	vst v0  }
0x1a: {  	[tilespmem:$0x5010] =	vst v2  }
0x1b: {  	[tilespmem:$0x5020] =	vst v3  }
0x1c: {  	[tilespmem:$0x5030] =	vst v4  }
0x1d: {  	s13 =	simm.s32 @!p0 $0x0;
	[tilespmem:$0x5040] =	vst v5  }
0x1e: {  	[spmem:s1] =	stream.linear.scatter @!p0 [tilespmem:s13], [sflag:$0x1], $0x2800, $0x38;
	[tilespmem:$0x5300] =	vst v63  }
0x1f: {  	s13 =	simm.s32 @!p0 $0x1  }
0x20: {  	_ =	swait.ge @!p0 [sflag:s13], $0x2800  }
0x21: {  	[sflag:s13] =	ssyncset.done @!p0 $0x0  }
0x22: {  	s31 =	simm.s32 $0x0;
	[sflag:s13] =	ssyncadd.s32 @!p0 $0xFFFFD800  }
0x23: {  	[tilespmem:s6], [sflag:$0x1] =	stream.linear.gather [hbm4b:s3+s31], $0x2800, $0x38;
	[tilespmem:$0x5300] =	vst v63  }
0x24: {  	_ =	swait.ge [sflag:s7], $0x2800  }
0x25: {  	[sflag:s7] =	ssyncset.done $0x0  }
0x26: {  	s14 =	simm.s32 $0x0;
	s13 =	simm.s32 $0x40;
	[sflag:s7] =	ssyncadd.s32 $0xFFFFD800  }
.LBB2_4:
0x27: {  	p2 =	sne.s32 s13, $0x9FC0;
	v7 =	vld [tilespmem:s14+$0x2800];
	_ =	sdelay $0x3  }
.Ltmp1:
0x28: {  	(pc) =	sbr.rel @p2 .LBB2_4-.Ltmp1, $2  }
0x29: {  	_ =	sdelay $0x2  }
0x2a: {  	s14 =	sshra.s32 s13, $0x2;
	s13 =	sadd.s32 $0x40, s13;
	[tilespmem:v7+s2+$0x0] =	vst.idx.add.f32.msk $0xffff, v6  }
0x2b: {  	v7 =	vld [tilespmem:s14+$0x2800];
	_ =	sdelay $0x7  }
0x2c: {  	[tilespmem:v7+s2+$0x0] =	vst.idx.add.f32.msk $0xffff, v6  }
0x2d: {  	[bflag:$0x0] =	sbarrier.arrive $0xFFFF  }
0x2e: {  	[spmem:s1] =	stream.indirect.scatter.add.f32 [tilespmem:s2], [sflag:$0x1], $0x80, s9, s8, $0xb8;
	[tilespmem:$0x5300] =	vst v63  }
0x2f: {  	_ =	swait.ge [sflag:s7], $0x2800  }
0x30: {  	s12 =	sadd.s32 $0x1, s12;
	[sflag:s7] =	ssyncset.done $0x0  }
0x31: {  	p2 =	sne.s32 s12, s5;
	[sflag:s7] =	ssyncadd.s32 $0xFFFFD800  }
.Ltmp2:
0x32: {  	s13 =	simm.s32 @!p1 $0x1;
	[bflag:$0x0] =	sbarrier.arrive $0xFFFF;
	(pc) =	sbr.rel @p2 .LBB2_1-.Ltmp2, $4  }
0x33: {  	[hbm:s4], [sflag:s10] =	dma.local @!p1 [spmem:s11], $0x80  }
0x34: {  	_ =	swait.ge @!p1 [sflag:s13], $0x80  }
0x35: {  	[sflag:s13] =	ssyncset.done @!p1 $0x0  }
0x36: {  	[sflag:s13] =	ssyncadd.s32 @!p1 $0xFFFFFF80  }
0x37: {  	_ =	sfence.sel $0x180000  }
0x38: {  	[bflag:$0x0] =	sbarrier.arrive $0xFFFF  }
0x39: {  	_ =	strace $0x90000047  }
0x3a: {  	s0 =	sadd.s32 @!p0 $0x100000, s0;
	[bflag:$0x2] =	sbarrier.arrive $0xFFFF  }
0x3b: {  	[sflag:s0] =	ssyncadd.tile.s32 @!p0 $0x1;
	_ =	shalt  }
.Lfunc_end2:
_tile_overlayer_lowered:
.L_overlay_start_2:
0x3c: {  	(tag) =	ssettag $0x2  }
0x3d: {  	s0 =	rddreg [dreg:$0x0];
	s2 =	stileid.u32  }
0x3e: {  	s1 =	rddreg [dreg:$0x1];
	p0 =	sne.s32 s2, $0x0  }
0x3f: {  	s3 =	rddreg [dreg:$0x2];
	[bflag:$0x3] =	sbarrier.arrive $0xFFFF;
	s2 =	simm.s32 @!p0 $0x1C01  }
0x40: {  	[timem:s3], [sflag:s2] =	dma.local @!p0 [hbm:s0], s1  }
0x41: {  	s0 =	simm.s32 @!p0 $0x1  }
0x42: {  	_ =	swait.ge @!p0 [sflag:s0], s1  }
0x43: {  	s1 =	ssub.s32 @!p0 $0x0, s1;
	[sflag:s0] =	ssyncset.done @!p0 $0x0  }
0x44: {  	[sflag:s0] =	ssyncadd.s32 @!p0 s1  }
0x45: {  	[bflag:$0x3] =	sbarrier.arrive $0xFFFF  }
0x46: {  	_ =	shalt  }

// kernel: kernel.9.cloned.1.call-start
scs
__scs_entry_jumppad:
0x0: {  	(pc) =	sbr.rel $0x88, $3  }
0x1: {  	(tag) =	ssettag $0x0;
	lr =	simm.s32 $0x1  }
0x2: {  	[smem:$0x3F9D] =	sst lr;
	_ =	strace $0xD0000000  }
0x3: {  	_ = 	snop  }
0x4: {  	_ = 	snop  }
0x5: {  	_ = 	snop  }
0x6: {  	_ = 	snop  }
0x7: {  	_ = 	snop  }
__scs_overlays_trampoline_lowered:
0x8: {  	[smem:$0x3FAC] =	sst s0  }
0x9: {  	[smem:$0x3FAD] =	sst s1  }
0xa: {  	[smem:$0x3FAE] =	sst s2  }
0xb: {  	[smem:$0x3FAF] =	sst s3  }
0xc: {  	[smem:$0x3FB0] =	sst s4  }
0xd: {  	[smem:$0x3FB1] =	sst s5  }
0xe: {  	[smem:$0x3FB2] =	sst s6  }
0xf: {  	[smem:$0x3FB3] =	sst s7  }
0x10: {  	[smem:$0x3FB4] =	sst s8  }
0x11: {  	[smem:$0x3FB5] =	sst s9;
	s0 =	simm.s32 @!p0 $0x0  }
0x12: {  	s1 =	sld [smem:$0x3F9B];
	s0 =	simm.s32 @p0 $0x1  }
0x13: {  	[smem:$0x3FB6] =	sst s0;
	s0 =	simm.s32 @!p1 $0x0  }
0x14: {  	s2 =	sld [smem:$0x3F9A];
	s0 =	simm.s32 @p1 $0x1  }
0x15: {  	[smem:$0x3FB7] =	sst s0;
	s0 =	simm.s32 @!p2 $0x0  }
0x16: {  	s3 =	sld [smem:$0x3FDB];
	s0 =	simm.s32 @p2 $0x1  }
0x17: {  	s4 =	simm.s32 $0x1BF5;
	[smem:$0x3FB9] =	sst s0  }
0x18: {  	s0 =	sld [smem:$0x3F9C];
	_ =	swait.ge [sflag:s4], $0x0  }
0x19: {  	s7 =	sld [smem:$0x3F9D]  }
0x1a: {  	s8 =	sadd.s32 $0xFFFFE003, lr  }
0x1b: {  	s9 =	sadd.s32 $0xFFFFFEF7, lr;
	s5 =	simm.s32 $0xFFFFFFFF;
	p2 =	slt.u32 s8, $0xFFFFF086  }
0x1c: {  	p1 =	slt.u32 s9, $0xF7A;
	s5 =	simm.s32 @!p2 $0x0  }
0x1d: {  	s5 =	simm.s32 @p1 $0x1;
	p0 =	seq.s32 s7, s2  }
0x1e: {  	s7 =	smul.u32 @!p0 $0xF7A, s2;
	p2 =	seq.s32 @!p0 s5, $0x0  }
0x1f: {  	s9 =	smul.u32 $0xF7A, s1;
	s8 =	simm.s32 @!p0 $0x1BF5;
	p2 =	por !p2, p0  }
0x20: {  	[sflag:s8] =	ssyncset.s32 @!p0 $0xFFFFF086;
	s6 =	sadd.s32 @!p0 s3, s7;
	s7 =	simm.s32 @!p0 $0x108  }
0x21: {  	s3 =	sadd.s32 s3, s9;
	s6 =	sadd.s32 @!p0 $0x88, s6;
	s7 =	simm.s32 @p2 $0x1082  }
0x22: {  	[simem:s7], [sflag:s8] =	dma.local @!p0 [hbm:s6], $0xF7A  }
0x23: {  	s9 =	sor.u32 $0xD0000000, s2;
	s6 =	simm.s32 $0x108;
	_ =	swait.ge @!p0 [sflag:s8], $0x0  }
0x24: {  	s3 =	sadd.s32 $0x88, s3;
	s6 =	simm.s32 @!p1 $0x1082;
	[sflag:s4] =	ssyncset.s32 $0xFFFFF086  }
0x25: {  	[simem:s6], [sflag:s4] =	dma.local [hbm:s3], $0xF7A  }
0x26: {  	[smem:$0x3F9D] =	sst s1;
	(tag) =	ssettag s2;
	_ =	strace s9  }
0x27: {  	s1 =	sld [smem:$0x3FAD]  }
0x28: {  	s2 =	sld [smem:$0x3FAE]  }
0x29: {  	s4 =	sld [smem:$0x3FB0]  }
0x2a: {  	p0 =	seq.s32 s5, $0x0;
	s5 =	sld [smem:$0x3FB1]  }
0x2b: {  	s6 =	sld [smem:$0x3FB2]  }
0x2c: {  	s7 =	sld [smem:$0x3FB3]  }
0x2d: {  	s3 =	simm.s32 $0x108;
	s8 =	sld [smem:$0x3FB4]  }
0x2e: {  	s3 =	simm.s32 @!p0 $0x1082;
	s9 =	sld [smem:$0x3FB5]  }
0x2f: {  	lr =	sadd.s32 s0, s3;
	s0 =	sld [smem:$0x3FAC]  }
0x30: {  	s3 =	sld [smem:$0x3FAF]  }
0x31: {  	[smem:$0x3FB8] =	sst s10  }
0x32: {  	s10 =	sld [smem:$0x3FB6];
	_ =	sdelay $0x3  }
0x33: {  	p0 =	seq.s32 s10, $0x1;
	s10 =	sld [smem:$0x3FB8];
	_ =	sdelay $0x3  }
0x34: {  	[smem:$0x3FB8] =	sst s10  }
0x35: {  	s10 =	sld [smem:$0x3FB7];
	_ =	sdelay $0x3  }
0x36: {  	p1 =	seq.s32 s10, $0x1;
	s10 =	sld [smem:$0x3FB8];
	_ =	sdelay $0x3  }
0x37: {  	[smem:$0x3FB8] =	sst s10  }
0x38: {  	s10 =	sld [smem:$0x3FB9]  }
0x39: {  	_ = 	snop;
	(pc) =	sbr.ind lr, $3  }
0x3a: {  	_ = 	snop  }
0x3b: {  	_ = 	snop  }
0x3c: {  	p2 =	seq.s32 s10, $0x1;
	s10 =	sld [smem:$0x3FB8]  }
0x3d: {  	_ =	shalt  }
0x3e: {  	_ =	shalt  }
0x3f: {  	_ =	shalt  }
0x40: {  	_ =	shalt  }
0x41: {  	_ =	shalt  }
0x42: {  	_ =	shalt  }
0x43: {  	_ =	shalt  }
0x44: {  	_ =	shalt  }
0x45: {  	_ =	shalt  }
0x46: {  	_ =	shalt  }
0x47: {  	_ =	shalt  }
0x48: {  	_ =	shalt  }
0x49: {  	_ =	shalt  }
0x4a: {  	_ =	shalt  }
0x4b: {  	_ =	shalt  }
0x4c: {  	_ =	shalt  }
0x4d: {  	_ =	shalt  }
0x4e: {  	_ =	shalt  }
0x4f: {  	_ =	shalt  }
0x50: {  	_ =	shalt  }
0x51: {  	_ =	shalt  }
0x52: {  	_ =	shalt  }
0x53: {  	_ =	shalt  }
0x54: {  	_ =	shalt  }
0x55: {  	_ =	shalt  }
0x56: {  	_ =	shalt  }
0x57: {  	_ =	shalt  }
0x58: {  	_ =	shalt  }
0x59: {  	_ =	shalt  }
0x5a: {  	_ =	shalt  }
0x5b: {  	_ =	shalt  }
0x5c: {  	_ =	shalt  }
0x5d: {  	_ =	shalt  }
0x5e: {  	_ =	shalt  }
0x5f: {  	_ =	shalt  }
0x60: {  	_ =	shalt  }
0x61: {  	_ =	shalt  }
0x62: {  	_ =	shalt  }
0x63: {  	_ =	shalt  }
0x64: {  	_ =	shalt  }
0x65: {  	_ =	shalt  }
0x66: {  	_ =	shalt  }
0x67: {  	_ =	shalt  }
0x68: {  	_ =	shalt  }
0x69: {  	_ =	shalt  }
0x6a: {  	_ =	shalt  }
0x6b: {  	_ =	shalt  }
0x6c: {  	_ =	shalt  }
0x6d: {  	_ =	shalt  }
0x6e: {  	_ =	shalt  }
0x6f: {  	_ =	shalt  }
0x70: {  	_ =	shalt  }
0x71: {  	_ =	shalt  }
0x72: {  	_ =	shalt  }
0x73: {  	_ =	shalt  }
0x74: {  	_ =	shalt  }
0x75: {  	_ =	shalt  }
0x76: {  	_ =	shalt  }
0x77: {  	_ =	shalt  }
0x78: {  	_ =	shalt  }
0x79: {  	_ =	shalt  }
0x7a: {  	_ =	shalt  }
0x7b: {  	_ =	shalt  }
0x7c: {  	_ =	shalt  }
0x7d: {  	_ =	shalt  }
0x7e: {  	_ =	shalt  }
0x7f: {  	_ =	shalt  }
0x80: {  	_ =	shalt  }
0x81: {  	_ =	shalt  }
0x82: {  	_ =	shalt  }
0x83: {  	_ =	shalt  }
0x84: {  	_ =	shalt  }
0x85: {  	_ =	shalt  }
0x86: {  	_ =	shalt  }
0x87: {  	_ =	shalt  }
.Lfunc_end0:
.L_simem_size_0:
called_computation.1_lowered:
.L_overlay_start_0:
0x88: {  	s2 =	sld [smem:$0x3FD9]  }
0x89: {  	s3 =	sld [smem:$0x3FFE];
	_ =	sdelay $0x1  }
0x8a: {  	s1 =	srdreg.scid  }
0x8b: {  	s0 =	sand.u32 $0x1, s1  }
0x8c: {  	s17 =	sshll.u32 s0, $0xA;
	s2 =	sadd.s32 s3, s2  }
0x8d: {  	s2 =	sadd.s32 s2, s17  }
0x8e: {  	[smem:$0x3FC4] =	sst s2  }
0x8f: {  	_ = 	snop  }
0x90: {  	s2 =	sld [smem:$0x3FD0];
	(tm) =	ssettm $0x1  }
0x91: {  	s18 =	sld [smem:$0x3FFB];
	_ =	sdelay $0x3  }
0x92: {  	_ =	strace s18  }
0x93: {  	s3 =	sld [smem:$0x3FFC];
	_ =	sdelay $0x3  }
0x94: {  	_ =	strace s3  }
0x95: {  	s3 =	sld [smem:$0x3FFD];
	_ =	sdelay $0x3  }
0x96: {  	_ =	strace s3  }
0x97: {  	_ =	strace $0x8FFFFFFF  }
0x98: {  	s19 =	sld [smem:$0x3FDB];
	_ =	sdelay $0x1  }
0x99: {  	s4 =	simm.s32 $_scs_section_size  }
0x9a: {  	s5 =	simm.s32 $_size__tile_overlayer_lowered;
	s6 =	simm.s32 $_tile_overlayer_lowered  }
0x9b: {  	s22 =	simm.s32 $0x1BFF;
	s21 =	sshll.u32 s6, $0x1;
	s3 =	sadd.s32 s4, s19  }
0x9c: {  	s7 =	simm.s32 $0x0;
	s20 =	sshll.u32 s5, $0x1;
	s5 =	sadd.s32 s21, s3  }
0x9d: {  	[timem:s7], [sflag:s22] =	dma.local [hbm:s5], s20  }
0x9e: {  	_ =	swait.ge [sflag:s22], s20  }
0x9f: {  	s4 =	ssub.s32 $0x0, s20;
	[sflag:s22] =	ssyncset.done $0x0  }
0xa0: {  	[sflag:s22] =	ssyncadd.s32 s4;
	_ =	sdelay $0x1  }
0xa1: {  	s23 =	simm.s32 $0x1B8B  }
0xa2: {  	_ =	swait.ge [sflag:s23], $0x1  }
0xa3: {  	[sflag:s23] =	ssyncset.done $0x0  }
0xa4: {  	s25 =	simm.s32 $0x1B8E;
	s24 =	sld [smem:$0x3FFE];
	[sflag:s23] =	ssyncadd.s32 $0xFFFFFFFF  }
0xa5: {  	s26 =	simm.s32 $execute0_lowered;
	[smem:$0x3FD2] =	sst s25  }
0xa6: {  	s5 =	sshll.u32 s26, $0x1;
	_ =	strace $0x80000049;
	[dreg:$0x1] =	wrdreg $0xFFFFFFFF  }
0xa7: {  	s28 =	simm.s32 $_size_execute0_lowered;
	s3 =	sadd.s32 s3, s5;
	[dreg:$0x0] =	wrdreg $0x0  }
0xa8: {  	s5 =	sshll.u32 s28, $0x1;
	[dreg:$0x2] =	wrdreg s3  }
0xa9: {  	[dreg:$0x3] =	wrdreg s5  }
0xaa: {  	[dreg:$0x4] =	wrdreg $0xC0  }
0xab: {  	_ =	task [dreg:s7], $0x5FFFF  }
0xac: {  	[dreg:$0x1] =	wrdreg $0xFFFFFFFF  }
0xad: {  	[dreg:$0x0] =	wrdreg $0x60  }
0xae: {  	[dreg:$0x2] =	wrdreg s2  }
0xaf: {  	[dreg:$0x3] =	wrdreg s24  }
0xb0: {  	[dreg:$0x4] =	wrdreg $0xA7800  }
0xb1: {  	[dreg:$0x5] =	wrdreg $0x9  }
0xb2: {  	_ =	task.clear_ibuf [dreg:s7], $0x6FFFF;
	_ =	strace $0x90000049  }
0xb3: {  	s29 =	simm.s32 $0x9;
	_ =	strace $0x8000004B  }
0xb4: {  	_ =	swait.ge [sflag:s29], $0x1  }
0xb5: {  	[sflag:s29] =	ssyncadd.s32 $0xFFFFFFFF  }
0xb6: {  	_ =	strace $0x9000004B  }
0xb7: {  	_ =	sfence  }
0xb8: {  	s30 =	sld [smem:$0x0];
	_ =	sdelay $0x2  }
0xb9: {  	s31 =	sshll.u32 s1, $0xD;
	s1 =	sshrl.u32 s1, $0x2  }
0xba: {  	s3 =	sand.u32 $0x4000, s31;
	s1 =	sadd.s32 s1, s30  }
0xbb: {  	s0 =	sor.u32 s3, s0;
	s1 =	sshll.u32 s1, $0x11  }
0xbc: {  	s0 =	sor.u32 s1, s0  }
0xbd: {  	s0 =	sadd.s32 $0x8F2B, s0  }
0xbe: {  	[sflag:s0] =	ssyncadd.remote.s32 $0x1  }
0xbf: {  	_ =	sfence.sel $0xFFFF  }
0xc0: {  	[dreg:$0x0] =	wrdreg $0xFFFFFFFF;
	(pc) =	sbr.abs _section_cstart, $3  }
0xc1: {  	[dreg:$0x1] =	wrdreg $0xFFFFFFFF  }
0xc2: {  	_ =	task.clear_ibuf [dreg:s7], $0x2FFFF;
	_ =	strace $0x9FFFFFFF  }
0xc3: {  	(tm) =	ssettm $0x7FFFFFFF  }
tec
execute0_lowered:
.L_overlay_start_1:
0x0: {  	(tag) =	ssettag $0x1  }
0x1: {  	s3 =	rddreg [dreg:$0x1];
	s4 =	srdreg.scid  }
0x2: {  	s0 =	simm.s32 $0x0;
	s16 =	stileid.u32;
	s4 =	sand.u32 $0x1, s4  }
0x3: {  	s28 =	simm.s32 $0x5;
	s30 =	simm.s32 $0x11;
	s6 =	sshll.u32 s4, $0x4  }
0x4: {  	[smem:$0x7FF] =	sst s0;
	s7 =	smul.u32 $0x50000, s16;
	s6 =	sor.u32 s16, s6  }
0x5: {  	s1 =	sadd.s32 $0xBA00, s3;
	s2 =	sadd.s32 $0x1A00, s3;
	s12 =	smul.u32 $0x2800, s6  }
0x6: {  	s11 =	smul.u32 $0x14000, s16;
	s3 =	sadd.s32 $0x15A00, s3;
	s5 =	ssub.s32 $0x2, s4  }
0x7: {  	s21 =	smul.u32 $0x2800, s16;
	s8 =	sshrl.u32 s5, $0x1;
	s12 =	sshrl.u32 s12, $0x3  }
0x8: {  	s9 =	sadd.s32 $0xC000, s11;
	s10 =	sadd.s32 $0x10000, s11;
	s13 =	sadd.s32 s1, s12  }
0x9: {  	s25 =	sadd.s32 s2, s12;
	s26 =	sor.u32 $0x8, s12;
	[dreg:$0x4] =	wrdreg s13  }
0xa: {  	s5 =	ssub.s32 s5, s8;
	[dreg:$0x5] =	wrdreg s25;
	s14 =	sadd.s32 s1, s26  }
0xb: {  	s31 =	sor.u32 $0x10, s12;
	s13 =	sadd.s32 s2, s26;
	[dreg:$0x6] =	wrdreg s14  }
0xc: {  	s17 =	sor.u32 $0x18, s12;
	s15 =	sadd.s32 s1, s31;
	[dreg:$0x7] =	wrdreg s13  }
0xd: {  	s6 =	sshrl.u32 s7, $0x2;
	s18 =	sadd.s32 s1, s17;
	[dreg:$0x8] =	wrdreg s15  }
0xe: {  	s7 =	sadd.s32 $0x4000, s11;
	s19 =	sadd.s32 s2, s17;
	[dreg:$0xa] =	wrdreg s18  }
0xf: {  	s12 =	sor.u32 $0x20, s12;
	s13 =	sadd.s32 s2, s31;
	[dreg:$0xb] =	wrdreg s19  }
0x10: {  	s15 =	smul.u32 $0x140000, s4;
	s14 =	sadd.s32 s2, s12;
	[dreg:$0x9] =	wrdreg s13  }
0x11: {  	s8 =	sadd.s32 $0x8000, s11;
	s4 =	smul.u32 $0x28000, s4;
	[dreg:$0x12] =	wrdreg s14  }
0x12: {  	s11 =	sadd.s32 s11, s15;
	s20 =	sadd.s32 s15, s7;
	s23 =	sadd.s32 s15, s8  }
0x13: {  	s4 =	sadd.s32 s21, s4;
	s24 =	sadd.s32 s15, s9;
	s25 =	sadd.s32 s15, s10  }
0x14: {  	s11 =	sshrl.u32 s11, $0x3;
	s13 =	sshrl.u32 s20, $0x3;
	s31 =	sshrl.u32 s25, $0x3  }
0x15: {  	s17 =	sor.u32 $0x300, s4;
	s21 =	sor.u32 $0x2C0, s4;
	s11 =	sadd.s32 s3, s11  }
0x16: {  	s22 =	sadd.s32 s3, s13;
	s13 =	sshrl.u32 s24, $0x3;
	[dreg:$0xc] =	wrdreg s11  }
0x17: {  	s18 =	sshrl.u32 s17, $0x3;
	[dreg:$0xd] =	wrdreg s22;
	s26 =	sadd.s32 s3, s13  }
0x18: {  	s11 =	sshrl.u32 s23, $0x3;
	s20 =	sadd.s32 s18, s2;
	[dreg:$0xf] =	wrdreg s26  }
0x19: {  	s25 =	sor.u32 $0x240, s4;
	s11 =	sadd.s32 s3, s11;
	[dreg:$0x17] =	wrdreg s20  }
0x1a: {  	s22 =	sshrl.u32 s21, $0x3;
	s3 =	sadd.s32 s3, s31;
	[dreg:$0xe] =	wrdreg s11  }
0x1b: {  	s13 =	sor.u32 $0x380, s4;
	s24 =	sadd.s32 s22, s2;
	[dreg:$0x10] =	wrdreg s3  }
0x1c: {  	s26 =	sshrl.u32 s25, $0x3;
	s11 =	sadd.s32 s1, s12;
	[dreg:$0x19] =	wrdreg s24  }
0x1d: {  	s3 =	sshrl.u32 s13, $0x3;
	s13 =	sadd.s32 s26, s2;
	[dreg:$0x11] =	wrdreg s11  }
0x1e: {  	s15 =	sor.u32 $0x340, s4;
	s16 =	sadd.s32 s3, s2;
	[dreg:$0x1d] =	wrdreg s13  }
0x1f: {  	s11 =	sshrl.u32 s15, $0x3;
	s3 =	sadd.s32 s3, s1;
	[dreg:$0x13] =	wrdreg s16  }
0x20: {  	s14 =	sor.u32 $0x200, s4;
	[dreg:$0x14] =	wrdreg s3;
	s19 =	sadd.s32 s11, s2  }
0x21: {  	s23 =	sor.u32 $0x280, s4;
	s11 =	sadd.s32 s11, s1;
	[dreg:$0x15] =	wrdreg s19  }
0x22: {  	s15 =	sshrl.u32 s14, $0x3;
	s3 =	sadd.s32 s18, s1;
	[dreg:$0x16] =	wrdreg s11  }
0x23: {  	s16 =	sor.u32 $0x1C0, s4;
	s17 =	sadd.s32 s15, s2;
	[dreg:$0x18] =	wrdreg s3  }
0x24: {  	s11 =	sshrl.u32 s23, $0x3;
	s3 =	sadd.s32 s22, s1;
	[dreg:$0x1f] =	wrdreg s17  }
0x25: {  	s19 =	sor.u32 $0x180, s4;
	s4 =	sor.u32 $0x140, s4;
	[dreg:$0x1a] =	wrdreg s3  }
0x26: {  	s31 =	sadd.s32 s11, s2;
	s21 =	sshrl.u32 s4, $0x3;
	s4 =	rddreg [dreg:$0x2]  }
0x27: {  	s29 =	simm.s32 $0x6780;
	s11 =	sadd.s32 s11, s1;
	[dreg:$0x1b] =	wrdreg s31  }
0x28: {  	s12 =	simm.s32 $0x8780;
	s3 =	sadd.s32 s26, s1;
	[dreg:$0x1c] =	wrdreg s11  }
0x29: {  	s18 =	sshrl.u32 s16, $0x3;
	[dreg:$0x1e] =	wrdreg s3;
	s3 =	sadd.s32 s15, s1  }
0x2a: {  	s20 =	sshrl.u32 s19, $0x3;
	s11 =	sadd.s32 s18, s2;
	[smem:$0x7F1] =	sst s3  }
0x2b: {  	s14 =	simm.s32 $0x3;
	s22 =	sadd.s32 s20, s2;
	[smem:$0x7F2] =	sst s11  }
0x2c: {  	s17 =	simm.s32 $0x40;
	s2 =	sadd.s32 s21, s2;
	[smem:$0x7F4] =	sst s22  }
0x2d: {  	s19 =	simm.s32 $0x2780;
	s3 =	sadd.s32 s18, s1;
	[smem:$0x7F6] =	sst s2  }
0x2e: {  	s16 =	sadd.s32 s6, s4;
	s23 =	sadd.s32 s7, s4;
	[smem:$0x7F3] =	sst s3  }
0x2f: {  	s24 =	sadd.s32 s8, s4;
	s11 =	sadd.s32 s20, s1;
	s3 =	rddreg [dreg:$0x0]  }
0x30: {  	s25 =	sadd.s32 s9, s4;
	s1 =	sadd.s32 s21, s1;
	[smem:$0x7F5] =	sst s11  }
0x31: {  	s26 =	sadd.s32 s10, s4;
	s31 =	smax.u32 s5, $0x1;
	[smem:$0x7F7] =	sst s1  }
0x32: {  	s7 =	simm.s32 $0x200;
	_ =	strace $0x8000004A;
	[smem:$0x7F8] =	sst s23  }
.Ltmp0:
0x33: {  	s8 =	simm.s32 $0x13;
	[smem:$0x7F9] =	sst s24;
	(pc) =	sbr.rel .LBB2_1-.Ltmp0, $4  }
0x34: {  	s9 =	simm.s32 $0x17;
	s10 =	simm.s32 $0x18;
	[smem:$0x7FA] =	sst s25  }
0x35: {  	s22 =	simm.s32 $0x4;
	s21 =	simm.s32 $0x6780;
	[smem:$0x7FB] =	sst s26  }
0x36: {  	s20 =	simm.s32 $0x8780;
	s1 =	simm.s32 $0x0;
	[smem:$0x7FC] =	sst s31  }
0x37: {  	v0 =	vimm.f32 $0.0e+00;
	s26 =	simm.s32 $0x14;
	[smem:$0x7FD] =	sst s16;
	s23 =	simm.s32 $0x200  }
.LBB2_6:
0x38: {  	_ =	swait.ge [sflag:s26], $0x2000  }
0x39: {  	[sflag:s26] =	ssyncset.done $0x0  }
0x3a: {  	s1 =	simm.s32 $0xF;
	[sflag:s26] =	ssyncadd.s32 $0xFFFFE000  }
0x3b: {  	_ =	swait.ge [sflag:s1], $0x40  }
0x3c: {  	[sflag:s1] =	ssyncset.done $0x0  }
0x3d: {  	s24 =	simm.s32 $0x15;
	[sflag:s1] =	ssyncadd.s32 $0xFFFFFFC0  }
0x3e: {  	[spmem:s4] =	stream.indirect.scatter.add.f32 [tilespmem:s20], [sflag:$0x19], $0x80, s13, s17, $0xb8;
	[tilespmem:$0x1E780] =	vst v63  }
0x3f: {  	_ =	swait.ge [sflag:s24], $0x2000  }
0x40: {  	[sflag:s24] =	ssyncset.done $0x0  }
0x41: {  	s25 =	simm.s32 $0x16;
	[sflag:s24] =	ssyncadd.s32 $0xFFFFE000  }
0x42: {  	_ =	swait.ge [sflag:s25], $0x2000  }
0x43: {  	[sflag:s25] =	ssyncset.done $0x0  }
0x44: {  	[sflag:s25] =	ssyncadd.s32 $0xFFFFE000  }
0x45: {  	_ =	swait.ge [sflag:s9], $0x2000  }
0x46: {  	[sflag:s9] =	ssyncset.done $0x0  }
0x47: {  	[sflag:s9] =	ssyncadd.s32 $0xFFFFE000  }
0x48: {  	_ =	swait.ge [sflag:s10], $0x2000  }
0x49: {  	[sflag:s10] =	ssyncset.done $0x0  }
0x4a: {  	s31 =	simm.s32 $0x19;
	[sflag:s10] =	ssyncadd.s32 $0xFFFFE000  }
0x4b: {  	_ =	swait.ge [sflag:s31], $0x2000  }
0x4c: {  	[sflag:s31] =	ssyncset.done $0x0  }
0x4d: {  	[sflag:s31] =	ssyncadd.s32 $0xFFFFE000  }
0x4e: {  	[bflag:$0x0] =	sbarrier.arrive $0xFFFF  }
0x4f: {  	s16 =	sld [smem:$0x7FD]  }
0x50: {  	s5 =	stileid.u32  }
0x51: {  	s18 =	simm.s32 $0x1A;
	s5 =	sshll.u32 s5, $0x6  }
0x52: {  	s5 =	sor.u32 $0x1C1A, s5;
	s15 =	rddreg [dreg:$0xc];
	s6 =	sshrl.u32 s16, $0x3  }
0x53: {  	[hbm:s15], [sflag:s5] =	dma.local [spmem:s6], $0x800  }
0x54: {  	_ =	swait.ge [sflag:s18], $0x800  }
0x55: {  	s2 =	sld [smem:$0x7F8];
	_ =	sdelay $0x1  }
0x56: {  	[sflag:s18] =	ssyncset.done $0x0  }
0x57: {  	s7 =	rddreg [dreg:$0xd];
	[sflag:s18] =	ssyncadd.s32 $0xFFFFF800;
	s6 =	sshrl.u32 s2, $0x3  }
0x58: {  	[hbm:s7], [sflag:s5] =	dma.local [spmem:s6], $0x800  }
0x59: {  	_ =	swait.ge [sflag:s18], $0x800  }
0x5a: {  	s11 =	sld [smem:$0x7F9];
	_ =	sdelay $0x1  }
0x5b: {  	[sflag:s18] =	ssyncset.done $0x0  }
0x5c: {  	s12 =	rddreg [dreg:$0xe];
	[sflag:s18] =	ssyncadd.s32 $0xFFFFF800;
	s6 =	sshrl.u32 s11, $0x3  }
0x5d: {  	[hbm:s12], [sflag:s5] =	dma.local [spmem:s6], $0x800  }
0x5e: {  	_ =	swait.ge [sflag:s18], $0x800  }
0x5f: {  	s13 =	sld [smem:$0x7FA];
	_ =	sdelay $0x1  }
0x60: {  	[sflag:s18] =	ssyncset.done $0x0  }
0x61: {  	s14 =	rddreg [dreg:$0xf];
	[sflag:s18] =	ssyncadd.s32 $0xFFFFF800;
	s6 =	sshrl.u32 s13, $0x3  }
0x62: {  	[hbm:s14], [sflag:s5] =	dma.local [spmem:s6], $0x800  }
0x63: {  	_ =	swait.ge [sflag:s18], $0x800  }
0x64: {  	s22 =	sld [smem:$0x7FB];
	_ =	sdelay $0x1  }
0x65: {  	[sflag:s18] =	ssyncset.done $0x0  }
0x66: {  	s24 =	rddreg [dreg:$0x10];
	[sflag:s18] =	ssyncadd.s32 $0xFFFFF800;
	s6 =	sshrl.u32 s22, $0x3  }
0x67: {  	[hbm:s24], [sflag:s5] =	dma.local [spmem:s6], $0x800  }
0x68: {  	_ =	swait.ge [sflag:s18], $0x800  }
0x69: {  	s25 =	sld [smem:$0x7F0]  }
0x6a: {  	s31 =	sld [smem:$0x7FC];
	_ =	sdelay $0x1  }
0x6b: {  	s1 =	sadd.s32 $0x1, s25  }
0x6c: {  	p0 =	sne.s32 s1, s31  }
.Ltmp1:
0x6d: {  	_ = 	snop;
	(pc) =	sbr.rel @!p0 .LBB2_7-.Ltmp1, $3  }
0x6e: {  	_ =	sdelay $0x1  }
0x6f: {  	s7 =	simm.s32 $0x200;
	s12 =	simm.s32 $0x8780;
	[sflag:s18] =	ssyncset.done $0x0  }
0x70: {  	s14 =	simm.s32 $0x3;
	s22 =	simm.s32 $0x4;
	[sflag:s18] =	ssyncadd.s32 $0xFFFFF800  }
.LBB2_1:
0x71: {  	s15 =	sand.u32 $0xFE00, s0  }
0x72: {  	[smem:$0x7F0] =	sst s1;
	s18 =	sand.u32 $0x70, s0;
	s31 =	sshrl.u32 s15, $0x2  }
0x73: {  	s15 =	simm.s32 $0x40;
	s18 =	sor.u32 s18, s31;
	s31 =	simm.s32 $0x0  }
.LBB2_2:
0x74: {  	p0 =	sne.s32 s15, $0xFFC0  }
0x75: {  	[tilespmem:s18+$0x780] =	vst v0;
	s31 =	sadd.s32 $0x10, s31;
	s18 =	smov.u32 s15;
	s15 =	sadd.s32 $0x40, s15  }
.Ltmp2:
0x76: {  	(pc) =	sbr.rel @p0 .LBB2_2-.Ltmp2, $4  }
0x77: {  	_ = 	snop  }
0x78: {  	s18 =	sand.u32 $0xFE00, s18  }
0x79: {  	s5 =	sand.u32 $0x70, s31;
	s18 =	sshrl.u32 s18, $0x2  }
0x7a: {  	s18 =	sor.u32 s5, s18  }
0x7b: {  	[tilespmem:s18+$0x780] =	vst v0;
	s6 =	simm.s32 $0x780;
	s15 =	simm.s32 $0x1A  }
0x7c: {  	[spmem:s16] =	stream.linear.scatter [tilespmem:s6], [sflag:$0x1A], $0x4000, $0x38;
	[tilespmem:$0x1E780] =	vst v63  }
0x7d: {  	_ =	swait.ge [sflag:s15], $0x4000  }
0x7e: {  	s5 =	sld [smem:$0x7F8]  }
0x7f: {  	[sflag:s15] =	ssyncset.done $0x0  }
0x80: {  	[sflag:s15] =	ssyncadd.s32 $0xFFFFC000  }
0x81: {  	[spmem:s5] =	stream.linear.scatter [tilespmem:s6], [sflag:$0x1A], $0x4000, $0x38;
	[tilespmem:$0x1E780] =	vst v63  }
0x82: {  	_ =	swait.ge [sflag:s15], $0x4000  }
0x83: {  	s11 =	sld [smem:$0x7F9]  }
0x84: {  	[sflag:s15] =	ssyncset.done $0x0  }
0x85: {  	[sflag:s15] =	ssyncadd.s32 $0xFFFFC000  }
0x86: {  	[spmem:s11] =	stream.linear.scatter [tilespmem:s6], [sflag:$0x1A], $0x4000, $0x38;
	[tilespmem:$0x1E780] =	vst v63  }
0x87: {  	_ =	swait.ge [sflag:s15], $0x4000  }
0x88: {  	s13 =	sld [smem:$0x7FA]  }
0x89: {  	[sflag:s15] =	ssyncset.done $0x0  }
0x8a: {  	[sflag:s15] =	ssyncadd.s32 $0xFFFFC000  }
0x8b: {  	[spmem:s13] =	stream.linear.scatter [tilespmem:s6], [sflag:$0x1A], $0x4000, $0x38;
	[tilespmem:$0x1E780] =	vst v63  }
0x8c: {  	_ =	swait.ge [sflag:s15], $0x4000  }
0x8d: {  	s16 =	sld [smem:$0x7FB]  }
0x8e: {  	[sflag:s15] =	ssyncset.done $0x0  }
0x8f: {  	[sflag:s15] =	ssyncadd.s32 $0xFFFFC000  }
0x90: {  	[spmem:s16] =	stream.linear.scatter [tilespmem:s6], [sflag:$0x1A], $0x4000, $0x38;
	[tilespmem:$0x1E780] =	vst v63  }
0x91: {  	_ =	swait.ge [sflag:s15], $0x4000  }
0x92: {  	[sflag:s15] =	ssyncset.done $0x0  }
0x93: {  	[sflag:s15] =	ssyncadd.s32 $0xFFFFC000  }
0x94: {  	[bflag:$0x0] =	sbarrier.arrive $0xFFFF  }
0x95: {  	s15 =	simm.s32 $0x0;
	s18 =	rddreg [dreg:$0x4]  }
0x96: {  	[tilespmem:s15], [sflag:$0x1] =	stream.linear.gather [hbm4b:s18+s15], $0x40, $0x38;
	[tilespmem:$0x1E780] =	vst v63  }
0x97: {  	s25 =	simm.s32 $0x280;
	s24 =	rddreg [dreg:$0x5]  }
0x98: {  	[tilespmem:s25], [sflag:$0x6] =	stream.linear.gather [hbm4b:s24+s15], $0x40, $0x38;
	[tilespmem:$0x1E780] =	vst v63  }
0x99: {  	s16 =	simm.s32 $0x80;
	s1 =	rddreg [dreg:$0x6]  }
0x9a: {  	[tilespmem:s16], [sflag:$0x2] =	stream.linear.gather [hbm4b:s1+s15], $0x40, $0x38;
	[tilespmem:$0x1E780] =	vst v63  }
0x9b: {  	s11 =	simm.s32 $0x300;
	s2 =	rddreg [dreg:$0x7]  }
0x9c: {  	[tilespmem:s11], [sflag:$0x7] =	stream.linear.gather [hbm4b:s2+s15], $0x40, $0x38;
	[tilespmem:$0x1E780] =	vst v63  }
0x9d: {  	s13 =	rddreg [dreg:$0x8];
	s18 =	simm.s32 $0x100  }
0x9e: {  	[tilespmem:s18], [sflag:$0x3] =	stream.linear.gather [hbm4b:s13+s15], $0x40, $0x38;
	[tilespmem:$0x1E780] =	vst v63  }
0x9f: {  	s24 =	rddreg [dreg:$0x9];
	s1 =	simm.s32 $0x380  }
0xa0: {  	[tilespmem:s1], [sflag:$0x8] =	stream.linear.gather [hbm4b:s24+s15], $0x40, $0x38;
	[tilespmem:$0x1E780] =	vst v63  }
0xa1: {  	s31 =	simm.s32 $0x180;
	s25 =	rddreg [dreg:$0xa]  }
0xa2: {  	[tilespmem:s31], [sflag:$0x4] =	stream.linear.gather [hbm4b:s25+s15], $0x40, $0x38;
	[tilespmem:$0x1E780] =	vst v63  }
0xa3: {  	s2 =	simm.s32 $0x400;
	s1 =	rddreg [dreg:$0xb]  }
0xa4: {  	[tilespmem:s2], [sflag:$0x9] =	stream.linear.gather [hbm4b:s1+s15], $0x40, $0x38;
	[tilespmem:$0x1E780] =	vst v63  }
0xa5: {  	s11 =	rddreg [dreg:$0x11]  }
0xa6: {  	[tilespmem:s7], [sflag:$0x5] =	stream.linear.gather [hbm4b:s11+s15], $0x40, $0x38;
	[tilespmem:$0x1E780] =	vst v63  }
0xa7: {  	s13 =	rddreg [dreg:$0x12];
	s24 =	simm.s32 $0x1;
	s11 =	simm.s32 $0x480  }
0xa8: {  	[tilespmem:s11], [sflag:$0xA] =	stream.linear.gather [hbm4b:s13+s15], $0x40, $0x38;
	[tilespmem:$0x1E780] =	vst v63  }
0xa9: {  	_ =	swait.ge [sflag:s24], $0x40  }
0xaa: {  	[sflag:s24] =	ssyncset.done $0x0  }
0xab: {  	s25 =	simm.s32 $0x2;
	[sflag:s24] =	ssyncadd.s32 $0xFFFFFFC0  }
0xac: {  	[tilespmem:s6], [sflag:$0x10] =	stream.indirect.gather [hbm4b:s3+s17], $0x80, s15, s17, $0xb8;
	[tilespmem:$0x1E780] =	vst v63  }
0xad: {  	_ =	swait.ge [sflag:s25], $0x40  }
0xae: {  	[sflag:s25] =	ssyncset.done $0x0  }
0xaf: {  	[sflag:s25] =	ssyncadd.s32 $0xFFFFFFC0  }
0xb0: {  	[tilespmem:s19], [sflag:$0x11] =	stream.indirect.gather [hbm4b:s3+s17], $0x80, s16, s17, $0xb8;
	[tilespmem:$0x1E780] =	vst v63  }
0xb1: {  	_ =	swait.ge [sflag:s14], $0x40  }
0xb2: {  	[sflag:s14] =	ssyncset.done $0x0  }
0xb3: {  	s19 =	simm.s32 $0x4780;
	[sflag:s14] =	ssyncadd.s32 $0xFFFFFFC0  }
0xb4: {  	[tilespmem:s19], [sflag:$0x12] =	stream.indirect.gather [hbm4b:s3+s17], $0x80, s18, s17, $0xb8;
	[tilespmem:$0x1E780] =	vst v63  }
0xb5: {  	_ =	swait.ge [sflag:s22], $0x40  }
0xb6: {  	[sflag:s22] =	ssyncset.done $0x0  }
0xb7: {  	s13 =	simm.s32 $0x700;
	[sflag:s22] =	ssyncadd.s32 $0xFFFFFFC0  }
0xb8: {  	[tilespmem:s21], [sflag:$0x13] =	stream.indirect.gather [hbm4b:s3+s17], $0x80, s31, s17, $0xb8;
	[tilespmem:$0x1E780] =	vst v63  }
.LBB2_4:
0xb9: {  	s24 =	simm.s32 $0x10  }
0xba: {  	_ =	swait.ge [sflag:s24], $0x2000  }
0xbb: {  	[sflag:s24] =	ssyncset.done $0x0  }
0xbc: {  	s1 =	simm.s32 $0x6;
	[sflag:s24] =	ssyncadd.s32 $0xFFFFE000  }
0xbd: {  	_ =	swait.ge [sflag:s1], $0x40  }
0xbe: {  	s6 =	simm.s32 $0x780;
	[sflag:s1] =	ssyncset.done $0x0;
	s25 =	sld [smem:$0x7F7]  }
0xbf: {  	s5 =	simm.s32 $0x280;
	[sflag:s1] =	ssyncadd.s32 $0xFFFFFFC0;
	s1 =	sld [smem:$0x7F6]  }
0xc0: {  	[spmem:s4] =	stream.indirect.scatter.add.f32 [tilespmem:s6], [sflag:$0x15], $0x80, s5, s17, $0xb8;
	[tilespmem:$0x1E780] =	vst v63  }
0xc1: {  	s5 =	sadd.s32 s15, s25  }
0xc2: {  	[tilespmem:s0], [sflag:$0x1] =	stream.linear.gather [hbm4b:s5+s0], $0x40, $0x38;
	[tilespmem:$0x1E780] =	vst v63  }
0xc3: {  	p0 =	seq.s32 s15, $0x0;
	s25 =	simm.s32 $0x500;
	s5 =	sadd.s32 s15, s1  }
0xc4: {  	[tilespmem:s25], [sflag:$0xB] =	stream.linear.gather [hbm4b:s5+s0], $0x40, $0x38;
	[tilespmem:$0x1E780] =	vst v63  }
0xc5: {  	s5 =	simm.s32 @!p0 $0x19  }
0xc6: {  	_ =	swait.ge @!p0 [sflag:s5], $0x2000  }
0xc7: {  	[sflag:s5] =	ssyncset.done @!p0 $0x0  }
0xc8: {  	[sflag:s5] =	ssyncadd.s32 @!p0 $0xFFFFE000  }
0xc9: {  	_ =	swait.ge [sflag:s28], $0x40  }
0xca: {  	[sflag:s28] =	ssyncset.done $0x0  }
0xcb: {  	[sflag:s28] =	ssyncadd.s32 $0xFFFFFFC0  }
0xcc: {  	[tilespmem:s12], [sflag:$0x14] =	stream.indirect.gather [hbm4b:s3+s17], $0x80, s7, s17, $0xb8;
	[tilespmem:$0x1E780] =	vst v63  }
0xcd: {  	_ =	swait.ge [sflag:s30], $0x2000  }
0xce: {  	[sflag:s30] =	ssyncset.done $0x0  }
0xcf: {  	s7 =	simm.s32 $0x7;
	[sflag:s30] =	ssyncadd.s32 $0xFFFFE000  }
0xd0: {  	_ =	swait.ge [sflag:s7], $0x40  }
0xd1: {  	s12 =	simm.s32 $0x300;
	[sflag:s7] =	ssyncset.done $0x0;
	s16 =	sld [smem:$0x7F5]  }
0xd2: {  	s1 =	sld [smem:$0x7F4];
	[sflag:s7] =	ssyncadd.s32 $0xFFFFFFC0;
	s7 =	simm.s32 $0x2780  }
0xd3: {  	[spmem:s4] =	stream.indirect.scatter.add.f32 [tilespmem:s7], [sflag:$0x16], $0x80, s12, s17, $0xb8;
	[tilespmem:$0x1E780] =	vst v63  }
0xd4: {  	s5 =	sadd.s32 s15, s16;
	s16 =	simm.s32 $0x80  }
0xd5: {  	[tilespmem:s16], [sflag:$0x2] =	stream.linear.gather [hbm4b:s5+s0], $0x40, $0x38;
	[tilespmem:$0x1E780] =	vst v63  }
0xd6: {  	s12 =	simm.s32 $0x580;
	s5 =	sadd.s32 s15, s1  }
0xd7: {  	[tilespmem:s12], [sflag:$0xC] =	stream.linear.gather [hbm4b:s5+s0], $0x40, $0x38;
	[tilespmem:$0x1E780] =	vst v63  }
0xd8: {  	s5 =	simm.s32 $0x15  }
0xd9: {  	_ =	swait.ge [sflag:s5], $0x2000  }
0xda: {  	[sflag:s5] =	ssyncset.done $0x0  }
0xdb: {  	[sflag:s5] =	ssyncadd.s32 $0xFFFFE000;
	s5 =	simm.s32 $0x1  }
0xdc: {  	_ =	swait.ge [sflag:s5], $0x40  }
0xdd: {  	[sflag:s5] =	ssyncset.done $0x0  }
0xde: {  	[sflag:s5] =	ssyncadd.s32 $0xFFFFFFC0;
	s5 =	simm.s32 $0x12  }
0xdf: {  	[tilespmem:s6], [sflag:$0x10] =	stream.indirect.gather [hbm4b:s3+s17], $0x80, s0, s17, $0xb8;
	[tilespmem:$0x1E780] =	vst v63  }
0xe0: {  	_ =	swait.ge [sflag:s5], $0x2000  }
0xe1: {  	[sflag:s5] =	ssyncset.done $0x0  }
0xe2: {  	[sflag:s5] =	ssyncadd.s32 $0xFFFFE000;
	s5 =	simm.s32 $0x8  }
0xe3: {  	_ =	swait.ge [sflag:s5], $0x40  }
0xe4: {  	[sflag:s5] =	ssyncset.done $0x0;
	s1 =	sld [smem:$0x7F3]  }
0xe5: {  	[sflag:s5] =	ssyncadd.s32 $0xFFFFFFC0;
	s5 =	simm.s32 $0x380  }
0xe6: {  	[spmem:s4] =	stream.indirect.scatter.add.f32 [tilespmem:s19], [sflag:$0x17], $0x80, s5, s17, $0xb8;
	[tilespmem:$0x1E780] =	vst v63  }
0xe7: {  	s5 =	sadd.s32 s15, s1;
	s1 =	sld [smem:$0x7F2];
	_ =	sdelay $0x1  }
0xe8: {  	[tilespmem:s18], [sflag:$0x3] =	stream.linear.gather [hbm4b:s5+s0], $0x40, $0x38;
	[tilespmem:$0x1E780] =	vst v63  }
0xe9: {  	s5 =	sadd.s32 s15, s1;
	s1 =	simm.s32 $0x600  }
0xea: {  	[tilespmem:s1], [sflag:$0xD] =	stream.linear.gather [hbm4b:s5+s0], $0x40, $0x38;
	[tilespmem:$0x1E780] =	vst v63  }
0xeb: {  	s5 =	simm.s32 $0x16  }
0xec: {  	_ =	swait.ge [sflag:s5], $0x2000  }
0xed: {  	[sflag:s5] =	ssyncset.done $0x0  }
0xee: {  	[sflag:s5] =	ssyncadd.s32 $0xFFFFE000;
	s5 =	simm.s32 $0x2  }
0xef: {  	_ =	swait.ge [sflag:s5], $0x40  }
0xf0: {  	[sflag:s5] =	ssyncset.done $0x0  }
0xf1: {  	[sflag:s5] =	ssyncadd.s32 $0xFFFFFFC0  }
0xf2: {  	[tilespmem:s7], [sflag:$0x11] =	stream.indirect.gather [hbm4b:s3+s17], $0x80, s16, s17, $0xb8;
	[tilespmem:$0x1E780] =	vst v63  }
0xf3: {  	_ =	swait.ge [sflag:s8], $0x2000  }
0xf4: {  	[sflag:s8] =	ssyncset.done $0x0  }
0xf5: {  	s16 =	simm.s32 $0x9;
	[sflag:s8] =	ssyncadd.s32 $0xFFFFE000  }
0xf6: {  	_ =	swait.ge [sflag:s16], $0x40  }
0xf7: {  	[sflag:s16] =	ssyncset.done $0x0;
	s1 =	sld [smem:$0x7F1]  }
0xf8: {  	[sflag:s16] =	ssyncadd.s32 $0xFFFFFFC0  }
0xf9: {  	[spmem:s4] =	stream.indirect.scatter.add.f32 [tilespmem:s21], [sflag:$0x18], $0x80, s2, s17, $0xb8;
	[tilespmem:$0x1E780] =	vst v63  }
0xfa: {  	s2 =	rddreg [dreg:$0x1f];
	s5 =	sadd.s32 s15, s1  }
0xfb: {  	[tilespmem:s31], [sflag:$0x4] =	stream.linear.gather [hbm4b:s5+s0], $0x40, $0x38;
	[tilespmem:$0x1E780] =	vst v63  }
0xfc: {  	s21 =	simm.s32 $0x680;
	s5 =	sadd.s32 s15, s2  }
0xfd: {  	[tilespmem:s21], [sflag:$0xE] =	stream.linear.gather [hbm4b:s5+s0], $0x40, $0x38;
	[tilespmem:$0x1E780] =	vst v63  }
0xfe: {  	_ =	swait.ge [sflag:s9], $0x2000  }
0xff: {  	[sflag:s9] =	ssyncset.done $0x0  }
0x100: {  	[sflag:s9] =	ssyncadd.s32 $0xFFFFE000  }
0x101: {  	_ =	swait.ge [sflag:s14], $0x40  }
0x102: {  	[sflag:s14] =	ssyncset.done $0x0  }
0x103: {  	[sflag:s14] =	ssyncadd.s32 $0xFFFFFFC0  }
0x104: {  	[tilespmem:s19], [sflag:$0x12] =	stream.indirect.gather [hbm4b:s3+s17], $0x80, s18, s17, $0xb8;
	[tilespmem:$0x1E780] =	vst v63  }
0x105: {  	_ =	swait.ge [sflag:s26], $0x2000  }
0x106: {  	[sflag:s26] =	ssyncset.done $0x0  }
0x107: {  	s5 =	simm.s32 $0xA;
	[sflag:s26] =	ssyncadd.s32 $0xFFFFE000  }
0x108: {  	_ =	swait.ge [sflag:s5], $0x40  }
0x109: {  	[sflag:s5] =	ssyncset.done $0x0  }
0x10a: {  	s14 =	rddreg [dreg:$0x1e];
	[sflag:s5] =	ssyncadd.s32 $0xFFFFFFC0  }
0x10b: {  	[spmem:s4] =	stream.indirect.scatter.add.f32 [tilespmem:s20], [sflag:$0x19], $0x80, s11, s17, $0xb8;
	[tilespmem:$0x1E780] =	vst v63  }
0x10c: {  	s16 =	rddreg [dreg:$0x1d];
	s5 =	sadd.s32 s15, s14  }
0x10d: {  	[tilespmem:s23], [sflag:$0x5] =	stream.linear.gather [hbm4b:s5+s0], $0x40, $0x38;
	[tilespmem:$0x1E780] =	vst v63  }
0x10e: {  	s5 =	sadd.s32 s15, s16  }
0x10f: {  	[tilespmem:s13], [sflag:$0xF] =	stream.linear.gather [hbm4b:s5+s0], $0x40, $0x38;
	[tilespmem:$0x1E780] =	vst v63  }
0x110: {  	_ =	swait.ge [sflag:s10], $0x2000  }
0x111: {  	[sflag:s10] =	ssyncset.done $0x0  }
0x112: {  	[sflag:s10] =	ssyncadd.s32 $0xFFFFE000  }
0x113: {  	_ =	swait.ge [sflag:s22], $0x40  }
0x114: {  	[sflag:s22] =	ssyncset.done $0x0  }
0x115: {  	[sflag:s22] =	ssyncadd.s32 $0xFFFFFFC0  }
0x116: {  	[tilespmem:s29], [sflag:$0x13] =	stream.indirect.gather [hbm4b:s3+s17], $0x80, s31, s17, $0xb8;
	[tilespmem:$0x1E780] =	vst v63  }
0x117: {  	_ =	swait.ge [sflag:s24], $0x2000  }
0x118: {  	[sflag:s24] =	ssyncset.done $0x0  }
0x119: {  	s18 =	simm.s32 $0xB;
	[sflag:s24] =	ssyncadd.s32 $0xFFFFE000  }
0x11a: {  	_ =	swait.ge [sflag:s18], $0x40  }
0x11b: {  	[sflag:s18] =	ssyncset.done $0x0  }
0x11c: {  	p0 =	seq.s32 s15, $0x4B0;
	s5 =	rddreg [dreg:$0x1c];
	[sflag:s18] =	ssyncadd.s32 $0xFFFFFFC0  }
0x11d: {  	[spmem:s4] =	stream.indirect.scatter.add.f32 [tilespmem:s6], [sflag:$0x15], $0x80, s25, s17, $0xb8;
	[tilespmem:$0x1E780] =	vst v63  }
0x11e: {  	s31 =	simm.s32 @!p0 $0x0;
	s5 =	sadd.s32 @!p0 s15, s5  }
0x11f: {  	[tilespmem:s31], [sflag:$0x1] =	stream.linear.gather @!p0 [hbm4b:s5+s31], $0x40, $0x38;
	[tilespmem:$0x1E780] =	vst v63  }
0x120: {  	s5 =	rddreg [dreg:$0x1b]  }
0x121: {  	s19 =	simm.s32 $0x19;
	s18 =	simm.s32 @!p0 $0x280;
	s5 =	sadd.s32 @!p0 s15, s5  }
0x122: {  	[tilespmem:s18], [sflag:$0x6] =	stream.linear.gather @!p0 [hbm4b:s5+s31], $0x40, $0x38;
	[tilespmem:$0x1E780] =	vst v63  }
0x123: {  	_ =	swait.ge [sflag:s19], $0x2000  }
0x124: {  	[sflag:s19] =	ssyncset.done $0x0  }
0x125: {  	[sflag:s19] =	ssyncadd.s32 $0xFFFFE000  }
0x126: {  	_ =	swait.ge [sflag:s28], $0x40  }
0x127: {  	[sflag:s28] =	ssyncset.done $0x0  }
0x128: {  	[sflag:s28] =	ssyncadd.s32 $0xFFFFFFC0  }
0x129: {  	[tilespmem:s20], [sflag:$0x14] =	stream.indirect.gather [hbm4b:s3+s17], $0x80, s23, s17, $0xb8;
	[tilespmem:$0x1E780] =	vst v63  }
0x12a: {  	_ =	swait.ge [sflag:s30], $0x2000  }
0x12b: {  	[sflag:s30] =	ssyncset.done $0x0  }
0x12c: {  	s25 =	simm.s32 $0xC;
	[sflag:s30] =	ssyncadd.s32 $0xFFFFE000  }
0x12d: {  	_ =	swait.ge [sflag:s25], $0x40  }
0x12e: {  	[sflag:s25] =	ssyncset.done $0x0  }
0x12f: {  	s5 =	simm.s32 @p0 $0x12;
	[sflag:s25] =	ssyncadd.s32 $0xFFFFFFC0  }
0x130: {  	[spmem:s4] =	stream.indirect.scatter.add.f32 [tilespmem:s7], [sflag:$0x16], $0x80, s12, s17, $0xb8;
	[tilespmem:$0x1E780] =	vst v63  }
0x131: {  	_ =	swait.ge @p0 [sflag:s5], $0x2000  }
0x132: {  	[sflag:s5] =	ssyncset.done @p0 $0x0  }
0x133: {  	[sflag:s5] =	ssyncadd.s32 @p0 $0xFFFFE000;
	s5 =	simm.s32 @p0 $0xD  }
0x134: {  	_ =	swait.ge @p0 [sflag:s5], $0x40  }
0x135: {  	s6 =	simm.s32 @p0 $0x4780;
	[sflag:s5] =	ssyncset.done @p0 $0x0  }
0x136: {  	s18 =	simm.s32 @p0 $0x600;
	[sflag:s5] =	ssyncadd.s32 @p0 $0xFFFFFFC0;
	s5 =	simm.s32 @p0 $0x40  }
0x137: {  	[spmem:s4] =	stream.indirect.scatter.add.f32 @p0 [tilespmem:s6], [sflag:$0x17], $0x80, s18, s5, $0xb8;
	[tilespmem:$0x1E780] =	vst v63  }
0x138: {  	s5 =	rddreg [dreg:$0x1a]  }
0x139: {  	s6 =	simm.s32 @!p0 $0x80;
	s5 =	sadd.s32 @!p0 s15, s5  }
0x13a: {  	[tilespmem:s6], [sflag:$0x2] =	stream.linear.gather @!p0 [hbm4b:s5+s31], $0x40, $0x38;
	[tilespmem:$0x1E780] =	vst v63  }
0x13b: {  	s5 =	rddreg [dreg:$0x19]  }
0x13c: {  	s18 =	simm.s32 @!p0 $0x300;
	s5 =	sadd.s32 @!p0 s15, s5  }
0x13d: {  	[tilespmem:s18], [sflag:$0x7] =	stream.linear.gather @!p0 [hbm4b:s5+s31], $0x40, $0x38;
	[tilespmem:$0x1E780] =	vst v63  }
0x13e: {  	s5 =	simm.s32 @!p0 $0x15  }
0x13f: {  	_ =	swait.ge @!p0 [sflag:s5], $0x2000  }
0x140: {  	[sflag:s5] =	ssyncset.done @!p0 $0x0  }
0x141: {  	[sflag:s5] =	ssyncadd.s32 @!p0 $0xFFFFE000;
	s5 =	simm.s32 @!p0 $0x1  }
0x142: {  	_ =	swait.ge @!p0 [sflag:s5], $0x40  }
0x143: {  	[sflag:s5] =	ssyncset.done @!p0 $0x0  }
0x144: {  	s18 =	simm.s32 @!p0 $0x780;
	[sflag:s5] =	ssyncadd.s32 @!p0 $0xFFFFFFC0;
	s5 =	simm.s32 @!p0 $0x40  }
0x145: {  	[tilespmem:s18], [sflag:$0x10] =	stream.indirect.gather @!p0 [hbm4b:s3+s5], $0x80, s31, s5, $0xb8;
	[tilespmem:$0x1E780] =	vst v63  }
0x146: {  	s18 =	simm.s32 @!p0 $0x12  }
0x147: {  	_ =	swait.ge @!p0 [sflag:s18], $0x2000  }
0x148: {  	[sflag:s18] =	ssyncset.done @!p0 $0x0  }
0x149: {  	[sflag:s18] =	ssyncadd.s32 @!p0 $0xFFFFE000;
	s18 =	simm.s32 @!p0 $0xD  }
0x14a: {  	_ =	swait.ge @!p0 [sflag:s18], $0x40  }
0x14b: {  	[sflag:s18] =	ssyncset.done @!p0 $0x0  }
0x14c: {  	s16 =	simm.s32 @!p0 $0x4780;
	[sflag:s18] =	ssyncadd.s32 @!p0 $0xFFFFFFC0;
	s18 =	simm.s32 @!p0 $0x600  }
0x14d: {  	[spmem:s4] =	stream.indirect.scatter.add.f32 @!p0 [tilespmem:s16], [sflag:$0x17], $0x80, s18, s5, $0xb8;
	[tilespmem:$0x1E780] =	vst v63  }
0x14e: {  	s16 =	rddreg [dreg:$0x18]  }
0x14f: {  	s18 =	simm.s32 @!p0 $0x100;
	s16 =	sadd.s32 @!p0 s15, s16  }
0x150: {  	[tilespmem:s18], [sflag:$0x3] =	stream.linear.gather @!p0 [hbm4b:s16+s31], $0x40, $0x38;
	[tilespmem:$0x1E780] =	vst v63  }
0x151: {  	s16 =	rddreg [dreg:$0x17]  }
0x152: {  	s18 =	simm.s32 @!p0 $0x380;
	s16 =	sadd.s32 @!p0 s15, s16  }
0x153: {  	[tilespmem:s18], [sflag:$0x8] =	stream.linear.gather @!p0 [hbm4b:s16+s31], $0x40, $0x38;
	[tilespmem:$0x1E780] =	vst v63  }
0x154: {  	s16 =	simm.s32 @!p0 $0x16  }
0x155: {  	_ =	swait.ge @!p0 [sflag:s16], $0x2000  }
0x156: {  	[sflag:s16] =	ssyncset.done @!p0 $0x0  }
0x157: {  	[sflag:s16] =	ssyncadd.s32 @!p0 $0xFFFFE000;
	s16 =	simm.s32 @!p0 $0x2  }
0x158: {  	_ =	swait.ge @!p0 [sflag:s16], $0x40  }
0x159: {  	[sflag:s16] =	ssyncset.done @!p0 $0x0  }
0x15a: {  	[sflag:s16] =	ssyncadd.s32 @!p0 $0xFFFFFFC0;
	s16 =	simm.s32 @!p0 $0x2780  }
0x15b: {  	[tilespmem:s16], [sflag:$0x11] =	stream.indirect.gather @!p0 [hbm4b:s3+s5], $0x80, s6, s5, $0xb8;
	[tilespmem:$0x1E780] =	vst v63  }
0x15c: {  	_ =	swait.ge [sflag:s8], $0x2000  }
0x15d: {  	s1 =	simm.s32 $0x100;
	[sflag:s8] =	ssyncset.done $0x0  }
0x15e: {  	s2 =	simm.s32 $0x400;
	s31 =	simm.s32 $0xE;
	[sflag:s8] =	ssyncadd.s32 $0xFFFFE000  }
.Ltmp3:
0x15f: {  	s14 =	simm.s32 $0x180;
	_ =	swait.ge [sflag:s31], $0x40;
	(pc) =	sbr.rel @p0 .LBB2_6-.Ltmp3, $4  }
0x160: {  	s11 =	simm.s32 $0x480;
	s13 =	simm.s32 $0x700;
	[sflag:s31] =	ssyncset.done $0x0  }
0x161: {  	s22 =	simm.s32 $0x3;
	s24 =	simm.s32 $0x4;
	[sflag:s31] =	ssyncadd.s32 $0xFFFFFFC0  }
0x162: {  	[spmem:s4] =	stream.indirect.scatter.add.f32 [tilespmem:s29], [sflag:$0x18], $0x80, s21, s17, $0xb8;
	[tilespmem:$0x1E780] =	vst v63  }
0x163: {  	s19 =	simm.s32 $0x2780;
	s25 =	simm.s32 $0x4780;
	s21 =	simm.s32 $0x6780  }
0x164: {  	s5 =	rddreg [dreg:$0x16]  }
0x165: {  	s18 =	rddreg [dreg:$0x15];
	s5 =	sadd.s32 s15, s5  }
0x166: {  	[tilespmem:s14], [sflag:$0x4] =	stream.linear.gather [hbm4b:s5+s0], $0x40, $0x38;
	[tilespmem:$0x1E780] =	vst v63  }
0x167: {  	s5 =	sadd.s32 s15, s18  }
0x168: {  	[tilespmem:s2], [sflag:$0x9] =	stream.linear.gather [hbm4b:s5+s0], $0x40, $0x38;
	[tilespmem:$0x1E780] =	vst v63  }
0x169: {  	_ =	swait.ge [sflag:s9], $0x2000  }
0x16a: {  	[sflag:s9] =	ssyncset.done $0x0  }
0x16b: {  	[sflag:s9] =	ssyncadd.s32 $0xFFFFE000  }
0x16c: {  	_ =	swait.ge [sflag:s22], $0x40  }
0x16d: {  	[sflag:s22] =	ssyncset.done $0x0  }
0x16e: {  	[sflag:s22] =	ssyncadd.s32 $0xFFFFFFC0  }
0x16f: {  	[tilespmem:s25], [sflag:$0x12] =	stream.indirect.gather [hbm4b:s3+s17], $0x80, s1, s17, $0xb8;
	[tilespmem:$0x1E780] =	vst v63  }
0x170: {  	_ =	swait.ge [sflag:s26], $0x2000  }
0x171: {  	[sflag:s26] =	ssyncset.done $0x0  }
0x172: {  	s19 =	simm.s32 $0xF;
	[sflag:s26] =	ssyncadd.s32 $0xFFFFE000  }
0x173: {  	_ =	swait.ge [sflag:s19], $0x40  }
0x174: {  	[sflag:s19] =	ssyncset.done $0x0  }
0x175: {  	s22 =	rddreg [dreg:$0x14];
	[sflag:s19] =	ssyncadd.s32 $0xFFFFFFC0  }
0x176: {  	[spmem:s4] =	stream.indirect.scatter.add.f32 [tilespmem:s20], [sflag:$0x19], $0x80, s13, s17, $0xb8;
	[tilespmem:$0x1E780] =	vst v63  }
0x177: {  	s25 =	rddreg [dreg:$0x13];
	s5 =	sadd.s32 s15, s22  }
0x178: {  	[tilespmem:s23], [sflag:$0x5] =	stream.linear.gather [hbm4b:s5+s0], $0x40, $0x38;
	[tilespmem:$0x1E780] =	vst v63  }
0x179: {  	s5 =	sadd.s32 s15, s25  }
0x17a: {  	[tilespmem:s11], [sflag:$0xA] =	stream.linear.gather [hbm4b:s5+s0], $0x40, $0x38;
	[tilespmem:$0x1E780] =	vst v63  }
0x17b: {  	_ =	swait.ge [sflag:s10], $0x2000  }
0x17c: {  	s31 =	simm.s32 $0x180;
	[sflag:s10] =	ssyncset.done $0x0  }
0x17d: {  	s7 =	simm.s32 $0x200;
	s12 =	simm.s32 $0x8780;
	[sflag:s10] =	ssyncadd.s32 $0xFFFFE000  }
.Ltmp4:
0x17e: {  	s18 =	simm.s32 $0x100;
	_ =	swait.ge [sflag:s24], $0x40;
	(pc) =	sbr.rel .LBB2_4-.Ltmp4, $4  }
0x17f: {  	s2 =	simm.s32 $0x400;
	s19 =	simm.s32 $0x4780;
	[sflag:s24] =	ssyncset.done $0x0  }
0x180: {  	s22 =	simm.s32 $0x4;
	s13 =	simm.s32 $0x700;
	[sflag:s24] =	ssyncadd.s32 $0xFFFFFFC0  }
0x181: {  	[tilespmem:s21], [sflag:$0x13] =	stream.indirect.gather [hbm4b:s3+s17], $0x80, s14, s17, $0xb8;
	[tilespmem:$0x1E780] =	vst v63  }
0x182: {  	s15 =	sadd.s32 $0x50, s15;
	s11 =	simm.s32 $0x480;
	s14 =	simm.s32 $0x3  }
.LBB2_7:
0x183: {  	_ =	sfence.sel $0x180000  }
0x184: {  	[bflag:$0x0] =	sbarrier.arrive $0xFFFF  }
0x185: {  	_ =	strace $0x9000004A  }
0x186: {  	s0 =	stileid.u32;
	[bflag:$0x2] =	sbarrier.arrive $0xFFFF  }
0x187: {  	p0 =	sne.s32 s0, $0x0;
	s0 =	rddreg [dreg:$0x3]  }
0x188: {  	s0 =	sadd.s32 @!p0 $0x100000, s0  }
0x189: {  	[sflag:s0] =	ssyncadd.tile.s32 @!p0 $0x1;
	_ =	shalt  }
.Lfunc_end2:
_tile_overlayer_lowered:
.L_overlay_start_2:
0x18a: {  	(tag) =	ssettag $0x2  }
0x18b: {  	s0 =	rddreg [dreg:$0x0];
	s2 =	stileid.u32  }
0x18c: {  	s1 =	rddreg [dreg:$0x1];
	p0 =	sne.s32 s2, $0x0  }
0x18d: {  	s3 =	rddreg [dreg:$0x2];
	[bflag:$0x3] =	sbarrier.arrive $0xFFFF;
	s2 =	simm.s32 @!p0 $0x1C1A  }
0x18e: {  	[timem:s3], [sflag:s2] =	dma.local @!p0 [hbm:s0], s1  }
0x18f: {  	s0 =	simm.s32 @!p0 $0x1A  }
0x190: {  	_ =	swait.ge @!p0 [sflag:s0], s1  }
0x191: {  	s1 =	ssub.s32 @!p0 $0x0, s1;
	[sflag:s0] =	ssyncset.done @!p0 $0x0  }
0x192: {  	[sflag:s0] =	ssyncadd.s32 @!p0 s1  }
0x193: {  	[bflag:$0x3] =	sbarrier.arrive $0xFFFF  }
0x194: {  	_ =	shalt  }

</sc_bundles>
